<compile_context>
chip_gen: v7x
topology: tpu7x:2x2x1
jax: 0.10.2.dev20260603
libtpu: 0.0.44.dev20260713+nightly
codegen_flags: <defaults>
</compile_context>

<pallas_src>
import functools
import math

import jax
import jax.numpy as jnp
from jax import lax
from jax.experimental import pallas as pl
from jax.experimental.pallas import tpu as pltpu
from jax.experimental.pallas import tpu_sc as plsc

EMB = 64
SCALE = math.sqrt(EMB)

NC = 2
NS = 16
NW = NC * NS

CHUNK = 128
TRP = 130
NBUF = 4
LANE = 16

ET = EMB // 8


@functools.partial(jax.jit, static_argnames=("n_chunks", "n_pos"))
def _sc_gather(idx3, table, *, n_chunks, n_pos):
    assert n_chunks % NBUF == 0 and n_chunks >= 2 * NBUF
    b_total = NW * n_chunks * CHUNK
    n_seq = b_total // n_pos
    chunks_per_pos = n_seq // CHUNK
    mesh = plsc.VectorSubcoreMesh(core_axis_name="c", subcore_axis_name="s")

    @functools.partial(
        pl.kernel,
        out_type=jax.ShapeDtypeStruct(
            (n_pos, ET, chunks_per_pos, 8, CHUNK), jnp.float32),
        mesh=mesh,
        scratch_types=(
            [pltpu.VMEM((n_chunks, CHUNK), jnp.int32),
             pltpu.VMEM((NBUF, CHUNK, EMB), jnp.float32),
             pltpu.VMEM((NBUF, ET, 8, TRP), jnp.float32)]
            + [pltpu.SemaphoreType.DMA] * (2 * NBUF)
        ),
        compiler_params=pltpu.CompilerParams(use_tc_tiling_on_sc=False,
                                             needs_layout_passes=False),
    )
    def k(idx_hbm, tab_hbm, out_hbm, idx_v, rows_v, tr_v, *sems):
        gsems, osems = sems[:NBUF], sems[NBUF:]
        wid = lax.axis_index("s") * NC + lax.axis_index("c")
        pltpu.sync_copy(idx_hbm.at[wid], idx_v)

        iota = lax.iota(jnp.int32, LANE)
        row_idx = [iota + lb * LANE for lb in range(CHUNK // LANE)]

        def start_gather(j, b):
            pltpu.async_copy(tab_hbm.at[idx_v.at[j]], rows_v.at[b], gsems[b])

        def wait_gather(b):
            pltpu.make_async_copy(
                tab_hbm.at[idx_v.at[0]], rows_v.at[b], gsems[b]).wait()

        def start_out(j, b):
            c = wid * n_chunks + j
            p = c // chunks_per_pos
            st = c % chunks_per_pos
            pltpu.async_copy(
                tr_v.at[b, :, :, pl.ds(0, CHUNK)],
                out_hbm.at[p, :, st, :, :], osems[b])

        def wait_out(b):
            pltpu.make_async_copy(
                tr_v.at[b, :, :, pl.ds(0, CHUNK)],
                out_hbm.at[0, :, 0, :, :], osems[b]).wait()

        n_lb = CHUNK // LANE

        def transpose_chunk(b):
            rows = rows_v.at[b]
            tr = tr_v.at[b]

            @plsc.parallel_loop(0, EMB, 1, unroll=2)
            def _t(e):
                emod = (e + iota) & (EMB - 1)
                et = emod // 8
                es = emod & 7
                for lb in range(n_lb):
                    val = plsc.load_gather(rows, [row_idx[lb], emod])
                    plsc.store_scatter(tr, [et, es, row_idx[lb]],
                                       val * SCALE)

        for b in range(NBUF):
            start_gather(b, b)

        @pl.loop(0, n_chunks, step=NBUF)
        def _blk(j0):
            for i in range(NBUF):
                j = j0 + i
                wait_gather(i)

                @pl.when(j >= NBUF)
                def _w():
                    wait_out(i)

                transpose_chunk(i)
                start_out(j, i)

                @pl.when(j + NBUF < n_chunks)
                def _g():
                    start_gather(j + NBUF, i)

        for b in range(NBUF):
            wait_out(b)

    return k(idx3, table)


def kernel(tokens, table):
    s, p = tokens.shape
    b_total = s * p
    n_chunks = b_total // (NW * CHUNK)
    idx3 = tokens.T.reshape(NW, n_chunks, CHUNK).astype(jnp.int32)
    out5 = _sc_gather(idx3, table, n_chunks=n_chunks, n_pos=p)
    return out5.transpose(2, 4, 0, 1, 3).reshape(s, p, EMB)

# --- scband reference (transcript-rebuilt; emitter-appended) ---
"""Pipeline reference for scband-token-embedding-3307124818382 (READ-ONLY COPY).

The authoritative reference and input builder live on the scoring server;
editing this copy changes nothing except your own understanding.
"""

import jax, jax.numpy as jnp
import numpy as np
import math

VOCAB = 100000
EMB = 64

def setup_inputs(seed: int = 0) -> dict:
    key = jax.random.key(seed)
    k_tok, k_tab = jax.random.split(key)
    tokens = jax.random.randint(k_tok, (4096, 200), 0, VOCAB, dtype=jnp.int64 if jax.config.jax_enable_x64 else jnp.int32)
    table = jax.random.normal(k_tab, (VOCAB, EMB), dtype=jnp.float32)
    return {"tokens": tokens, "table": table}

def reference(tokens, table):
    # TokenEmbedding.forward: embedding(tokens.long()) * sqrt(emb_size)
    emb = jnp.take(table, tokens, axis=0)
    return emb * math.sqrt(EMB)

if __name__ == "__main__":
    import jax
    _d = setup_inputs()
    print(jax.jit(kernel)(*tuple(_d.values())))

</pallas_src>

<mosaic_0001>
#map = affine_map<(d0, d1) -> (0, 0, 0)>
#map1 = affine_map<(d0, d1) -> (0, 0)>
#map2 = affine_map<(d0, d1) -> (0, 0, 0, 0, 0)>
module attributes {stable_mosaic.version = 14 : i64} {
  func.func @k(%arg0: i32, %arg1: i32, %arg2: memref<32x200x128xi32, #tpu.memory_space<hbm>>, %arg3: memref<100000x64xf32, #tpu.memory_space<hbm>>, %arg4: memref<200x8x32x8x128xf32, #tpu.memory_space<hbm>>, %arg5: memref<200x128xi32, #tpu.memory_space<vmem>>, %arg6: memref<4x128x64xf32, #tpu.memory_space<vmem>>, %arg7: memref<4x8x8x130xf32, #tpu.memory_space<vmem>>, %arg8: memref<!tpu.dma_semaphore, #tpu.memory_space<semaphore_mem>>, %arg9: memref<!tpu.dma_semaphore, #tpu.memory_space<semaphore_mem>>, %arg10: memref<!tpu.dma_semaphore, #tpu.memory_space<semaphore_mem>>, %arg11: memref<!tpu.dma_semaphore, #tpu.memory_space<semaphore_mem>>, %arg12: memref<!tpu.dma_semaphore, #tpu.memory_space<semaphore_mem>>, %arg13: memref<!tpu.dma_semaphore, #tpu.memory_space<semaphore_mem>>, %arg14: memref<!tpu.dma_semaphore, #tpu.memory_space<semaphore_mem>>, %arg15: memref<!tpu.dma_semaphore, #tpu.memory_space<semaphore_mem>>) attributes {dimension_semantics = [#tpu.dimension_semantics<core_parallel>, #tpu.dimension_semantics<subcore_parallel>], iteration_bounds = array<i64: 2, 16>, scalar_prefetch = 0 : i64, scratch_operands = 11 : i64, tpu.core_type = #tpu.core_type<sc_vector_subcore>, window_params = [{transform_indices = #map}, {transform_indices = #map1}, {transform_indices = #map2}]} {
    %mul3A = arith.constant 2 : i32
    %mul3A_0 = arith.muli %arg1, %mul3A : i32
    %add3A = arith.addi %mul3A_0, %arg0 : i32
    "tpu.region"() ({
      %run_scoped3A = tpu.sem_alloc : memref<!tpu.dma_semaphore, #tpu.memory_space<semaphore_mem>>
      %dma_start3A_167 = arith.constant 0 : i32
      %dma_start3A_168 = arith.constant 0 : i32
      %dma_start3A_169 = tpu.memref_slice %arg2[%add3A, %dma_start3A_167, %dma_start3A_168] : memref<32x200x128xi32, #tpu.memory_space<hbm>> -> memref<1x200x128xi32, #tpu.memory_space<hbm>>
      %dma_start3A_170 = tpu.memref_squeeze %dma_start3A_169 : memref<1x200x128xi32, #tpu.memory_space<hbm>> -> memref<200x128xi32, #tpu.memory_space<hbm>>
      %dma_start3A_171 = arith.constant 0 : i32
      %dma_start3A_172 = arith.constant 0 : i32
      %dma_start3A_173 = tpu.memref_slice %arg2[%add3A, %dma_start3A_171, %dma_start3A_172] : memref<32x200x128xi32, #tpu.memory_space<hbm>> -> memref<1x200x128xi32, #tpu.memory_space<hbm>>
      %dma_start3A_174 = tpu.memref_squeeze %dma_start3A_173 : memref<1x200x128xi32, #tpu.memory_space<hbm>> -> memref<200x128xi32, #tpu.memory_space<hbm>>
      tpu.enqueue_dma source(%dma_start3A_174 : memref<200x128xi32, #tpu.memory_space<hbm>>) target(%arg5 : memref<200x128xi32, #tpu.memory_space<vmem>>) target_semaphore(%run_scoped3A : memref<!tpu.dma_semaphore, #tpu.memory_space<semaphore_mem>>)
      %dma_wait3A_175 = arith.constant 0 : i32
      %dma_wait3A_176 = arith.constant 0 : i32
      %dma_wait3A_177 = tpu.memref_slice %arg2[%add3A, %dma_wait3A_175, %dma_wait3A_176] : memref<32x200x128xi32, #tpu.memory_space<hbm>> -> memref<1x200x128xi32, #tpu.memory_space<hbm>>
      %dma_wait3A_178 = tpu.memref_squeeze %dma_wait3A_177 : memref<1x200x128xi32, #tpu.memory_space<hbm>> -> memref<200x128xi32, #tpu.memory_space<hbm>>
      %dma_wait3A_179 = arith.constant 0 : i32
      %dma_wait3A_180 = arith.constant 0 : i32
      %dma_wait3A_181 = tpu.memref_slice %arg2[%add3A, %dma_wait3A_179, %dma_wait3A_180] : memref<32x200x128xi32, #tpu.memory_space<hbm>> -> memref<1x200x128xi32, #tpu.memory_space<hbm>>
      %dma_wait3A_182 = tpu.memref_squeeze %dma_wait3A_181 : memref<1x200x128xi32, #tpu.memory_space<hbm>> -> memref<200x128xi32, #tpu.memory_space<hbm>>
      tpu.wait_dma2 semaphore(%run_scoped3A : memref<!tpu.dma_semaphore, #tpu.memory_space<semaphore_mem>>) src(%dma_wait3A_182 : memref<200x128xi32, #tpu.memory_space<hbm>>) dst(%arg5 : memref<200x128xi32, #tpu.memory_space<vmem>>)
      tpu.yield
    }) : () -> ()
    %iota3A = tpu.iota {dimensions = array<i32: 0>} : vector<16xi32>
    %add3A_1 = arith.constant 0 : i32
    %add3A_2 = vector.broadcast %add3A_1 : i32 to vector<16xi32>
    %add3A_3 = arith.addi %iota3A, %add3A_2 : vector<16xi32>
    %add3A_4 = arith.constant 16 : i32
    %add3A_5 = vector.broadcast %add3A_4 : i32 to vector<16xi32>
    %add3A_6 = arith.addi %iota3A, %add3A_5 : vector<16xi32>
    %add3A_7 = arith.constant 32 : i32
    %add3A_8 = vector.broadcast %add3A_7 : i32 to vector<16xi32>
    %add3A_9 = arith.addi %iota3A, %add3A_8 : vector<16xi32>
    %add3A_10 = arith.constant 48 : i32
    %add3A_11 = vector.broadcast %add3A_10 : i32 to vector<16xi32>
    %add3A_12 = arith.addi %iota3A, %add3A_11 : vector<16xi32>
    %add3A_13 = arith.constant 64 : i32
    %add3A_14 = vector.broadcast %add3A_13 : i32 to vector<16xi32>
    %add3A_15 = arith.addi %iota3A, %add3A_14 : vector<16xi32>
    %add3A_16 = arith.constant 80 : i32
    %add3A_17 = vector.broadcast %add3A_16 : i32 to vector<16xi32>
    %add3A_18 = arith.addi %iota3A, %add3A_17 : vector<16xi32>
    %add3A_19 = arith.constant 96 : i32
    %add3A_20 = vector.broadcast %add3A_19 : i32 to vector<16xi32>
    %add3A_21 = arith.addi %iota3A, %add3A_20 : vector<16xi32>
    %add3A_22 = arith.constant 112 : i32
    %add3A_23 = vector.broadcast %add3A_22 : i32 to vector<16xi32>
    %add3A_24 = arith.addi %iota3A, %add3A_23 : vector<16xi32>
    %dma_start3A = arith.constant 0 : i32
    %dma_start3A_25 = arith.constant 0 : i32
    %dma_start3A_26 = arith.constant 0 : i32
    %dma_start3A_27 = arith.constant 0 : i32
    %dma_start3A_28 = tpu.memref_slice %arg6[%dma_start3A_25, %dma_start3A_26, %dma_start3A_27] : memref<4x128x64xf32, #tpu.memory_space<vmem>> -> memref<1x128x64xf32, #tpu.memory_space<vmem>>
    %dma_start3A_29 = tpu.memref_squeeze %dma_start3A_28 : memref<1x128x64xf32, #tpu.memory_space<vmem>> -> memref<128x64xf32, #tpu.memory_space<vmem>>
    %dma_start3A_30 = arith.constant 0 : i32
    %dma_start3A_31 = tpu.memref_slice %arg5[%dma_start3A, %dma_start3A_30] : memref<200x128xi32, #tpu.memory_space<vmem>> -> memref<1x128xi32, #tpu.memory_space<vmem>>
    %dma_start3A_32 = tpu.memref_squeeze %dma_start3A_31 : memref<1x128xi32, #tpu.memory_space<vmem>> -> memref<128xi32, #tpu.memory_space<vmem>>
    %dma_start3A_33 = arith.constant 0 : i32
    %dma_start3A_34 = arith.constant 0 : i32
    %dma_start3A_35 = tpu.memref_slice %arg3[%dma_start3A_33, %dma_start3A_34] : memref<100000x64xf32, #tpu.memory_space<hbm>> -> memref<100000x64xf32, #tpu.memory_space<hbm>>
    tpu.enqueue_indirect_dma source(%dma_start3A_35 : memref<100000x64xf32, #tpu.memory_space<hbm>>) target(%dma_start3A_29 : memref<128x64xf32, #tpu.memory_space<vmem>>) offsets(%dma_start3A_32 : memref<128xi32, #tpu.memory_space<vmem>>) semaphore(%arg8 : memref<!tpu.dma_semaphore, #tpu.memory_space<semaphore_mem>>)
    %dma_start3A_36 = arith.constant 1 : i32
    %dma_start3A_37 = arith.constant 1 : i32
    %dma_start3A_38 = arith.constant 0 : i32
    %dma_start3A_39 = arith.constant 0 : i32
    %dma_start3A_40 = tpu.memref_slice %arg6[%dma_start3A_37, %dma_start3A_38, %dma_start3A_39] : memref<4x128x64xf32, #tpu.memory_space<vmem>> -> memref<1x128x64xf32, #tpu.memory_space<vmem>>
    %dma_start3A_41 = tpu.memref_squeeze %dma_start3A_40 : memref<1x128x64xf32, #tpu.memory_space<vmem>> -> memref<128x64xf32, #tpu.memory_space<vmem>>
    %dma_start3A_42 = arith.constant 0 : i32
    %dma_start3A_43 = tpu.memref_slice %arg5[%dma_start3A_36, %dma_start3A_42] : memref<200x128xi32, #tpu.memory_space<vmem>> -> memref<1x128xi32, #tpu.memory_space<vmem>>
    %dma_start3A_44 = tpu.memref_squeeze %dma_start3A_43 : memref<1x128xi32, #tpu.memory_space<vmem>> -> memref<128xi32, #tpu.memory_space<vmem>>
    %dma_start3A_45 = arith.constant 0 : i32
    %dma_start3A_46 = arith.constant 0 : i32
    %dma_start3A_47 = tpu.memref_slice %arg3[%dma_start3A_45, %dma_start3A_46] : memref<100000x64xf32, #tpu.memory_space<hbm>> -> memref<100000x64xf32, #tpu.memory_space<hbm>>
    tpu.enqueue_indirect_dma source(%dma_start3A_47 : memref<100000x64xf32, #tpu.memory_space<hbm>>) target(%dma_start3A_41 : memref<128x64xf32, #tpu.memory_space<vmem>>) offsets(%dma_start3A_44 : memref<128xi32, #tpu.memory_space<vmem>>) semaphore(%arg9 : memref<!tpu.dma_semaphore, #tpu.memory_space<semaphore_mem>>)
    %dma_start3A_48 = arith.constant 2 : i32
    %dma_start3A_49 = arith.constant 2 : i32
    %dma_start3A_50 = arith.constant 0 : i32
    %dma_start3A_51 = arith.constant 0 : i32
    %dma_start3A_52 = tpu.memref_slice %arg6[%dma_start3A_49, %dma_start3A_50, %dma_start3A_51] : memref<4x128x64xf32, #tpu.memory_space<vmem>> -> memref<1x128x64xf32, #tpu.memory_space<vmem>>
    %dma_start3A_53 = tpu.memref_squeeze %dma_start3A_52 : memref<1x128x64xf32, #tpu.memory_space<vmem>> -> memref<128x64xf32, #tpu.memory_space<vmem>>
    %dma_start3A_54 = arith.constant 0 : i32
    %dma_start3A_55 = tpu.memref_slice %arg5[%dma_start3A_48, %dma_start3A_54] : memref<200x128xi32, #tpu.memory_space<vmem>> -> memref<1x128xi32, #tpu.memory_space<vmem>>
    %dma_start3A_56 = tpu.memref_squeeze %dma_start3A_55 : memref<1x128xi32, #tpu.memory_space<vmem>> -> memref<128xi32, #tpu.memory_space<vmem>>
    %dma_start3A_57 = arith.constant 0 : i32
    %dma_start3A_58 = arith.constant 0 : i32
    %dma_start3A_59 = tpu.memref_slice %arg3[%dma_start3A_57, %dma_start3A_58] : memref<100000x64xf32, #tpu.memory_space<hbm>> -> memref<100000x64xf32, #tpu.memory_space<hbm>>
    tpu.enqueue_indirect_dma source(%dma_start3A_59 : memref<100000x64xf32, #tpu.memory_space<hbm>>) target(%dma_start3A_53 : memref<128x64xf32, #tpu.memory_space<vmem>>) offsets(%dma_start3A_56 : memref<128xi32, #tpu.memory_space<vmem>>) semaphore(%arg10 : memref<!tpu.dma_semaphore, #tpu.memory_space<semaphore_mem>>)
    %dma_start3A_60 = arith.constant 3 : i32
    %dma_start3A_61 = arith.constant 3 : i32
    %dma_start3A_62 = arith.constant 0 : i32
    %dma_start3A_63 = arith.constant 0 : i32
    %dma_start3A_64 = tpu.memref_slice %arg6[%dma_start3A_61, %dma_start3A_62, %dma_start3A_63] : memref<4x128x64xf32, #tpu.memory_space<vmem>> -> memref<1x128x64xf32, #tpu.memory_space<vmem>>
    %dma_start3A_65 = tpu.memref_squeeze %dma_start3A_64 : memref<1x128x64xf32, #tpu.memory_space<vmem>> -> memref<128x64xf32, #tpu.memory_space<vmem>>
    %dma_start3A_66 = arith.constant 0 : i32
    %dma_start3A_67 = tpu.memref_slice %arg5[%dma_start3A_60, %dma_start3A_66] : memref<200x128xi32, #tpu.memory_space<vmem>> -> memref<1x128xi32, #tpu.memory_space<vmem>>
    %dma_start3A_68 = tpu.memref_squeeze %dma_start3A_67 : memref<1x128xi32, #tpu.memory_space<vmem>> -> memref<128xi32, #tpu.memory_space<vmem>>
    %dma_start3A_69 = arith.constant 0 : i32
    %dma_start3A_70 = arith.constant 0 : i32
    %dma_start3A_71 = tpu.memref_slice %arg3[%dma_start3A_69, %dma_start3A_70] : memref<100000x64xf32, #tpu.memory_space<hbm>> -> memref<100000x64xf32, #tpu.memory_space<hbm>>
    tpu.enqueue_indirect_dma source(%dma_start3A_71 : memref<100000x64xf32, #tpu.memory_space<hbm>>) target(%dma_start3A_65 : memref<128x64xf32, #tpu.memory_space<vmem>>) offsets(%dma_start3A_68 : memref<128xi32, #tpu.memory_space<vmem>>) semaphore(%arg11 : memref<!tpu.dma_semaphore, #tpu.memory_space<semaphore_mem>>)
    %scan3A = arith.constant 0 : i32
    %scan3A_72 = arith.constant 50 : i32
    %scan3A_73 = arith.addi %scan3A, %scan3A_72 : i32
    %scan3A_74 = arith.constant 1 : i32
    scf.for %scan3A_167 = %scan3A to %scan3A_73 step %scan3A_74  : i32 {
      %mul3A_168 = arith.constant 4 : i32
      %mul3A_169 = arith.muli %scan3A_167, %mul3A_168 : i32
      %add3A_170 = arith.constant 0 : i32
      %add3A_171 = arith.addi %add3A_170, %mul3A_169 : i32
      %add3A_172 = arith.constant 0 : i32
      %add3A_173 = arith.addi %add3A_171, %add3A_172 : i32
      %dma_wait3A_174 = arith.constant 0 : i32
      %dma_wait3A_175 = arith.constant 0 : i32
      %dma_wait3A_176 = arith.constant 0 : i32
      %dma_wait3A_177 = arith.constant 0 : i32
      %dma_wait3A_178 = tpu.memref_slice %arg6[%dma_wait3A_175, %dma_wait3A_176, %dma_wait3A_177] : memref<4x128x64xf32, #tpu.memory_space<vmem>> -> memref<1x128x64xf32, #tpu.memory_space<vmem>>
      %dma_wait3A_179 = tpu.memref_squeeze %dma_wait3A_178 : memref<1x128x64xf32, #tpu.memory_space<vmem>> -> memref<128x64xf32, #tpu.memory_space<vmem>>
      %dma_wait3A_180 = arith.constant 0 : i32
      %dma_wait3A_181 = tpu.memref_slice %arg5[%dma_wait3A_174, %dma_wait3A_180] : memref<200x128xi32, #tpu.memory_space<vmem>> -> memref<1x128xi32, #tpu.memory_space<vmem>>
      %dma_wait3A_182 = tpu.memref_squeeze %dma_wait3A_181 : memref<1x128xi32, #tpu.memory_space<vmem>> -> memref<128xi32, #tpu.memory_space<vmem>>
      %dma_wait3A_183 = arith.constant 0 : i32
      %dma_wait3A_184 = arith.constant 0 : i32
      %dma_wait3A_185 = tpu.memref_slice %arg3[%dma_wait3A_183, %dma_wait3A_184] : memref<100000x64xf32, #tpu.memory_space<hbm>> -> memref<100000x64xf32, #tpu.memory_space<hbm>>
      tpu.wait_indirect_dma semaphore(%arg8 : memref<!tpu.dma_semaphore, #tpu.memory_space<semaphore_mem>>) src(%dma_wait3A_185 : memref<100000x64xf32, #tpu.memory_space<hbm>>) dst(%dma_wait3A_179 : memref<128x64xf32, #tpu.memory_space<vmem>>)
      %ge3A = arith.constant 4 : i32
      %ge3A_186 = arith.cmpi sge, %add3A_173, %ge3A : i32
      %convert_element_type3A = arith.extui %ge3A_186 : i1 to i32
      %cond3A = arith.constant 0 : i32
      %cond3A_187 = arith.cmpi ne, %convert_element_type3A, %cond3A : i32
      scf.if %cond3A_187 {
        %dma_wait3A_538 = arith.constant 0 : i32
        %dma_wait3A_539 = arith.constant 0 : i32
        %dma_wait3A_540 = arith.constant 0 : i32
        %dma_wait3A_541 = arith.constant 0 : i32
        %dma_wait3A_542 = arith.constant 0 : i32
        %dma_wait3A_543 = arith.constant 0 : i32
        %dma_wait3A_544 = tpu.memref_slice %arg7[%dma_wait3A_538, %dma_wait3A_541, %dma_wait3A_542, %dma_wait3A_543] : memref<4x8x8x130xf32, #tpu.memory_space<vmem>> -> memref<1x8x8x128xf32, #tpu.memory_space<vmem>>
        %dma_wait3A_545 = tpu.memref_squeeze %dma_wait3A_544 : memref<1x8x8x128xf32, #tpu.memory_space<vmem>> -> memref<8x8x128xf32, #tpu.memory_space<vmem>>
        %dma_wait3A_546 = arith.constant 0 : i32
        %dma_wait3A_547 = arith.constant 0 : i32
        %dma_wait3A_548 = arith.constant 0 : i32
        %dma_wait3A_549 = tpu.memref_slice %arg4[%dma_wait3A_539, %dma_wait3A_546, %dma_wait3A_540, %dma_wait3A_547, %dma_wait3A_548] : memref<200x8x32x8x128xf32, #tpu.memory_space<hbm>> -> memref<1x8x1x8x128xf32, #tpu.memory_space<hbm>>
        %dma_wait3A_550 = tpu.memref_squeeze %dma_wait3A_549 : memref<1x8x1x8x128xf32, #tpu.memory_space<hbm>> -> memref<8x8x128xf32, #tpu.memory_space<hbm>>
        %dma_wait3A_551 = arith.constant 0 : i32
        %dma_wait3A_552 = arith.constant 0 : i32
        %dma_wait3A_553 = arith.constant 0 : i32
        %dma_wait3A_554 = tpu.memref_slice %arg4[%dma_wait3A_539, %dma_wait3A_551, %dma_wait3A_540, %dma_wait3A_552, %dma_wait3A_553] : memref<200x8x32x8x128xf32, #tpu.memory_space<hbm>> -> memref<1x8x1x8x128xf32, #tpu.memory_space<hbm>>
        %dma_wait3A_555 = tpu.memref_squeeze %dma_wait3A_554 : memref<1x8x1x8x128xf32, #tpu.memory_space<hbm>> -> memref<8x8x128xf32, #tpu.memory_space<hbm>>
        %dma_wait3A_556 = arith.constant 0 : i32
        %dma_wait3A_557 = arith.constant 0 : i32
        %dma_wait3A_558 = arith.constant 0 : i32
        %dma_wait3A_559 = tpu.memref_slice %arg7[%dma_wait3A_538, %dma_wait3A_556, %dma_wait3A_557, %dma_wait3A_558] : memref<4x8x8x130xf32, #tpu.memory_space<vmem>> -> memref<1x8x8x128xf32, #tpu.memory_space<vmem>>
        %dma_wait3A_560 = tpu.memref_squeeze %dma_wait3A_559 : memref<1x8x8x128xf32, #tpu.memory_space<vmem>> -> memref<8x8x128xf32, #tpu.memory_space<vmem>>
        tpu.wait_dma2 semaphore(%arg12 : memref<!tpu.dma_semaphore, #tpu.memory_space<semaphore_mem>>) src(%dma_wait3A_560 : memref<8x8x128xf32, #tpu.memory_space<vmem>>) dst(%dma_wait3A_555 : memref<8x8x128xf32, #tpu.memory_space<hbm>>)
      } else {
      }
      %parallel_loop3A = arith.constant 0 : i32
      %parallel_loop3A_188 = arith.constant 64 : i32
      %parallel_loop3A_189 = arith.constant 1 : i32
      %parallel_loop3A_190 = arith.constant 0 : i32
      %parallel_loop3A_191 = arith.constant 0 : i32
      scf.for %parallel_loop3A_538 = %parallel_loop3A to %parallel_loop3A_188 step %parallel_loop3A_189  : i32 {
        %parallel_loop3A_539 = vector.broadcast %parallel_loop3A_538 : i32 to vector<16xi32>
        %parallel_loop3A_540 = arith.addi %parallel_loop3A_539, %iota3A : vector<16xi32>
        %parallel_loop3A_541 = arith.constant 63 : i32
        %parallel_loop3A_542 = vector.broadcast %parallel_loop3A_541 : i32 to vector<16xi32>
        %parallel_loop3A_543 = arith.andi %parallel_loop3A_540, %parallel_loop3A_542 : vector<16xi32>
        %parallel_loop3A_544 = arith.constant 8 : i32
        %parallel_loop3A_545 = vector.broadcast %parallel_loop3A_544 : i32 to vector<16xi32>
        %parallel_loop3A_546 = arith.divsi %parallel_loop3A_543, %parallel_loop3A_545 : vector<16xi32>
        %parallel_loop3A_547 = arith.constant 0 : i32
        %parallel_loop3A_548 = vector.broadcast %parallel_loop3A_547 : i32 to vector<16xi32>
        %parallel_loop3A_549 = arith.cmpi sgt, %parallel_loop3A_543, %parallel_loop3A_548 : vector<16xi32>
        %parallel_loop3A_550 = arith.extui %parallel_loop3A_549 : vector<16xi1> to vector<16xi32>
        %parallel_loop3A_551 = arith.constant 0 : i32
        %parallel_loop3A_552 = vector.broadcast %parallel_loop3A_551 : i32 to vector<16xi32>
        %parallel_loop3A_553 = arith.cmpi slt, %parallel_loop3A_543, %parallel_loop3A_552 : vector<16xi32>
        %parallel_loop3A_554 = arith.extui %parallel_loop3A_553 : vector<16xi1> to vector<16xi32>
        %parallel_loop3A_555 = arith.subi %parallel_loop3A_550, %parallel_loop3A_554 : vector<16xi32>
        %parallel_loop3A_556 = arith.constant 0 : i32
        %parallel_loop3A_557 = arith.cmpi sgt, %parallel_loop3A_544, %parallel_loop3A_556 : i32
        %parallel_loop3A_558 = arith.extui %parallel_loop3A_557 : i1 to i32
        %parallel_loop3A_559 = arith.constant 0 : i32
        %parallel_loop3A_560 = arith.cmpi slt, %parallel_loop3A_544, %parallel_loop3A_559 : i32
        %parallel_loop3A_561 = arith.extui %parallel_loop3A_560 : i1 to i32
        %parallel_loop3A_562 = arith.subi %parallel_loop3A_558, %parallel_loop3A_561 : i32
        %parallel_loop3A_563 = vector.broadcast %parallel_loop3A_562 : i32 to vector<16xi32>
        %parallel_loop3A_564 = arith.cmpi ne, %parallel_loop3A_555, %parallel_loop3A_563 : vector<16xi32>
        %parallel_loop3A_565 = vector.broadcast %parallel_loop3A_544 : i32 to vector<16xi32>
        %parallel_loop3A_566 = arith.remsi %parallel_loop3A_543, %parallel_loop3A_565 : vector<16xi32>
        %parallel_loop3A_567 = arith.constant 0 : i32
        %parallel_loop3A_568 = vector.broadcast %parallel_loop3A_567 : i32 to vector<16xi32>
        %parallel_loop3A_569 = arith.cmpi ne, %parallel_loop3A_566, %parallel_loop3A_568 : vector<16xi32>
        %parallel_loop3A_570 = arith.andi %parallel_loop3A_564, %parallel_loop3A_569 : vector<16xi1>
        %parallel_loop3A_571 = arith.constant 1 : i32
        %parallel_loop3A_572 = vector.broadcast %parallel_loop3A_571 : i32 to vector<16xi32>
        %parallel_loop3A_573 = arith.subi %parallel_loop3A_546, %parallel_loop3A_572 : vector<16xi32>
        %parallel_loop3A_574 = arith.select %parallel_loop3A_570, %parallel_loop3A_573, %parallel_loop3A_546 : vector<16xi1>, vector<16xi32>
        %parallel_loop3A_575 = arith.constant 7 : i32
        %parallel_loop3A_576 = vector.broadcast %parallel_loop3A_575 : i32 to vector<16xi32>
        %parallel_loop3A_577 = arith.andi %parallel_loop3A_543, %parallel_loop3A_576 : vector<16xi32>
        %parallel_loop3A_578 = arith.constant 0 : i32
        %parallel_loop3A_579 = arith.constant 0 : i32
        %parallel_loop3A_580 = tpu.memref_slice %arg6[%parallel_loop3A_190, %parallel_loop3A_578, %parallel_loop3A_579] : memref<4x128x64xf32, #tpu.memory_space<vmem>> -> memref<1x128x64xf32, #tpu.memory_space<vmem>>
        %parallel_loop3A_581 = tpu.memref_squeeze %parallel_loop3A_580 : memref<1x128x64xf32, #tpu.memory_space<vmem>> -> memref<128x64xf32, #tpu.memory_space<vmem>>
        %parallel_loop3A_582 = tpu.vector_load_idx %parallel_loop3A_581[%add3A_3, %parallel_loop3A_543] : memref<128x64xf32, #tpu.memory_space<vmem>>[vector<16xi32>, vector<16xi32>], vector<16xf32>,
        %parallel_loop3A_583 = arith.constant 8.000000e+00 : f32
        %parallel_loop3A_584 = vector.broadcast %parallel_loop3A_583 : f32 to vector<16xf32>
        %parallel_loop3A_585 = arith.mulf %parallel_loop3A_582, %parallel_loop3A_584 : vector<16xf32>
        %parallel_loop3A_586 = arith.constant 0 : i32
        %parallel_loop3A_587 = arith.constant 0 : i32
        %parallel_loop3A_588 = arith.constant 0 : i32
        %parallel_loop3A_589 = tpu.memref_slice %arg7[%parallel_loop3A_191, %parallel_loop3A_586, %parallel_loop3A_587, %parallel_loop3A_588] : memref<4x8x8x130xf32, #tpu.memory_space<vmem>> -> memref<1x8x8x130xf32, #tpu.memory_space<vmem>>
        %parallel_loop3A_590 = tpu.memref_squeeze %parallel_loop3A_589 : memref<1x8x8x130xf32, #tpu.memory_space<vmem>> -> memref<8x8x130xf32, #tpu.memory_space<vmem>>
        tpu.vector_store_idx %parallel_loop3A_590[%parallel_loop3A_574, %parallel_loop3A_577, %add3A_3], %parallel_loop3A_585 : memref<8x8x130xf32, #tpu.memory_space<vmem>>[vector<16xi32>, vector<16xi32>, vector<16xi32>], vector<16xf32>,
        %parallel_loop3A_591 = arith.constant 0 : i32
        %parallel_loop3A_592 = arith.constant 0 : i32
        %parallel_loop3A_593 = tpu.memref_slice %arg6[%parallel_loop3A_190, %parallel_loop3A_591, %parallel_loop3A_592] : memref<4x128x64xf32, #tpu.memory_space<vmem>> -> memref<1x128x64xf32, #tpu.memory_space<vmem>>
        %parallel_loop3A_594 = tpu.memref_squeeze %parallel_loop3A_593 : memref<1x128x64xf32, #tpu.memory_space<vmem>> -> memref<128x64xf32, #tpu.memory_space<vmem>>
        %parallel_loop3A_595 = tpu.vector_load_idx %parallel_loop3A_594[%add3A_6, %parallel_loop3A_543] : memref<128x64xf32, #tpu.memory_space<vmem>>[vector<16xi32>, vector<16xi32>], vector<16xf32>,
        %parallel_loop3A_596 = arith.constant 8.000000e+00 : f32
        %parallel_loop3A_597 = vector.broadcast %parallel_loop3A_596 : f32 to vector<16xf32>
        %parallel_loop3A_598 = arith.mulf %parallel_loop3A_595, %parallel_loop3A_597 : vector<16xf32>
        %parallel_loop3A_599 = arith.constant 0 : i32
        %parallel_loop3A_600 = arith.constant 0 : i32
        %parallel_loop3A_601 = arith.constant 0 : i32
        %parallel_loop3A_602 = tpu.memref_slice %arg7[%parallel_loop3A_191, %parallel_loop3A_599, %parallel_loop3A_600, %parallel_loop3A_601] : memref<4x8x8x130xf32, #tpu.memory_space<vmem>> -> memref<1x8x8x130xf32, #tpu.memory_space<vmem>>
        %parallel_loop3A_603 = tpu.memref_squeeze %parallel_loop3A_602 : memref<1x8x8x130xf32, #tpu.memory_space<vmem>> -> memref<8x8x130xf32, #tpu.memory_space<vmem>>
        tpu.vector_store_idx %parallel_loop3A_603[%parallel_loop3A_574, %parallel_loop3A_577, %add3A_6], %parallel_loop3A_598 : memref<8x8x130xf32, #tpu.memory_space<vmem>>[vector<16xi32>, vector<16xi32>, vector<16xi32>], vector<16xf32>,
        %parallel_loop3A_604 = arith.constant 0 : i32
        %parallel_loop3A_605 = arith.constant 0 : i32
        %parallel_loop3A_606 = tpu.memref_slice %arg6[%parallel_loop3A_190, %parallel_loop3A_604, %parallel_loop3A_605] : memref<4x128x64xf32, #tpu.memory_space<vmem>> -> memref<1x128x64xf32, #tpu.memory_space<vmem>>
        %parallel_loop3A_607 = tpu.memref_squeeze %parallel_loop3A_606 : memref<1x128x64xf32, #tpu.memory_space<vmem>> -> memref<128x64xf32, #tpu.memory_space<vmem>>
        %parallel_loop3A_608 = tpu.vector_load_idx %parallel_loop3A_607[%add3A_9, %parallel_loop3A_543] : memref<128x64xf32, #tpu.memory_space<vmem>>[vector<16xi32>, vector<16xi32>], vector<16xf32>,
        %parallel_loop3A_609 = arith.constant 8.000000e+00 : f32
        %parallel_loop3A_610 = vector.broadcast %parallel_loop3A_609 : f32 to vector<16xf32>
        %parallel_loop3A_611 = arith.mulf %parallel_loop3A_608, %parallel_loop3A_610 : vector<16xf32>
        %parallel_loop3A_612 = arith.constant 0 : i32
        %parallel_loop3A_613 = arith.constant 0 : i32
        %parallel_loop3A_614 = arith.constant 0 : i32
        %parallel_loop3A_615 = tpu.memref_slice %arg7[%parallel_loop3A_191, %parallel_loop3A_612, %parallel_loop3A_613, %parallel_loop3A_614] : memref<4x8x8x130xf32, #tpu.memory_space<vmem>> -> memref<1x8x8x130xf32, #tpu.memory_space<vmem>>
        %parallel_loop3A_616 = tpu.memref_squeeze %parallel_loop3A_615 : memref<1x8x8x130xf32, #tpu.memory_space<vmem>> -> memref<8x8x130xf32, #tpu.memory_space<vmem>>
        tpu.vector_store_idx %parallel_loop3A_616[%parallel_loop3A_574, %parallel_loop3A_577, %add3A_9], %parallel_loop3A_611 : memref<8x8x130xf32, #tpu.memory_space<vmem>>[vector<16xi32>, vector<16xi32>, vector<16xi32>], vector<16xf32>,
        %parallel_loop3A_617 = arith.constant 0 : i32
        %parallel_loop3A_618 = arith.constant 0 : i32
        %parallel_loop3A_619 = tpu.memref_slice %arg6[%parallel_loop3A_190, %parallel_loop3A_617, %parallel_loop3A_618] : memref<4x128x64xf32, #tpu.memory_space<vmem>> -> memref<1x128x64xf32, #tpu.memory_space<vmem>>
        %parallel_loop3A_620 = tpu.memref_squeeze %parallel_loop3A_619 : memref<1x128x64xf32, #tpu.memory_space<vmem>> -> memref<128x64xf32, #tpu.memory_space<vmem>>
        %parallel_loop3A_621 = tpu.vector_load_idx %parallel_loop3A_620[%add3A_12, %parallel_loop3A_543] : memref<128x64xf32, #tpu.memory_space<vmem>>[vector<16xi32>, vector<16xi32>], vector<16xf32>,
        %parallel_loop3A_622 = arith.constant 8.000000e+00 : f32
        %parallel_loop3A_623 = vector.broadcast %parallel_loop3A_622 : f32 to vector<16xf32>
        %parallel_loop3A_624 = arith.mulf %parallel_loop3A_621, %parallel_loop3A_623 : vector<16xf32>
        %parallel_loop3A_625 = arith.constant 0 : i32
        %parallel_loop3A_626 = arith.constant 0 : i32
        %parallel_loop3A_627 = arith.constant 0 : i32
        %parallel_loop3A_628 = tpu.memref_slice %arg7[%parallel_loop3A_191, %parallel_loop3A_625, %parallel_loop3A_626, %parallel_loop3A_627] : memref<4x8x8x130xf32, #tpu.memory_space<vmem>> -> memref<1x8x8x130xf32, #tpu.memory_space<vmem>>
        %parallel_loop3A_629 = tpu.memref_squeeze %parallel_loop3A_628 : memref<1x8x8x130xf32, #tpu.memory_space<vmem>> -> memref<8x8x130xf32, #tpu.memory_space<vmem>>
        tpu.vector_store_idx %parallel_loop3A_629[%parallel_loop3A_574, %parallel_loop3A_577, %add3A_12], %parallel_loop3A_624 : memref<8x8x130xf32, #tpu.memory_space<vmem>>[vector<16xi32>, vector<16xi32>, vector<16xi32>], vector<16xf32>,
        %parallel_loop3A_630 = arith.constant 0 : i32
        %parallel_loop3A_631 = arith.constant 0 : i32
        %parallel_loop3A_632 = tpu.memref_slice %arg6[%parallel_loop3A_190, %parallel_loop3A_630, %parallel_loop3A_631] : memref<4x128x64xf32, #tpu.memory_space<vmem>> -> memref<1x128x64xf32, #tpu.memory_space<vmem>>
        %parallel_loop3A_633 = tpu.memref_squeeze %parallel_loop3A_632 : memref<1x128x64xf32, #tpu.memory_space<vmem>> -> memref<128x64xf32, #tpu.memory_space<vmem>>
        %parallel_loop3A_634 = tpu.vector_load_idx %parallel_loop3A_633[%add3A_15, %parallel_loop3A_543] : memref<128x64xf32, #tpu.memory_space<vmem>>[vector<16xi32>, vector<16xi32>], vector<16xf32>,
        %parallel_loop3A_635 = arith.constant 8.000000e+00 : f32
        %parallel_loop3A_636 = vector.broadcast %parallel_loop3A_635 : f32 to vector<16xf32>
        %parallel_loop3A_637 = arith.mulf %parallel_loop3A_634, %parallel_loop3A_636 : vector<16xf32>
        %parallel_loop3A_638 = arith.constant 0 : i32
        %parallel_loop3A_639 = arith.constant 0 : i32
        %parallel_loop3A_640 = arith.constant 0 : i32
        %parallel_loop3A_641 = tpu.memref_slice %arg7[%parallel_loop3A_191, %parallel_loop3A_638, %parallel_loop3A_639, %parallel_loop3A_640] : memref<4x8x8x130xf32, #tpu.memory_space<vmem>> -> memref<1x8x8x130xf32, #tpu.memory_space<vmem>>
        %parallel_loop3A_642 = tpu.memref_squeeze %parallel_loop3A_641 : memref<1x8x8x130xf32, #tpu.memory_space<vmem>> -> memref<8x8x130xf32, #tpu.memory_space<vmem>>
        tpu.vector_store_idx %parallel_loop3A_642[%parallel_loop3A_574, %parallel_loop3A_577, %add3A_15], %parallel_loop3A_637 : memref<8x8x130xf32, #tpu.memory_space<vmem>>[vector<16xi32>, vector<16xi32>, vector<16xi32>], vector<16xf32>,
        %parallel_loop3A_643 = arith.constant 0 : i32
        %parallel_loop3A_644 = arith.constant 0 : i32
        %parallel_loop3A_645 = tpu.memref_slice %arg6[%parallel_loop3A_190, %parallel_loop3A_643, %parallel_loop3A_644] : memref<4x128x64xf32, #tpu.memory_space<vmem>> -> memref<1x128x64xf32, #tpu.memory_space<vmem>>
        %parallel_loop3A_646 = tpu.memref_squeeze %parallel_loop3A_645 : memref<1x128x64xf32, #tpu.memory_space<vmem>> -> memref<128x64xf32, #tpu.memory_space<vmem>>
        %parallel_loop3A_647 = tpu.vector_load_idx %parallel_loop3A_646[%add3A_18, %parallel_loop3A_543] : memref<128x64xf32, #tpu.memory_space<vmem>>[vector<16xi32>, vector<16xi32>], vector<16xf32>,
        %parallel_loop3A_648 = arith.constant 8.000000e+00 : f32
        %parallel_loop3A_649 = vector.broadcast %parallel_loop3A_648 : f32 to vector<16xf32>
        %parallel_loop3A_650 = arith.mulf %parallel_loop3A_647, %parallel_loop3A_649 : vector<16xf32>
        %parallel_loop3A_651 = arith.constant 0 : i32
        %parallel_loop3A_652 = arith.constant 0 : i32
        %parallel_loop3A_653 = arith.constant 0 : i32
        %parallel_loop3A_654 = tpu.memref_slice %arg7[%parallel_loop3A_191, %parallel_loop3A_651, %parallel_loop3A_652, %parallel_loop3A_653] : memref<4x8x8x130xf32, #tpu.memory_space<vmem>> -> memref<1x8x8x130xf32, #tpu.memory_space<vmem>>
        %parallel_loop3A_655 = tpu.memref_squeeze %parallel_loop3A_654 : memref<1x8x8x130xf32, #tpu.memory_space<vmem>> -> memref<8x8x130xf32, #tpu.memory_space<vmem>>
        tpu.vector_store_idx %parallel_loop3A_655[%parallel_loop3A_574, %parallel_loop3A_577, %add3A_18], %parallel_loop3A_650 : memref<8x8x130xf32, #tpu.memory_space<vmem>>[vector<16xi32>, vector<16xi32>, vector<16xi32>], vector<16xf32>,
        %parallel_loop3A_656 = arith.constant 0 : i32
        %parallel_loop3A_657 = arith.constant 0 : i32
        %parallel_loop3A_658 = tpu.memref_slice %arg6[%parallel_loop3A_190, %parallel_loop3A_656, %parallel_loop3A_657] : memref<4x128x64xf32, #tpu.memory_space<vmem>> -> memref<1x128x64xf32, #tpu.memory_space<vmem>>
        %parallel_loop3A_659 = tpu.memref_squeeze %parallel_loop3A_658 : memref<1x128x64xf32, #tpu.memory_space<vmem>> -> memref<128x64xf32, #tpu.memory_space<vmem>>
        %parallel_loop3A_660 = tpu.vector_load_idx %parallel_loop3A_659[%add3A_21, %parallel_loop3A_543] : memref<128x64xf32, #tpu.memory_space<vmem>>[vector<16xi32>, vector<16xi32>], vector<16xf32>,
        %parallel_loop3A_661 = arith.constant 8.000000e+00 : f32
        %parallel_loop3A_662 = vector.broadcast %parallel_loop3A_661 : f32 to vector<16xf32>
        %parallel_loop3A_663 = arith.mulf %parallel_loop3A_660, %parallel_loop3A_662 : vector<16xf32>
        %parallel_loop3A_664 = arith.constant 0 : i32
        %parallel_loop3A_665 = arith.constant 0 : i32
        %parallel_loop3A_666 = arith.constant 0 : i32
        %parallel_loop3A_667 = tpu.memref_slice %arg7[%parallel_loop3A_191, %parallel_loop3A_664, %parallel_loop3A_665, %parallel_loop3A_666] : memref<4x8x8x130xf32, #tpu.memory_space<vmem>> -> memref<1x8x8x130xf32, #tpu.memory_space<vmem>>
        %parallel_loop3A_668 = tpu.memref_squeeze %parallel_loop3A_667 : memref<1x8x8x130xf32, #tpu.memory_space<vmem>> -> memref<8x8x130xf32, #tpu.memory_space<vmem>>
        tpu.vector_store_idx %parallel_loop3A_668[%parallel_loop3A_574, %parallel_loop3A_577, %add3A_21], %parallel_loop3A_663 : memref<8x8x130xf32, #tpu.memory_space<vmem>>[vector<16xi32>, vector<16xi32>, vector<16xi32>], vector<16xf32>,
        %parallel_loop3A_669 = arith.constant 0 : i32
        %parallel_loop3A_670 = arith.constant 0 : i32
        %parallel_loop3A_671 = tpu.memref_slice %arg6[%parallel_loop3A_190, %parallel_loop3A_669, %parallel_loop3A_670] : memref<4x128x64xf32, #tpu.memory_space<vmem>> -> memref<1x128x64xf32, #tpu.memory_space<vmem>>
        %parallel_loop3A_672 = tpu.memref_squeeze %parallel_loop3A_671 : memref<1x128x64xf32, #tpu.memory_space<vmem>> -> memref<128x64xf32, #tpu.memory_space<vmem>>
        %parallel_loop3A_673 = tpu.vector_load_idx %parallel_loop3A_672[%add3A_24, %parallel_loop3A_543] : memref<128x64xf32, #tpu.memory_space<vmem>>[vector<16xi32>, vector<16xi32>], vector<16xf32>,
        %parallel_loop3A_674 = arith.constant 8.000000e+00 : f32
        %parallel_loop3A_675 = vector.broadcast %parallel_loop3A_674 : f32 to vector<16xf32>
        %parallel_loop3A_676 = arith.mulf %parallel_loop3A_673, %parallel_loop3A_675 : vector<16xf32>
        %parallel_loop3A_677 = arith.constant 0 : i32
        %parallel_loop3A_678 = arith.constant 0 : i32
        %parallel_loop3A_679 = arith.constant 0 : i32
        %parallel_loop3A_680 = tpu.memref_slice %arg7[%parallel_loop3A_191, %parallel_loop3A_677, %parallel_loop3A_678, %parallel_loop3A_679] : memref<4x8x8x130xf32, #tpu.memory_space<vmem>> -> memref<1x8x8x130xf32, #tpu.memory_space<vmem>>
        %parallel_loop3A_681 = tpu.memref_squeeze %parallel_loop3A_680 : memref<1x8x8x130xf32, #tpu.memory_space<vmem>> -> memref<8x8x130xf32, #tpu.memory_space<vmem>>
        tpu.vector_store_idx %parallel_loop3A_681[%parallel_loop3A_574, %parallel_loop3A_577, %add3A_24], %parallel_loop3A_676 : memref<8x8x130xf32, #tpu.memory_space<vmem>>[vector<16xi32>, vector<16xi32>, vector<16xi32>], vector<16xf32>,
      } {sc.loop_unroll_factor = 2 : i64, sc.parallel_access}
      %mul3A_192 = arith.constant 200 : i32
      %mul3A_193 = arith.muli %add3A, %mul3A_192 : i32
      %add3A_194 = arith.addi %mul3A_193, %add3A_173 : i32
      %jit3A = arith.constant 32 : i32
      %div3A = arith.divsi %add3A_194, %jit3A : i32
      %sign3A = arith.constant 0 : i32
      %sign3A_195 = arith.cmpi sgt, %add3A_194, %sign3A : i32
      %sign3A_196 = arith.extui %sign3A_195 : i1 to i32
      %sign3A_197 = arith.constant 0 : i32
      %sign3A_198 = arith.cmpi slt, %add3A_194, %sign3A_197 : i32
      %sign3A_199 = arith.extui %sign3A_198 : i1 to i32
      %sign3A_200 = arith.subi %sign3A_196, %sign3A_199 : i32
      %sign3A_201 = arith.constant 0 : i32
      %sign3A_202 = arith.cmpi sgt, %jit3A, %sign3A_201 : i32
      %sign3A_203 = arith.extui %sign3A_202 : i1 to i32
      %sign3A_204 = arith.constant 0 : i32
      %sign3A_205 = arith.cmpi slt, %jit3A, %sign3A_204 : i32
      %sign3A_206 = arith.extui %sign3A_205 : i1 to i32
      %sign3A_207 = arith.subi %sign3A_203, %sign3A_206 : i32
      %ne3A = arith.cmpi ne, %sign3A_200, %sign3A_207 : i32
      %rem3A = arith.remsi %add3A_194, %jit3A : i32
      %ne3A_208 = arith.constant 0 : i32
      %ne3A_209 = arith.cmpi ne, %rem3A, %ne3A_208 : i32
      %and3A = arith.andi %ne3A, %ne3A_209 : i1
      %sub3A = arith.constant 1 : i32
      %sub3A_210 = arith.subi %div3A, %sub3A : i32
      %select_n3A = arith.select %and3A, %sub3A_210, %div3A : i32
      %jit3A_211 = arith.constant 32 : i32
      %eq3A = arith.constant 0 : i32
      %eq3A_212 = arith.cmpi eq, %jit3A_211, %eq3A : i32
      %jit3A_213 = arith.constant 1 : i32
      %select_n3A_214 = arith.select %eq3A_212, %jit3A_213, %jit3A_211 : i32
      %rem3A_215 = arith.remsi %add3A_194, %select_n3A_214 : i32
      %ne3A_216 = arith.constant 0 : i32
      %ne3A_217 = arith.cmpi ne, %rem3A_215, %ne3A_216 : i32
      %lt3A = arith.constant 0 : i32
      %lt3A_218 = arith.cmpi slt, %rem3A_215, %lt3A : i32
      %lt3A_219 = arith.constant 0 : i32
      %lt3A_220 = arith.cmpi slt, %select_n3A_214, %lt3A_219 : i32
      %ne3A_221 = arith.xori %lt3A_218, %lt3A_220 : i1
      %and3A_222 = arith.andi %ne3A_221, %ne3A_217 : i1
      %add3A_223 = arith.addi %rem3A_215, %select_n3A_214 : i32
      %select_n3A_224 = arith.select %and3A_222, %add3A_223, %rem3A_215 : i32
      %dma_start3A_225 = arith.constant 0 : i32
      %dma_start3A_226 = arith.constant 0 : i32
      %dma_start3A_227 = arith.constant 0 : i32
      %dma_start3A_228 = arith.constant 0 : i32
      %dma_start3A_229 = tpu.memref_slice %arg7[%dma_start3A_225, %dma_start3A_226, %dma_start3A_227, %dma_start3A_228] : memref<4x8x8x130xf32, #tpu.memory_space<vmem>> -> memref<1x8x8x128xf32, #tpu.memory_space<vmem>>
      %dma_start3A_230 = tpu.memref_squeeze %dma_start3A_229 : memref<1x8x8x128xf32, #tpu.memory_space<vmem>> -> memref<8x8x128xf32, #tpu.memory_space<vmem>>
      %dma_start3A_231 = arith.constant 0 : i32
      %dma_start3A_232 = arith.constant 0 : i32
      %dma_start3A_233 = arith.constant 0 : i32
      %dma_start3A_234 = tpu.memref_slice %arg4[%select_n3A, %dma_start3A_231, %select_n3A_224, %dma_start3A_232, %dma_start3A_233] : memref<200x8x32x8x128xf32, #tpu.memory_space<hbm>> -> memref<1x8x1x8x128xf32, #tpu.memory_space<hbm>>
      %dma_start3A_235 = tpu.memref_squeeze %dma_start3A_234 : memref<1x8x1x8x128xf32, #tpu.memory_space<hbm>> -> memref<8x8x128xf32, #tpu.memory_space<hbm>>
      %dma_start3A_236 = arith.constant 0 : i32
      %dma_start3A_237 = arith.constant 0 : i32
      %dma_start3A_238 = arith.constant 0 : i32
      %dma_start3A_239 = tpu.memref_slice %arg4[%select_n3A, %dma_start3A_236, %select_n3A_224, %dma_start3A_237, %dma_start3A_238] : memref<200x8x32x8x128xf32, #tpu.memory_space<hbm>> -> memref<1x8x1x8x128xf32, #tpu.memory_space<hbm>>
      %dma_start3A_240 = tpu.memref_squeeze %dma_start3A_239 : memref<1x8x1x8x128xf32, #tpu.memory_space<hbm>> -> memref<8x8x128xf32, #tpu.memory_space<hbm>>
      %dma_start3A_241 = arith.constant 0 : i32
      %dma_start3A_242 = arith.constant 0 : i32
      %dma_start3A_243 = arith.constant 0 : i32
      %dma_start3A_244 = tpu.memref_slice %arg7[%dma_start3A_225, %dma_start3A_241, %dma_start3A_242, %dma_start3A_243] : memref<4x8x8x130xf32, #tpu.memory_space<vmem>> -> memref<1x8x8x128xf32, #tpu.memory_space<vmem>>
      %dma_start3A_245 = tpu.memref_squeeze %dma_start3A_244 : memref<1x8x8x128xf32, #tpu.memory_space<vmem>> -> memref<8x8x128xf32, #tpu.memory_space<vmem>>
      tpu.enqueue_dma source(%dma_start3A_245 : memref<8x8x128xf32, #tpu.memory_space<vmem>>) target(%dma_start3A_240 : memref<8x8x128xf32, #tpu.memory_space<hbm>>) target_semaphore(%arg12 : memref<!tpu.dma_semaphore, #tpu.memory_space<semaphore_mem>>)
      %add3A_246 = arith.constant 4 : i32
      %add3A_247 = arith.addi %add3A_173, %add3A_246 : i32
      %lt3A_248 = arith.constant 200 : i32
      %lt3A_249 = arith.cmpi slt, %add3A_247, %lt3A_248 : i32
      %convert_element_type3A_250 = arith.extui %lt3A_249 : i1 to i32
      %cond3A_251 = arith.constant 0 : i32
      %cond3A_252 = arith.cmpi ne, %convert_element_type3A_250, %cond3A_251 : i32
      scf.if %cond3A_252 {
        %add3A_538 = arith.constant 4 : i32
        %add3A_539 = arith.addi %add3A_173, %add3A_538 : i32
        %dma_start3A_540 = arith.constant 0 : i32
        %dma_start3A_541 = arith.constant 0 : i32
        %dma_start3A_542 = arith.constant 0 : i32
        %dma_start3A_543 = tpu.memref_slice %arg6[%dma_start3A_540, %dma_start3A_541, %dma_start3A_542] : memref<4x128x64xf32, #tpu.memory_space<vmem>> -> memref<1x128x64xf32, #tpu.memory_space<vmem>>
        %dma_start3A_544 = tpu.memref_squeeze %dma_start3A_543 : memref<1x128x64xf32, #tpu.memory_space<vmem>> -> memref<128x64xf32, #tpu.memory_space<vmem>>
        %dma_start3A_545 = arith.constant 0 : i32
        %dma_start3A_546 = tpu.memref_slice %arg5[%add3A_539, %dma_start3A_545] : memref<200x128xi32, #tpu.memory_space<vmem>> -> memref<1x128xi32, #tpu.memory_space<vmem>>
        %dma_start3A_547 = tpu.memref_squeeze %dma_start3A_546 : memref<1x128xi32, #tpu.memory_space<vmem>> -> memref<128xi32, #tpu.memory_space<vmem>>
        %dma_start3A_548 = arith.constant 0 : i32
        %dma_start3A_549 = arith.constant 0 : i32
        %dma_start3A_550 = tpu.memref_slice %arg3[%dma_start3A_548, %dma_start3A_549] : memref<100000x64xf32, #tpu.memory_space<hbm>> -> memref<100000x64xf32, #tpu.memory_space<hbm>>
        tpu.enqueue_indirect_dma source(%dma_start3A_550 : memref<100000x64xf32, #tpu.memory_space<hbm>>) target(%dma_start3A_544 : memref<128x64xf32, #tpu.memory_space<vmem>>) offsets(%dma_start3A_547 : memref<128xi32, #tpu.memory_space<vmem>>) semaphore(%arg8 : memref<!tpu.dma_semaphore, #tpu.memory_space<semaphore_mem>>)
      } else {
      }
      %add3A_253 = arith.constant 1 : i32
      %add3A_254 = arith.addi %add3A_171, %add3A_253 : i32
      %dma_wait3A_255 = arith.constant 0 : i32
      %dma_wait3A_256 = arith.constant 1 : i32
      %dma_wait3A_257 = arith.constant 0 : i32
      %dma_wait3A_258 = arith.constant 0 : i32
      %dma_wait3A_259 = tpu.memref_slice %arg6[%dma_wait3A_256, %dma_wait3A_257, %dma_wait3A_258] : memref<4x128x64xf32, #tpu.memory_space<vmem>> -> memref<1x128x64xf32, #tpu.memory_space<vmem>>
      %dma_wait3A_260 = tpu.memref_squeeze %dma_wait3A_259 : memref<1x128x64xf32, #tpu.memory_space<vmem>> -> memref<128x64xf32, #tpu.memory_space<vmem>>
      %dma_wait3A_261 = arith.constant 0 : i32
      %dma_wait3A_262 = tpu.memref_slice %arg5[%dma_wait3A_255, %dma_wait3A_261] : memref<200x128xi32, #tpu.memory_space<vmem>> -> memref<1x128xi32, #tpu.memory_space<vmem>>
      %dma_wait3A_263 = tpu.memref_squeeze %dma_wait3A_262 : memref<1x128xi32, #tpu.memory_space<vmem>> -> memref<128xi32, #tpu.memory_space<vmem>>
      %dma_wait3A_264 = arith.constant 0 : i32
      %dma_wait3A_265 = arith.constant 0 : i32
      %dma_wait3A_266 = tpu.memref_slice %arg3[%dma_wait3A_264, %dma_wait3A_265] : memref<100000x64xf32, #tpu.memory_space<hbm>> -> memref<100000x64xf32, #tpu.memory_space<hbm>>
      tpu.wait_indirect_dma semaphore(%arg9 : memref<!tpu.dma_semaphore, #tpu.memory_space<semaphore_mem>>) src(%dma_wait3A_266 : memref<100000x64xf32, #tpu.memory_space<hbm>>) dst(%dma_wait3A_260 : memref<128x64xf32, #tpu.memory_space<vmem>>)
      %ge3A_267 = arith.constant 4 : i32
      %ge3A_268 = arith.cmpi sge, %add3A_254, %ge3A_267 : i32
      %convert_element_type3A_269 = arith.extui %ge3A_268 : i1 to i32
      %cond3A_270 = arith.constant 0 : i32
      %cond3A_271 = arith.cmpi ne, %convert_element_type3A_269, %cond3A_270 : i32
      scf.if %cond3A_271 {
        %dma_wait3A_538 = arith.constant 1 : i32
        %dma_wait3A_539 = arith.constant 0 : i32
        %dma_wait3A_540 = arith.constant 0 : i32
        %dma_wait3A_541 = arith.constant 0 : i32
        %dma_wait3A_542 = arith.constant 0 : i32
        %dma_wait3A_543 = arith.constant 0 : i32
        %dma_wait3A_544 = tpu.memref_slice %arg7[%dma_wait3A_538, %dma_wait3A_541, %dma_wait3A_542, %dma_wait3A_543] : memref<4x8x8x130xf32, #tpu.memory_space<vmem>> -> memref<1x8x8x128xf32, #tpu.memory_space<vmem>>
        %dma_wait3A_545 = tpu.memref_squeeze %dma_wait3A_544 : memref<1x8x8x128xf32, #tpu.memory_space<vmem>> -> memref<8x8x128xf32, #tpu.memory_space<vmem>>
        %dma_wait3A_546 = arith.constant 0 : i32
        %dma_wait3A_547 = arith.constant 0 : i32
        %dma_wait3A_548 = arith.constant 0 : i32
        %dma_wait3A_549 = tpu.memref_slice %arg4[%dma_wait3A_539, %dma_wait3A_546, %dma_wait3A_540, %dma_wait3A_547, %dma_wait3A_548] : memref<200x8x32x8x128xf32, #tpu.memory_space<hbm>> -> memref<1x8x1x8x128xf32, #tpu.memory_space<hbm>>
        %dma_wait3A_550 = tpu.memref_squeeze %dma_wait3A_549 : memref<1x8x1x8x128xf32, #tpu.memory_space<hbm>> -> memref<8x8x128xf32, #tpu.memory_space<hbm>>
        %dma_wait3A_551 = arith.constant 0 : i32
        %dma_wait3A_552 = arith.constant 0 : i32
        %dma_wait3A_553 = arith.constant 0 : i32
        %dma_wait3A_554 = tpu.memref_slice %arg4[%dma_wait3A_539, %dma_wait3A_551, %dma_wait3A_540, %dma_wait3A_552, %dma_wait3A_553] : memref<200x8x32x8x128xf32, #tpu.memory_space<hbm>> -> memref<1x8x1x8x128xf32, #tpu.memory_space<hbm>>
        %dma_wait3A_555 = tpu.memref_squeeze %dma_wait3A_554 : memref<1x8x1x8x128xf32, #tpu.memory_space<hbm>> -> memref<8x8x128xf32, #tpu.memory_space<hbm>>
        %dma_wait3A_556 = arith.constant 0 : i32
        %dma_wait3A_557 = arith.constant 0 : i32
        %dma_wait3A_558 = arith.constant 0 : i32
        %dma_wait3A_559 = tpu.memref_slice %arg7[%dma_wait3A_538, %dma_wait3A_556, %dma_wait3A_557, %dma_wait3A_558] : memref<4x8x8x130xf32, #tpu.memory_space<vmem>> -> memref<1x8x8x128xf32, #tpu.memory_space<vmem>>
        %dma_wait3A_560 = tpu.memref_squeeze %dma_wait3A_559 : memref<1x8x8x128xf32, #tpu.memory_space<vmem>> -> memref<8x8x128xf32, #tpu.memory_space<vmem>>
        tpu.wait_dma2 semaphore(%arg13 : memref<!tpu.dma_semaphore, #tpu.memory_space<semaphore_mem>>) src(%dma_wait3A_560 : memref<8x8x128xf32, #tpu.memory_space<vmem>>) dst(%dma_wait3A_555 : memref<8x8x128xf32, #tpu.memory_space<hbm>>)
      } else {
      }
      %parallel_loop3A_272 = arith.constant 0 : i32
      %parallel_loop3A_273 = arith.constant 64 : i32
      %parallel_loop3A_274 = arith.constant 1 : i32
      %parallel_loop3A_275 = arith.constant 1 : i32
      %parallel_loop3A_276 = arith.constant 1 : i32
      scf.for %parallel_loop3A_538 = %parallel_loop3A_272 to %parallel_loop3A_273 step %parallel_loop3A_274  : i32 {
        %parallel_loop3A_539 = vector.broadcast %parallel_loop3A_538 : i32 to vector<16xi32>
        %parallel_loop3A_540 = arith.addi %parallel_loop3A_539, %iota3A : vector<16xi32>
        %parallel_loop3A_541 = arith.constant 63 : i32
        %parallel_loop3A_542 = vector.broadcast %parallel_loop3A_541 : i32 to vector<16xi32>
        %parallel_loop3A_543 = arith.andi %parallel_loop3A_540, %parallel_loop3A_542 : vector<16xi32>
        %parallel_loop3A_544 = arith.constant 8 : i32
        %parallel_loop3A_545 = vector.broadcast %parallel_loop3A_544 : i32 to vector<16xi32>
        %parallel_loop3A_546 = arith.divsi %parallel_loop3A_543, %parallel_loop3A_545 : vector<16xi32>
        %parallel_loop3A_547 = arith.constant 0 : i32
        %parallel_loop3A_548 = vector.broadcast %parallel_loop3A_547 : i32 to vector<16xi32>
        %parallel_loop3A_549 = arith.cmpi sgt, %parallel_loop3A_543, %parallel_loop3A_548 : vector<16xi32>
        %parallel_loop3A_550 = arith.extui %parallel_loop3A_549 : vector<16xi1> to vector<16xi32>
        %parallel_loop3A_551 = arith.constant 0 : i32
        %parallel_loop3A_552 = vector.broadcast %parallel_loop3A_551 : i32 to vector<16xi32>
        %parallel_loop3A_553 = arith.cmpi slt, %parallel_loop3A_543, %parallel_loop3A_552 : vector<16xi32>
        %parallel_loop3A_554 = arith.extui %parallel_loop3A_553 : vector<16xi1> to vector<16xi32>
        %parallel_loop3A_555 = arith.subi %parallel_loop3A_550, %parallel_loop3A_554 : vector<16xi32>
        %parallel_loop3A_556 = arith.constant 0 : i32
        %parallel_loop3A_557 = arith.cmpi sgt, %parallel_loop3A_544, %parallel_loop3A_556 : i32
        %parallel_loop3A_558 = arith.extui %parallel_loop3A_557 : i1 to i32
        %parallel_loop3A_559 = arith.constant 0 : i32
        %parallel_loop3A_560 = arith.cmpi slt, %parallel_loop3A_544, %parallel_loop3A_559 : i32
        %parallel_loop3A_561 = arith.extui %parallel_loop3A_560 : i1 to i32
        %parallel_loop3A_562 = arith.subi %parallel_loop3A_558, %parallel_loop3A_561 : i32
        %parallel_loop3A_563 = vector.broadcast %parallel_loop3A_562 : i32 to vector<16xi32>
        %parallel_loop3A_564 = arith.cmpi ne, %parallel_loop3A_555, %parallel_loop3A_563 : vector<16xi32>
        %parallel_loop3A_565 = vector.broadcast %parallel_loop3A_544 : i32 to vector<16xi32>
        %parallel_loop3A_566 = arith.remsi %parallel_loop3A_543, %parallel_loop3A_565 : vector<16xi32>
        %parallel_loop3A_567 = arith.constant 0 : i32
        %parallel_loop3A_568 = vector.broadcast %parallel_loop3A_567 : i32 to vector<16xi32>
        %parallel_loop3A_569 = arith.cmpi ne, %parallel_loop3A_566, %parallel_loop3A_568 : vector<16xi32>
        %parallel_loop3A_570 = arith.andi %parallel_loop3A_564, %parallel_loop3A_569 : vector<16xi1>
        %parallel_loop3A_571 = arith.constant 1 : i32
        %parallel_loop3A_572 = vector.broadcast %parallel_loop3A_571 : i32 to vector<16xi32>
        %parallel_loop3A_573 = arith.subi %parallel_loop3A_546, %parallel_loop3A_572 : vector<16xi32>
        %parallel_loop3A_574 = arith.select %parallel_loop3A_570, %parallel_loop3A_573, %parallel_loop3A_546 : vector<16xi1>, vector<16xi32>
        %parallel_loop3A_575 = arith.constant 7 : i32
        %parallel_loop3A_576 = vector.broadcast %parallel_loop3A_575 : i32 to vector<16xi32>
        %parallel_loop3A_577 = arith.andi %parallel_loop3A_543, %parallel_loop3A_576 : vector<16xi32>
        %parallel_loop3A_578 = arith.constant 0 : i32
        %parallel_loop3A_579 = arith.constant 0 : i32
        %parallel_loop3A_580 = tpu.memref_slice %arg6[%parallel_loop3A_275, %parallel_loop3A_578, %parallel_loop3A_579] : memref<4x128x64xf32, #tpu.memory_space<vmem>> -> memref<1x128x64xf32, #tpu.memory_space<vmem>>
        %parallel_loop3A_581 = tpu.memref_squeeze %parallel_loop3A_580 : memref<1x128x64xf32, #tpu.memory_space<vmem>> -> memref<128x64xf32, #tpu.memory_space<vmem>>
        %parallel_loop3A_582 = tpu.vector_load_idx %parallel_loop3A_581[%add3A_3, %parallel_loop3A_543] : memref<128x64xf32, #tpu.memory_space<vmem>>[vector<16xi32>, vector<16xi32>], vector<16xf32>,
        %parallel_loop3A_583 = arith.constant 8.000000e+00 : f32
        %parallel_loop3A_584 = vector.broadcast %parallel_loop3A_583 : f32 to vector<16xf32>
        %parallel_loop3A_585 = arith.mulf %parallel_loop3A_582, %parallel_loop3A_584 : vector<16xf32>
        %parallel_loop3A_586 = arith.constant 0 : i32
        %parallel_loop3A_587 = arith.constant 0 : i32
        %parallel_loop3A_588 = arith.constant 0 : i32
        %parallel_loop3A_589 = tpu.memref_slice %arg7[%parallel_loop3A_276, %parallel_loop3A_586, %parallel_loop3A_587, %parallel_loop3A_588] : memref<4x8x8x130xf32, #tpu.memory_space<vmem>> -> memref<1x8x8x130xf32, #tpu.memory_space<vmem>>
        %parallel_loop3A_590 = tpu.memref_squeeze %parallel_loop3A_589 : memref<1x8x8x130xf32, #tpu.memory_space<vmem>> -> memref<8x8x130xf32, #tpu.memory_space<vmem>>
        tpu.vector_store_idx %parallel_loop3A_590[%parallel_loop3A_574, %parallel_loop3A_577, %add3A_3], %parallel_loop3A_585 : memref<8x8x130xf32, #tpu.memory_space<vmem>>[vector<16xi32>, vector<16xi32>, vector<16xi32>], vector<16xf32>,
        %parallel_loop3A_591 = arith.constant 0 : i32
        %parallel_loop3A_592 = arith.constant 0 : i32
        %parallel_loop3A_593 = tpu.memref_slice %arg6[%parallel_loop3A_275, %parallel_loop3A_591, %parallel_loop3A_592] : memref<4x128x64xf32, #tpu.memory_space<vmem>> -> memref<1x128x64xf32, #tpu.memory_space<vmem>>
        %parallel_loop3A_594 = tpu.memref_squeeze %parallel_loop3A_593 : memref<1x128x64xf32, #tpu.memory_space<vmem>> -> memref<128x64xf32, #tpu.memory_space<vmem>>
        %parallel_loop3A_595 = tpu.vector_load_idx %parallel_loop3A_594[%add3A_6, %parallel_loop3A_543] : memref<128x64xf32, #tpu.memory_space<vmem>>[vector<16xi32>, vector<16xi32>], vector<16xf32>,
        %parallel_loop3A_596 = arith.constant 8.000000e+00 : f32
        %parallel_loop3A_597 = vector.broadcast %parallel_loop3A_596 : f32 to vector<16xf32>
        %parallel_loop3A_598 = arith.mulf %parallel_loop3A_595, %parallel_loop3A_597 : vector<16xf32>
        %parallel_loop3A_599 = arith.constant 0 : i32
        %parallel_loop3A_600 = arith.constant 0 : i32
        %parallel_loop3A_601 = arith.constant 0 : i32
        %parallel_loop3A_602 = tpu.memref_slice %arg7[%parallel_loop3A_276, %parallel_loop3A_599, %parallel_loop3A_600, %parallel_loop3A_601] : memref<4x8x8x130xf32, #tpu.memory_space<vmem>> -> memref<1x8x8x130xf32, #tpu.memory_space<vmem>>
        %parallel_loop3A_603 = tpu.memref_squeeze %parallel_loop3A_602 : memref<1x8x8x130xf32, #tpu.memory_space<vmem>> -> memref<8x8x130xf32, #tpu.memory_space<vmem>>
        tpu.vector_store_idx %parallel_loop3A_603[%parallel_loop3A_574, %parallel_loop3A_577, %add3A_6], %parallel_loop3A_598 : memref<8x8x130xf32, #tpu.memory_space<vmem>>[vector<16xi32>, vector<16xi32>, vector<16xi32>], vector<16xf32>,
        %parallel_loop3A_604 = arith.constant 0 : i32
        %parallel_loop3A_605 = arith.constant 0 : i32
        %parallel_loop3A_606 = tpu.memref_slice %arg6[%parallel_loop3A_275, %parallel_loop3A_604, %parallel_loop3A_605] : memref<4x128x64xf32, #tpu.memory_space<vmem>> -> memref<1x128x64xf32, #tpu.memory_space<vmem>>
        %parallel_loop3A_607 = tpu.memref_squeeze %parallel_loop3A_606 : memref<1x128x64xf32, #tpu.memory_space<vmem>> -> memref<128x64xf32, #tpu.memory_space<vmem>>
        %parallel_loop3A_608 = tpu.vector_load_idx %parallel_loop3A_607[%add3A_9, %parallel_loop3A_543] : memref<128x64xf32, #tpu.memory_space<vmem>>[vector<16xi32>, vector<16xi32>], vector<16xf32>,
        %parallel_loop3A_609 = arith.constant 8.000000e+00 : f32
        %parallel_loop3A_610 = vector.broadcast %parallel_loop3A_609 : f32 to vector<16xf32>
        %parallel_loop3A_611 = arith.mulf %parallel_loop3A_608, %parallel_loop3A_610 : vector<16xf32>
        %parallel_loop3A_612 = arith.constant 0 : i32
        %parallel_loop3A_613 = arith.constant 0 : i32
        %parallel_loop3A_614 = arith.constant 0 : i32
        %parallel_loop3A_615 = tpu.memref_slice %arg7[%parallel_loop3A_276, %parallel_loop3A_612, %parallel_loop3A_613, %parallel_loop3A_614] : memref<4x8x8x130xf32, #tpu.memory_space<vmem>> -> memref<1x8x8x130xf32, #tpu.memory_space<vmem>>
        %parallel_loop3A_616 = tpu.memref_squeeze %parallel_loop3A_615 : memref<1x8x8x130xf32, #tpu.memory_space<vmem>> -> memref<8x8x130xf32, #tpu.memory_space<vmem>>
        tpu.vector_store_idx %parallel_loop3A_616[%parallel_loop3A_574, %parallel_loop3A_577, %add3A_9], %parallel_loop3A_611 : memref<8x8x130xf32, #tpu.memory_space<vmem>>[vector<16xi32>, vector<16xi32>, vector<16xi32>], vector<16xf32>,
        %parallel_loop3A_617 = arith.constant 0 : i32
        %parallel_loop3A_618 = arith.constant 0 : i32
        %parallel_loop3A_619 = tpu.memref_slice %arg6[%parallel_loop3A_275, %parallel_loop3A_617, %parallel_loop3A_618] : memref<4x128x64xf32, #tpu.memory_space<vmem>> -> memref<1x128x64xf32, #tpu.memory_space<vmem>>
        %parallel_loop3A_620 = tpu.memref_squeeze %parallel_loop3A_619 : memref<1x128x64xf32, #tpu.memory_space<vmem>> -> memref<128x64xf32, #tpu.memory_space<vmem>>
        %parallel_loop3A_621 = tpu.vector_load_idx %parallel_loop3A_620[%add3A_12, %parallel_loop3A_543] : memref<128x64xf32, #tpu.memory_space<vmem>>[vector<16xi32>, vector<16xi32>], vector<16xf32>,
        %parallel_loop3A_622 = arith.constant 8.000000e+00 : f32
        %parallel_loop3A_623 = vector.broadcast %parallel_loop3A_622 : f32 to vector<16xf32>
        %parallel_loop3A_624 = arith.mulf %parallel_loop3A_621, %parallel_loop3A_623 : vector<16xf32>
        %parallel_loop3A_625 = arith.constant 0 : i32
        %parallel_loop3A_626 = arith.constant 0 : i32
        %parallel_loop3A_627 = arith.constant 0 : i32
        %parallel_loop3A_628 = tpu.memref_slice %arg7[%parallel_loop3A_276, %parallel_loop3A_625, %parallel_loop3A_626, %parallel_loop3A_627] : memref<4x8x8x130xf32, #tpu.memory_space<vmem>> -> memref<1x8x8x130xf32, #tpu.memory_space<vmem>>
        %parallel_loop3A_629 = tpu.memref_squeeze %parallel_loop3A_628 : memref<1x8x8x130xf32, #tpu.memory_space<vmem>> -> memref<8x8x130xf32, #tpu.memory_space<vmem>>
        tpu.vector_store_idx %parallel_loop3A_629[%parallel_loop3A_574, %parallel_loop3A_577, %add3A_12], %parallel_loop3A_624 : memref<8x8x130xf32, #tpu.memory_space<vmem>>[vector<16xi32>, vector<16xi32>, vector<16xi32>], vector<16xf32>,
        %parallel_loop3A_630 = arith.constant 0 : i32
        %parallel_loop3A_631 = arith.constant 0 : i32
        %parallel_loop3A_632 = tpu.memref_slice %arg6[%parallel_loop3A_275, %parallel_loop3A_630, %parallel_loop3A_631] : memref<4x128x64xf32, #tpu.memory_space<vmem>> -> memref<1x128x64xf32, #tpu.memory_space<vmem>>
        %parallel_loop3A_633 = tpu.memref_squeeze %parallel_loop3A_632 : memref<1x128x64xf32, #tpu.memory_space<vmem>> -> memref<128x64xf32, #tpu.memory_space<vmem>>
        %parallel_loop3A_634 = tpu.vector_load_idx %parallel_loop3A_633[%add3A_15, %parallel_loop3A_543] : memref<128x64xf32, #tpu.memory_space<vmem>>[vector<16xi32>, vector<16xi32>], vector<16xf32>,
        %parallel_loop3A_635 = arith.constant 8.000000e+00 : f32
        %parallel_loop3A_636 = vector.broadcast %parallel_loop3A_635 : f32 to vector<16xf32>
        %parallel_loop3A_637 = arith.mulf %parallel_loop3A_634, %parallel_loop3A_636 : vector<16xf32>
        %parallel_loop3A_638 = arith.constant 0 : i32
        %parallel_loop3A_639 = arith.constant 0 : i32
        %parallel_loop3A_640 = arith.constant 0 : i32
        %parallel_loop3A_641 = tpu.memref_slice %arg7[%parallel_loop3A_276, %parallel_loop3A_638, %parallel_loop3A_639, %parallel_loop3A_640] : memref<4x8x8x130xf32, #tpu.memory_space<vmem>> -> memref<1x8x8x130xf32, #tpu.memory_space<vmem>>
        %parallel_loop3A_642 = tpu.memref_squeeze %parallel_loop3A_641 : memref<1x8x8x130xf32, #tpu.memory_space<vmem>> -> memref<8x8x130xf32, #tpu.memory_space<vmem>>
        tpu.vector_store_idx %parallel_loop3A_642[%parallel_loop3A_574, %parallel_loop3A_577, %add3A_15], %parallel_loop3A_637 : memref<8x8x130xf32, #tpu.memory_space<vmem>>[vector<16xi32>, vector<16xi32>, vector<16xi32>], vector<16xf32>,
        %parallel_loop3A_643 = arith.constant 0 : i32
        %parallel_loop3A_644 = arith.constant 0 : i32
        %parallel_loop3A_645 = tpu.memref_slice %arg6[%parallel_loop3A_275, %parallel_loop3A_643, %parallel_loop3A_644] : memref<4x128x64xf32, #tpu.memory_space<vmem>> -> memref<1x128x64xf32, #tpu.memory_space<vmem>>
        %parallel_loop3A_646 = tpu.memref_squeeze %parallel_loop3A_645 : memref<1x128x64xf32, #tpu.memory_space<vmem>> -> memref<128x64xf32, #tpu.memory_space<vmem>>
        %parallel_loop3A_647 = tpu.vector_load_idx %parallel_loop3A_646[%add3A_18, %parallel_loop3A_543] : memref<128x64xf32, #tpu.memory_space<vmem>>[vector<16xi32>, vector<16xi32>], vector<16xf32>,
        %parallel_loop3A_648 = arith.constant 8.000000e+00 : f32
        %parallel_loop3A_649 = vector.broadcast %parallel_loop3A_648 : f32 to vector<16xf32>
        %parallel_loop3A_650 = arith.mulf %parallel_loop3A_647, %parallel_loop3A_649 : vector<16xf32>
        %parallel_loop3A_651 = arith.constant 0 : i32
        %parallel_loop3A_652 = arith.constant 0 : i32
        %parallel_loop3A_653 = arith.constant 0 : i32
        %parallel_loop3A_654 = tpu.memref_slice %arg7[%parallel_loop3A_276, %parallel_loop3A_651, %parallel_loop3A_652, %parallel_loop3A_653] : memref<4x8x8x130xf32, #tpu.memory_space<vmem>> -> memref<1x8x8x130xf32, #tpu.memory_space<vmem>>
        %parallel_loop3A_655 = tpu.memref_squeeze %parallel_loop3A_654 : memref<1x8x8x130xf32, #tpu.memory_space<vmem>> -> memref<8x8x130xf32, #tpu.memory_space<vmem>>
        tpu.vector_store_idx %parallel_loop3A_655[%parallel_loop3A_574, %parallel_loop3A_577, %add3A_18], %parallel_loop3A_650 : memref<8x8x130xf32, #tpu.memory_space<vmem>>[vector<16xi32>, vector<16xi32>, vector<16xi32>], vector<16xf32>,
        %parallel_loop3A_656 = arith.constant 0 : i32
        %parallel_loop3A_657 = arith.constant 0 : i32
        %parallel_loop3A_658 = tpu.memref_slice %arg6[%parallel_loop3A_275, %parallel_loop3A_656, %parallel_loop3A_657] : memref<4x128x64xf32, #tpu.memory_space<vmem>> -> memref<1x128x64xf32, #tpu.memory_space<vmem>>
        %parallel_loop3A_659 = tpu.memref_squeeze %parallel_loop3A_658 : memref<1x128x64xf32, #tpu.memory_space<vmem>> -> memref<128x64xf32, #tpu.memory_space<vmem>>
        %parallel_loop3A_660 = tpu.vector_load_idx %parallel_loop3A_659[%add3A_21, %parallel_loop3A_543] : memref<128x64xf32, #tpu.memory_space<vmem>>[vector<16xi32>, vector<16xi32>], vector<16xf32>,
        %parallel_loop3A_661 = arith.constant 8.000000e+00 : f32
        %parallel_loop3A_662 = vector.broadcast %parallel_loop3A_661 : f32 to vector<16xf32>
        %parallel_loop3A_663 = arith.mulf %parallel_loop3A_660, %parallel_loop3A_662 : vector<16xf32>
        %parallel_loop3A_664 = arith.constant 0 : i32
        %parallel_loop3A_665 = arith.constant 0 : i32
        %parallel_loop3A_666 = arith.constant 0 : i32
        %parallel_loop3A_667 = tpu.memref_slice %arg7[%parallel_loop3A_276, %parallel_loop3A_664, %parallel_loop3A_665, %parallel_loop3A_666] : memref<4x8x8x130xf32, #tpu.memory_space<vmem>> -> memref<1x8x8x130xf32, #tpu.memory_space<vmem>>
        %parallel_loop3A_668 = tpu.memref_squeeze %parallel_loop3A_667 : memref<1x8x8x130xf32, #tpu.memory_space<vmem>> -> memref<8x8x130xf32, #tpu.memory_space<vmem>>
        tpu.vector_store_idx %parallel_loop3A_668[%parallel_loop3A_574, %parallel_loop3A_577, %add3A_21], %parallel_loop3A_663 : memref<8x8x130xf32, #tpu.memory_space<vmem>>[vector<16xi32>, vector<16xi32>, vector<16xi32>], vector<16xf32>,
        %parallel_loop3A_669 = arith.constant 0 : i32
        %parallel_loop3A_670 = arith.constant 0 : i32
        %parallel_loop3A_671 = tpu.memref_slice %arg6[%parallel_loop3A_275, %parallel_loop3A_669, %parallel_loop3A_670] : memref<4x128x64xf32, #tpu.memory_space<vmem>> -> memref<1x128x64xf32, #tpu.memory_space<vmem>>
        %parallel_loop3A_672 = tpu.memref_squeeze %parallel_loop3A_671 : memref<1x128x64xf32, #tpu.memory_space<vmem>> -> memref<128x64xf32, #tpu.memory_space<vmem>>
        %parallel_loop3A_673 = tpu.vector_load_idx %parallel_loop3A_672[%add3A_24, %parallel_loop3A_543] : memref<128x64xf32, #tpu.memory_space<vmem>>[vector<16xi32>, vector<16xi32>], vector<16xf32>,
        %parallel_loop3A_674 = arith.constant 8.000000e+00 : f32
        %parallel_loop3A_675 = vector.broadcast %parallel_loop3A_674 : f32 to vector<16xf32>
        %parallel_loop3A_676 = arith.mulf %parallel_loop3A_673, %parallel_loop3A_675 : vector<16xf32>
        %parallel_loop3A_677 = arith.constant 0 : i32
        %parallel_loop3A_678 = arith.constant 0 : i32
        %parallel_loop3A_679 = arith.constant 0 : i32
        %parallel_loop3A_680 = tpu.memref_slice %arg7[%parallel_loop3A_276, %parallel_loop3A_677, %parallel_loop3A_678, %parallel_loop3A_679] : memref<4x8x8x130xf32, #tpu.memory_space<vmem>> -> memref<1x8x8x130xf32, #tpu.memory_space<vmem>>
        %parallel_loop3A_681 = tpu.memref_squeeze %parallel_loop3A_680 : memref<1x8x8x130xf32, #tpu.memory_space<vmem>> -> memref<8x8x130xf32, #tpu.memory_space<vmem>>
        tpu.vector_store_idx %parallel_loop3A_681[%parallel_loop3A_574, %parallel_loop3A_577, %add3A_24], %parallel_loop3A_676 : memref<8x8x130xf32, #tpu.memory_space<vmem>>[vector<16xi32>, vector<16xi32>, vector<16xi32>], vector<16xf32>,
      } {sc.loop_unroll_factor = 2 : i64, sc.parallel_access}
      %mul3A_277 = arith.constant 200 : i32
      %mul3A_278 = arith.muli %add3A, %mul3A_277 : i32
      %add3A_279 = arith.addi %mul3A_278, %add3A_254 : i32
      %jit3A_280 = arith.constant 32 : i32
      %div3A_281 = arith.divsi %add3A_279, %jit3A_280 : i32
      %sign3A_282 = arith.constant 0 : i32
      %sign3A_283 = arith.cmpi sgt, %add3A_279, %sign3A_282 : i32
      %sign3A_284 = arith.extui %sign3A_283 : i1 to i32
      %sign3A_285 = arith.constant 0 : i32
      %sign3A_286 = arith.cmpi slt, %add3A_279, %sign3A_285 : i32
      %sign3A_287 = arith.extui %sign3A_286 : i1 to i32
      %sign3A_288 = arith.subi %sign3A_284, %sign3A_287 : i32
      %sign3A_289 = arith.constant 0 : i32
      %sign3A_290 = arith.cmpi sgt, %jit3A_280, %sign3A_289 : i32
      %sign3A_291 = arith.extui %sign3A_290 : i1 to i32
      %sign3A_292 = arith.constant 0 : i32
      %sign3A_293 = arith.cmpi slt, %jit3A_280, %sign3A_292 : i32
      %sign3A_294 = arith.extui %sign3A_293 : i1 to i32
      %sign3A_295 = arith.subi %sign3A_291, %sign3A_294 : i32
      %ne3A_296 = arith.cmpi ne, %sign3A_288, %sign3A_295 : i32
      %rem3A_297 = arith.remsi %add3A_279, %jit3A_280 : i32
      %ne3A_298 = arith.constant 0 : i32
      %ne3A_299 = arith.cmpi ne, %rem3A_297, %ne3A_298 : i32
      %and3A_300 = arith.andi %ne3A_296, %ne3A_299 : i1
      %sub3A_301 = arith.constant 1 : i32
      %sub3A_302 = arith.subi %div3A_281, %sub3A_301 : i32
      %select_n3A_303 = arith.select %and3A_300, %sub3A_302, %div3A_281 : i32
      %jit3A_304 = arith.constant 32 : i32
      %eq3A_305 = arith.constant 0 : i32
      %eq3A_306 = arith.cmpi eq, %jit3A_304, %eq3A_305 : i32
      %jit3A_307 = arith.constant 1 : i32
      %select_n3A_308 = arith.select %eq3A_306, %jit3A_307, %jit3A_304 : i32
      %rem3A_309 = arith.remsi %add3A_279, %select_n3A_308 : i32
      %ne3A_310 = arith.constant 0 : i32
      %ne3A_311 = arith.cmpi ne, %rem3A_309, %ne3A_310 : i32
      %lt3A_312 = arith.constant 0 : i32
      %lt3A_313 = arith.cmpi slt, %rem3A_309, %lt3A_312 : i32
      %lt3A_314 = arith.constant 0 : i32
      %lt3A_315 = arith.cmpi slt, %select_n3A_308, %lt3A_314 : i32
      %ne3A_316 = arith.xori %lt3A_313, %lt3A_315 : i1
      %and3A_317 = arith.andi %ne3A_316, %ne3A_311 : i1
      %add3A_318 = arith.addi %rem3A_309, %select_n3A_308 : i32
      %select_n3A_319 = arith.select %and3A_317, %add3A_318, %rem3A_309 : i32
      %dma_start3A_320 = arith.constant 1 : i32
      %dma_start3A_321 = arith.constant 0 : i32
      %dma_start3A_322 = arith.constant 0 : i32
      %dma_start3A_323 = arith.constant 0 : i32
      %dma_start3A_324 = tpu.memref_slice %arg7[%dma_start3A_320, %dma_start3A_321, %dma_start3A_322, %dma_start3A_323] : memref<4x8x8x130xf32, #tpu.memory_space<vmem>> -> memref<1x8x8x128xf32, #tpu.memory_space<vmem>>
      %dma_start3A_325 = tpu.memref_squeeze %dma_start3A_324 : memref<1x8x8x128xf32, #tpu.memory_space<vmem>> -> memref<8x8x128xf32, #tpu.memory_space<vmem>>
      %dma_start3A_326 = arith.constant 0 : i32
      %dma_start3A_327 = arith.constant 0 : i32
      %dma_start3A_328 = arith.constant 0 : i32
      %dma_start3A_329 = tpu.memref_slice %arg4[%select_n3A_303, %dma_start3A_326, %select_n3A_319, %dma_start3A_327, %dma_start3A_328] : memref<200x8x32x8x128xf32, #tpu.memory_space<hbm>> -> memref<1x8x1x8x128xf32, #tpu.memory_space<hbm>>
      %dma_start3A_330 = tpu.memref_squeeze %dma_start3A_329 : memref<1x8x1x8x128xf32, #tpu.memory_space<hbm>> -> memref<8x8x128xf32, #tpu.memory_space<hbm>>
      %dma_start3A_331 = arith.constant 0 : i32
      %dma_start3A_332 = arith.constant 0 : i32
      %dma_start3A_333 = arith.constant 0 : i32
      %dma_start3A_334 = tpu.memref_slice %arg4[%select_n3A_303, %dma_start3A_331, %select_n3A_319, %dma_start3A_332, %dma_start3A_333] : memref<200x8x32x8x128xf32, #tpu.memory_space<hbm>> -> memref<1x8x1x8x128xf32, #tpu.memory_space<hbm>>
      %dma_start3A_335 = tpu.memref_squeeze %dma_start3A_334 : memref<1x8x1x8x128xf32, #tpu.memory_space<hbm>> -> memref<8x8x128xf32, #tpu.memory_space<hbm>>
      %dma_start3A_336 = arith.constant 0 : i32
      %dma_start3A_337 = arith.constant 0 : i32
      %dma_start3A_338 = arith.constant 0 : i32
      %dma_start3A_339 = tpu.memref_slice %arg7[%dma_start3A_320, %dma_start3A_336, %dma_start3A_337, %dma_start3A_338] : memref<4x8x8x130xf32, #tpu.memory_space<vmem>> -> memref<1x8x8x128xf32, #tpu.memory_space<vmem>>
      %dma_start3A_340 = tpu.memref_squeeze %dma_start3A_339 : memref<1x8x8x128xf32, #tpu.memory_space<vmem>> -> memref<8x8x128xf32, #tpu.memory_space<vmem>>
      tpu.enqueue_dma source(%dma_start3A_340 : memref<8x8x128xf32, #tpu.memory_space<vmem>>) target(%dma_start3A_335 : memref<8x8x128xf32, #tpu.memory_space<hbm>>) target_semaphore(%arg13 : memref<!tpu.dma_semaphore, #tpu.memory_space<semaphore_mem>>)
      %add3A_341 = arith.constant 4 : i32
      %add3A_342 = arith.addi %add3A_254, %add3A_341 : i32
      %lt3A_343 = arith.constant 200 : i32
      %lt3A_344 = arith.cmpi slt, %add3A_342, %lt3A_343 : i32
      %convert_element_type3A_345 = arith.extui %lt3A_344 : i1 to i32
      %cond3A_346 = arith.constant 0 : i32
      %cond3A_347 = arith.cmpi ne, %convert_element_type3A_345, %cond3A_346 : i32
      scf.if %cond3A_347 {
        %add3A_538 = arith.constant 4 : i32
        %add3A_539 = arith.addi %add3A_254, %add3A_538 : i32
        %dma_start3A_540 = arith.constant 1 : i32
        %dma_start3A_541 = arith.constant 0 : i32
        %dma_start3A_542 = arith.constant 0 : i32
        %dma_start3A_543 = tpu.memref_slice %arg6[%dma_start3A_540, %dma_start3A_541, %dma_start3A_542] : memref<4x128x64xf32, #tpu.memory_space<vmem>> -> memref<1x128x64xf32, #tpu.memory_space<vmem>>
        %dma_start3A_544 = tpu.memref_squeeze %dma_start3A_543 : memref<1x128x64xf32, #tpu.memory_space<vmem>> -> memref<128x64xf32, #tpu.memory_space<vmem>>
        %dma_start3A_545 = arith.constant 0 : i32
        %dma_start3A_546 = tpu.memref_slice %arg5[%add3A_539, %dma_start3A_545] : memref<200x128xi32, #tpu.memory_space<vmem>> -> memref<1x128xi32, #tpu.memory_space<vmem>>
        %dma_start3A_547 = tpu.memref_squeeze %dma_start3A_546 : memref<1x128xi32, #tpu.memory_space<vmem>> -> memref<128xi32, #tpu.memory_space<vmem>>
        %dma_start3A_548 = arith.constant 0 : i32
        %dma_start3A_549 = arith.constant 0 : i32
        %dma_start3A_550 = tpu.memref_slice %arg3[%dma_start3A_548, %dma_start3A_549] : memref<100000x64xf32, #tpu.memory_space<hbm>> -> memref<100000x64xf32, #tpu.memory_space<hbm>>
        tpu.enqueue_indirect_dma source(%dma_start3A_550 : memref<100000x64xf32, #tpu.memory_space<hbm>>) target(%dma_start3A_544 : memref<128x64xf32, #tpu.memory_space<vmem>>) offsets(%dma_start3A_547 : memref<128xi32, #tpu.memory_space<vmem>>) semaphore(%arg9 : memref<!tpu.dma_semaphore, #tpu.memory_space<semaphore_mem>>)
      } else {
      }
      %add3A_348 = arith.constant 2 : i32
      %add3A_349 = arith.addi %add3A_171, %add3A_348 : i32
      %dma_wait3A_350 = arith.constant 0 : i32
      %dma_wait3A_351 = arith.constant 2 : i32
      %dma_wait3A_352 = arith.constant 0 : i32
      %dma_wait3A_353 = arith.constant 0 : i32
      %dma_wait3A_354 = tpu.memref_slice %arg6[%dma_wait3A_351, %dma_wait3A_352, %dma_wait3A_353] : memref<4x128x64xf32, #tpu.memory_space<vmem>> -> memref<1x128x64xf32, #tpu.memory_space<vmem>>
      %dma_wait3A_355 = tpu.memref_squeeze %dma_wait3A_354 : memref<1x128x64xf32, #tpu.memory_space<vmem>> -> memref<128x64xf32, #tpu.memory_space<vmem>>
      %dma_wait3A_356 = arith.constant 0 : i32
      %dma_wait3A_357 = tpu.memref_slice %arg5[%dma_wait3A_350, %dma_wait3A_356] : memref<200x128xi32, #tpu.memory_space<vmem>> -> memref<1x128xi32, #tpu.memory_space<vmem>>
      %dma_wait3A_358 = tpu.memref_squeeze %dma_wait3A_357 : memref<1x128xi32, #tpu.memory_space<vmem>> -> memref<128xi32, #tpu.memory_space<vmem>>
      %dma_wait3A_359 = arith.constant 0 : i32
      %dma_wait3A_360 = arith.constant 0 : i32
      %dma_wait3A_361 = tpu.memref_slice %arg3[%dma_wait3A_359, %dma_wait3A_360] : memref<100000x64xf32, #tpu.memory_space<hbm>> -> memref<100000x64xf32, #tpu.memory_space<hbm>>
      tpu.wait_indirect_dma semaphore(%arg10 : memref<!tpu.dma_semaphore, #tpu.memory_space<semaphore_mem>>) src(%dma_wait3A_361 : memref<100000x64xf32, #tpu.memory_space<hbm>>) dst(%dma_wait3A_355 : memref<128x64xf32, #tpu.memory_space<vmem>>)
      %ge3A_362 = arith.constant 4 : i32
      %ge3A_363 = arith.cmpi sge, %add3A_349, %ge3A_362 : i32
      %convert_element_type3A_364 = arith.extui %ge3A_363 : i1 to i32
      %cond3A_365 = arith.constant 0 : i32
      %cond3A_366 = arith.cmpi ne, %convert_element_type3A_364, %cond3A_365 : i32
      scf.if %cond3A_366 {
        %dma_wait3A_538 = arith.constant 2 : i32
        %dma_wait3A_539 = arith.constant 0 : i32
        %dma_wait3A_540 = arith.constant 0 : i32
        %dma_wait3A_541 = arith.constant 0 : i32
        %dma_wait3A_542 = arith.constant 0 : i32
        %dma_wait3A_543 = arith.constant 0 : i32
        %dma_wait3A_544 = tpu.memref_slice %arg7[%dma_wait3A_538, %dma_wait3A_541, %dma_wait3A_542, %dma_wait3A_543] : memref<4x8x8x130xf32, #tpu.memory_space<vmem>> -> memref<1x8x8x128xf32, #tpu.memory_space<vmem>>
        %dma_wait3A_545 = tpu.memref_squeeze %dma_wait3A_544 : memref<1x8x8x128xf32, #tpu.memory_space<vmem>> -> memref<8x8x128xf32, #tpu.memory_space<vmem>>
        %dma_wait3A_546 = arith.constant 0 : i32
        %dma_wait3A_547 = arith.constant 0 : i32
        %dma_wait3A_548 = arith.constant 0 : i32
        %dma_wait3A_549 = tpu.memref_slice %arg4[%dma_wait3A_539, %dma_wait3A_546, %dma_wait3A_540, %dma_wait3A_547, %dma_wait3A_548] : memref<200x8x32x8x128xf32, #tpu.memory_space<hbm>> -> memref<1x8x1x8x128xf32, #tpu.memory_space<hbm>>
        %dma_wait3A_550 = tpu.memref_squeeze %dma_wait3A_549 : memref<1x8x1x8x128xf32, #tpu.memory_space<hbm>> -> memref<8x8x128xf32, #tpu.memory_space<hbm>>
        %dma_wait3A_551 = arith.constant 0 : i32
        %dma_wait3A_552 = arith.constant 0 : i32
        %dma_wait3A_553 = arith.constant 0 : i32
        %dma_wait3A_554 = tpu.memref_slice %arg4[%dma_wait3A_539, %dma_wait3A_551, %dma_wait3A_540, %dma_wait3A_552, %dma_wait3A_553] : memref<200x8x32x8x128xf32, #tpu.memory_space<hbm>> -> memref<1x8x1x8x128xf32, #tpu.memory_space<hbm>>
        %dma_wait3A_555 = tpu.memref_squeeze %dma_wait3A_554 : memref<1x8x1x8x128xf32, #tpu.memory_space<hbm>> -> memref<8x8x128xf32, #tpu.memory_space<hbm>>
        %dma_wait3A_556 = arith.constant 0 : i32
        %dma_wait3A_557 = arith.constant 0 : i32
        %dma_wait3A_558 = arith.constant 0 : i32
        %dma_wait3A_559 = tpu.memref_slice %arg7[%dma_wait3A_538, %dma_wait3A_556, %dma_wait3A_557, %dma_wait3A_558] : memref<4x8x8x130xf32, #tpu.memory_space<vmem>> -> memref<1x8x8x128xf32, #tpu.memory_space<vmem>>
        %dma_wait3A_560 = tpu.memref_squeeze %dma_wait3A_559 : memref<1x8x8x128xf32, #tpu.memory_space<vmem>> -> memref<8x8x128xf32, #tpu.memory_space<vmem>>
        tpu.wait_dma2 semaphore(%arg14 : memref<!tpu.dma_semaphore, #tpu.memory_space<semaphore_mem>>) src(%dma_wait3A_560 : memref<8x8x128xf32, #tpu.memory_space<vmem>>) dst(%dma_wait3A_555 : memref<8x8x128xf32, #tpu.memory_space<hbm>>)
      } else {
      }
      %parallel_loop3A_367 = arith.constant 0 : i32
      %parallel_loop3A_368 = arith.constant 64 : i32
      %parallel_loop3A_369 = arith.constant 1 : i32
      %parallel_loop3A_370 = arith.constant 2 : i32
      %parallel_loop3A_371 = arith.constant 2 : i32
      scf.for %parallel_loop3A_538 = %parallel_loop3A_367 to %parallel_loop3A_368 step %parallel_loop3A_369  : i32 {
        %parallel_loop3A_539 = vector.broadcast %parallel_loop3A_538 : i32 to vector<16xi32>
        %parallel_loop3A_540 = arith.addi %parallel_loop3A_539, %iota3A : vector<16xi32>
        %parallel_loop3A_541 = arith.constant 63 : i32
        %parallel_loop3A_542 = vector.broadcast %parallel_loop3A_541 : i32 to vector<16xi32>
        %parallel_loop3A_543 = arith.andi %parallel_loop3A_540, %parallel_loop3A_542 : vector<16xi32>
        %parallel_loop3A_544 = arith.constant 8 : i32
        %parallel_loop3A_545 = vector.broadcast %parallel_loop3A_544 : i32 to vector<16xi32>
        %parallel_loop3A_546 = arith.divsi %parallel_loop3A_543, %parallel_loop3A_545 : vector<16xi32>
        %parallel_loop3A_547 = arith.constant 0 : i32
        %parallel_loop3A_548 = vector.broadcast %parallel_loop3A_547 : i32 to vector<16xi32>
        %parallel_loop3A_549 = arith.cmpi sgt, %parallel_loop3A_543, %parallel_loop3A_548 : vector<16xi32>
        %parallel_loop3A_550 = arith.extui %parallel_loop3A_549 : vector<16xi1> to vector<16xi32>
        %parallel_loop3A_551 = arith.constant 0 : i32
        %parallel_loop3A_552 = vector.broadcast %parallel_loop3A_551 : i32 to vector<16xi32>
        %parallel_loop3A_553 = arith.cmpi slt, %parallel_loop3A_543, %parallel_loop3A_552 : vector<16xi32>
        %parallel_loop3A_554 = arith.extui %parallel_loop3A_553 : vector<16xi1> to vector<16xi32>
        %parallel_loop3A_555 = arith.subi %parallel_loop3A_550, %parallel_loop3A_554 : vector<16xi32>
        %parallel_loop3A_556 = arith.constant 0 : i32
        %parallel_loop3A_557 = arith.cmpi sgt, %parallel_loop3A_544, %parallel_loop3A_556 : i32
        %parallel_loop3A_558 = arith.extui %parallel_loop3A_557 : i1 to i32
        %parallel_loop3A_559 = arith.constant 0 : i32
        %parallel_loop3A_560 = arith.cmpi slt, %parallel_loop3A_544, %parallel_loop3A_559 : i32
        %parallel_loop3A_561 = arith.extui %parallel_loop3A_560 : i1 to i32
        %parallel_loop3A_562 = arith.subi %parallel_loop3A_558, %parallel_loop3A_561 : i32
        %parallel_loop3A_563 = vector.broadcast %parallel_loop3A_562 : i32 to vector<16xi32>
        %parallel_loop3A_564 = arith.cmpi ne, %parallel_loop3A_555, %parallel_loop3A_563 : vector<16xi32>
        %parallel_loop3A_565 = vector.broadcast %parallel_loop3A_544 : i32 to vector<16xi32>
        %parallel_loop3A_566 = arith.remsi %parallel_loop3A_543, %parallel_loop3A_565 : vector<16xi32>
        %parallel_loop3A_567 = arith.constant 0 : i32
        %parallel_loop3A_568 = vector.broadcast %parallel_loop3A_567 : i32 to vector<16xi32>
        %parallel_loop3A_569 = arith.cmpi ne, %parallel_loop3A_566, %parallel_loop3A_568 : vector<16xi32>
        %parallel_loop3A_570 = arith.andi %parallel_loop3A_564, %parallel_loop3A_569 : vector<16xi1>
        %parallel_loop3A_571 = arith.constant 1 : i32
        %parallel_loop3A_572 = vector.broadcast %parallel_loop3A_571 : i32 to vector<16xi32>
        %parallel_loop3A_573 = arith.subi %parallel_loop3A_546, %parallel_loop3A_572 : vector<16xi32>
        %parallel_loop3A_574 = arith.select %parallel_loop3A_570, %parallel_loop3A_573, %parallel_loop3A_546 : vector<16xi1>, vector<16xi32>
        %parallel_loop3A_575 = arith.constant 7 : i32
        %parallel_loop3A_576 = vector.broadcast %parallel_loop3A_575 : i32 to vector<16xi32>
        %parallel_loop3A_577 = arith.andi %parallel_loop3A_543, %parallel_loop3A_576 : vector<16xi32>
        %parallel_loop3A_578 = arith.constant 0 : i32
        %parallel_loop3A_579 = arith.constant 0 : i32
        %parallel_loop3A_580 = tpu.memref_slice %arg6[%parallel_loop3A_370, %parallel_loop3A_578, %parallel_loop3A_579] : memref<4x128x64xf32, #tpu.memory_space<vmem>> -> memref<1x128x64xf32, #tpu.memory_space<vmem>>
        %parallel_loop3A_581 = tpu.memref_squeeze %parallel_loop3A_580 : memref<1x128x64xf32, #tpu.memory_space<vmem>> -> memref<128x64xf32, #tpu.memory_space<vmem>>
        %parallel_loop3A_582 = tpu.vector_load_idx %parallel_loop3A_581[%add3A_3, %parallel_loop3A_543] : memref<128x64xf32, #tpu.memory_space<vmem>>[vector<16xi32>, vector<16xi32>], vector<16xf32>,
        %parallel_loop3A_583 = arith.constant 8.000000e+00 : f32
        %parallel_loop3A_584 = vector.broadcast %parallel_loop3A_583 : f32 to vector<16xf32>
        %parallel_loop3A_585 = arith.mulf %parallel_loop3A_582, %parallel_loop3A_584 : vector<16xf32>
        %parallel_loop3A_586 = arith.constant 0 : i32
        %parallel_loop3A_587 = arith.constant 0 : i32
        %parallel_loop3A_588 = arith.constant 0 : i32
        %parallel_loop3A_589 = tpu.memref_slice %arg7[%parallel_loop3A_371, %parallel_loop3A_586, %parallel_loop3A_587, %parallel_loop3A_588] : memref<4x8x8x130xf32, #tpu.memory_space<vmem>> -> memref<1x8x8x130xf32, #tpu.memory_space<vmem>>
        %parallel_loop3A_590 = tpu.memref_squeeze %parallel_loop3A_589 : memref<1x8x8x130xf32, #tpu.memory_space<vmem>> -> memref<8x8x130xf32, #tpu.memory_space<vmem>>
        tpu.vector_store_idx %parallel_loop3A_590[%parallel_loop3A_574, %parallel_loop3A_577, %add3A_3], %parallel_loop3A_585 : memref<8x8x130xf32, #tpu.memory_space<vmem>>[vector<16xi32>, vector<16xi32>, vector<16xi32>], vector<16xf32>,
        %parallel_loop3A_591 = arith.constant 0 : i32
        %parallel_loop3A_592 = arith.constant 0 : i32
        %parallel_loop3A_593 = tpu.memref_slice %arg6[%parallel_loop3A_370, %parallel_loop3A_591, %parallel_loop3A_592] : memref<4x128x64xf32, #tpu.memory_space<vmem>> -> memref<1x128x64xf32, #tpu.memory_space<vmem>>
        %parallel_loop3A_594 = tpu.memref_squeeze %parallel_loop3A_593 : memref<1x128x64xf32, #tpu.memory_space<vmem>> -> memref<128x64xf32, #tpu.memory_space<vmem>>
        %parallel_loop3A_595 = tpu.vector_load_idx %parallel_loop3A_594[%add3A_6, %parallel_loop3A_543] : memref<128x64xf32, #tpu.memory_space<vmem>>[vector<16xi32>, vector<16xi32>], vector<16xf32>,
        %parallel_loop3A_596 = arith.constant 8.000000e+00 : f32
        %parallel_loop3A_597 = vector.broadcast %parallel_loop3A_596 : f32 to vector<16xf32>
        %parallel_loop3A_598 = arith.mulf %parallel_loop3A_595, %parallel_loop3A_597 : vector<16xf32>
        %parallel_loop3A_599 = arith.constant 0 : i32
        %parallel_loop3A_600 = arith.constant 0 : i32
        %parallel_loop3A_601 = arith.constant 0 : i32
        %parallel_loop3A_602 = tpu.memref_slice %arg7[%parallel_loop3A_371, %parallel_loop3A_599, %parallel_loop3A_600, %parallel_loop3A_601] : memref<4x8x8x130xf32, #tpu.memory_space<vmem>> -> memref<1x8x8x130xf32, #tpu.memory_space<vmem>>
        %parallel_loop3A_603 = tpu.memref_squeeze %parallel_loop3A_602 : memref<1x8x8x130xf32, #tpu.memory_space<vmem>> -> memref<8x8x130xf32, #tpu.memory_space<vmem>>
        tpu.vector_store_idx %parallel_loop3A_603[%parallel_loop3A_574, %parallel_loop3A_577, %add3A_6], %parallel_loop3A_598 : memref<8x8x130xf32, #tpu.memory_space<vmem>>[vector<16xi32>, vector<16xi32>, vector<16xi32>], vector<16xf32>,
        %parallel_loop3A_604 = arith.constant 0 : i32
        %parallel_loop3A_605 = arith.constant 0 : i32
        %parallel_loop3A_606 = tpu.memref_slice %arg6[%parallel_loop3A_370, %parallel_loop3A_604, %parallel_loop3A_605] : memref<4x128x64xf32, #tpu.memory_space<vmem>> -> memref<1x128x64xf32, #tpu.memory_space<vmem>>
        %parallel_loop3A_607 = tpu.memref_squeeze %parallel_loop3A_606 : memref<1x128x64xf32, #tpu.memory_space<vmem>> -> memref<128x64xf32, #tpu.memory_space<vmem>>
        %parallel_loop3A_608 = tpu.vector_load_idx %parallel_loop3A_607[%add3A_9, %parallel_loop3A_543] : memref<128x64xf32, #tpu.memory_space<vmem>>[vector<16xi32>, vector<16xi32>], vector<16xf32>,
        %parallel_loop3A_609 = arith.constant 8.000000e+00 : f32
        %parallel_loop3A_610 = vector.broadcast %parallel_loop3A_609 : f32 to vector<16xf32>
        %parallel_loop3A_611 = arith.mulf %parallel_loop3A_608, %parallel_loop3A_610 : vector<16xf32>
        %parallel_loop3A_612 = arith.constant 0 : i32
        %parallel_loop3A_613 = arith.constant 0 : i32
        %parallel_loop3A_614 = arith.constant 0 : i32
        %parallel_loop3A_615 = tpu.memref_slice %arg7[%parallel_loop3A_371, %parallel_loop3A_612, %parallel_loop3A_613, %parallel_loop3A_614] : memref<4x8x8x130xf32, #tpu.memory_space<vmem>> -> memref<1x8x8x130xf32, #tpu.memory_space<vmem>>
        %parallel_loop3A_616 = tpu.memref_squeeze %parallel_loop3A_615 : memref<1x8x8x130xf32, #tpu.memory_space<vmem>> -> memref<8x8x130xf32, #tpu.memory_space<vmem>>
        tpu.vector_store_idx %parallel_loop3A_616[%parallel_loop3A_574, %parallel_loop3A_577, %add3A_9], %parallel_loop3A_611 : memref<8x8x130xf32, #tpu.memory_space<vmem>>[vector<16xi32>, vector<16xi32>, vector<16xi32>], vector<16xf32>,
        %parallel_loop3A_617 = arith.constant 0 : i32
        %parallel_loop3A_618 = arith.constant 0 : i32
        %parallel_loop3A_619 = tpu.memref_slice %arg6[%parallel_loop3A_370, %parallel_loop3A_617, %parallel_loop3A_618] : memref<4x128x64xf32, #tpu.memory_space<vmem>> -> memref<1x128x64xf32, #tpu.memory_space<vmem>>
        %parallel_loop3A_620 = tpu.memref_squeeze %parallel_loop3A_619 : memref<1x128x64xf32, #tpu.memory_space<vmem>> -> memref<128x64xf32, #tpu.memory_space<vmem>>
        %parallel_loop3A_621 = tpu.vector_load_idx %parallel_loop3A_620[%add3A_12, %parallel_loop3A_543] : memref<128x64xf32, #tpu.memory_space<vmem>>[vector<16xi32>, vector<16xi32>], vector<16xf32>,
        %parallel_loop3A_622 = arith.constant 8.000000e+00 : f32
        %parallel_loop3A_623 = vector.broadcast %parallel_loop3A_622 : f32 to vector<16xf32>
        %parallel_loop3A_624 = arith.mulf %parallel_loop3A_621, %parallel_loop3A_623 : vector<16xf32>
        %parallel_loop3A_625 = arith.constant 0 : i32
        %parallel_loop3A_626 = arith.constant 0 : i32
        %parallel_loop3A_627 = arith.constant 0 : i32
        %parallel_loop3A_628 = tpu.memref_slice %arg7[%parallel_loop3A_371, %parallel_loop3A_625, %parallel_loop3A_626, %parallel_loop3A_627] : memref<4x8x8x130xf32, #tpu.memory_space<vmem>> -> memref<1x8x8x130xf32, #tpu.memory_space<vmem>>
        %parallel_loop3A_629 = tpu.memref_squeeze %parallel_loop3A_628 : memref<1x8x8x130xf32, #tpu.memory_space<vmem>> -> memref<8x8x130xf32, #tpu.memory_space<vmem>>
        tpu.vector_store_idx %parallel_loop3A_629[%parallel_loop3A_574, %parallel_loop3A_577, %add3A_12], %parallel_loop3A_624 : memref<8x8x130xf32, #tpu.memory_space<vmem>>[vector<16xi32>, vector<16xi32>, vector<16xi32>], vector<16xf32>,
        %parallel_loop3A_630 = arith.constant 0 : i32
        %parallel_loop3A_631 = arith.constant 0 : i32
        %parallel_loop3A_632 = tpu.memref_slice %arg6[%parallel_loop3A_370, %parallel_loop3A_630, %parallel_loop3A_631] : memref<4x128x64xf32, #tpu.memory_space<vmem>> -> memref<1x128x64xf32, #tpu.memory_space<vmem>>
        %parallel_loop3A_633 = tpu.memref_squeeze %parallel_loop3A_632 : memref<1x128x64xf32, #tpu.memory_space<vmem>> -> memref<128x64xf32, #tpu.memory_space<vmem>>
        %parallel_loop3A_634 = tpu.vector_load_idx %parallel_loop3A_633[%add3A_15, %parallel_loop3A_543] : memref<128x64xf32, #tpu.memory_space<vmem>>[vector<16xi32>, vector<16xi32>], vector<16xf32>,
        %parallel_loop3A_635 = arith.constant 8.000000e+00 : f32
        %parallel_loop3A_636 = vector.broadcast %parallel_loop3A_635 : f32 to vector<16xf32>
        %parallel_loop3A_637 = arith.mulf %parallel_loop3A_634, %parallel_loop3A_636 : vector<16xf32>
        %parallel_loop3A_638 = arith.constant 0 : i32
        %parallel_loop3A_639 = arith.constant 0 : i32
        %parallel_loop3A_640 = arith.constant 0 : i32
        %parallel_loop3A_641 = tpu.memref_slice %arg7[%parallel_loop3A_371, %parallel_loop3A_638, %parallel_loop3A_639, %parallel_loop3A_640] : memref<4x8x8x130xf32, #tpu.memory_space<vmem>> -> memref<1x8x8x130xf32, #tpu.memory_space<vmem>>
        %parallel_loop3A_642 = tpu.memref_squeeze %parallel_loop3A_641 : memref<1x8x8x130xf32, #tpu.memory_space<vmem>> -> memref<8x8x130xf32, #tpu.memory_space<vmem>>
        tpu.vector_store_idx %parallel_loop3A_642[%parallel_loop3A_574, %parallel_loop3A_577, %add3A_15], %parallel_loop3A_637 : memref<8x8x130xf32, #tpu.memory_space<vmem>>[vector<16xi32>, vector<16xi32>, vector<16xi32>], vector<16xf32>,
        %parallel_loop3A_643 = arith.constant 0 : i32
        %parallel_loop3A_644 = arith.constant 0 : i32
        %parallel_loop3A_645 = tpu.memref_slice %arg6[%parallel_loop3A_370, %parallel_loop3A_643, %parallel_loop3A_644] : memref<4x128x64xf32, #tpu.memory_space<vmem>> -> memref<1x128x64xf32, #tpu.memory_space<vmem>>
        %parallel_loop3A_646 = tpu.memref_squeeze %parallel_loop3A_645 : memref<1x128x64xf32, #tpu.memory_space<vmem>> -> memref<128x64xf32, #tpu.memory_space<vmem>>
        %parallel_loop3A_647 = tpu.vector_load_idx %parallel_loop3A_646[%add3A_18, %parallel_loop3A_543] : memref<128x64xf32, #tpu.memory_space<vmem>>[vector<16xi32>, vector<16xi32>], vector<16xf32>,
        %parallel_loop3A_648 = arith.constant 8.000000e+00 : f32
        %parallel_loop3A_649 = vector.broadcast %parallel_loop3A_648 : f32 to vector<16xf32>
        %parallel_loop3A_650 = arith.mulf %parallel_loop3A_647, %parallel_loop3A_649 : vector<16xf32>
        %parallel_loop3A_651 = arith.constant 0 : i32
        %parallel_loop3A_652 = arith.constant 0 : i32
        %parallel_loop3A_653 = arith.constant 0 : i32
        %parallel_loop3A_654 = tpu.memref_slice %arg7[%parallel_loop3A_371, %parallel_loop3A_651, %parallel_loop3A_652, %parallel_loop3A_653] : memref<4x8x8x130xf32, #tpu.memory_space<vmem>> -> memref<1x8x8x130xf32, #tpu.memory_space<vmem>>
        %parallel_loop3A_655 = tpu.memref_squeeze %parallel_loop3A_654 : memref<1x8x8x130xf32, #tpu.memory_space<vmem>> -> memref<8x8x130xf32, #tpu.memory_space<vmem>>
        tpu.vector_store_idx %parallel_loop3A_655[%parallel_loop3A_574, %parallel_loop3A_577, %add3A_18], %parallel_loop3A_650 : memref<8x8x130xf32, #tpu.memory_space<vmem>>[vector<16xi32>, vector<16xi32>, vector<16xi32>], vector<16xf32>,
        %parallel_loop3A_656 = arith.constant 0 : i32
        %parallel_loop3A_657 = arith.constant 0 : i32
        %parallel_loop3A_658 = tpu.memref_slice %arg6[%parallel_loop3A_370, %parallel_loop3A_656, %parallel_loop3A_657] : memref<4x128x64xf32, #tpu.memory_space<vmem>> -> memref<1x128x64xf32, #tpu.memory_space<vmem>>
        %parallel_loop3A_659 = tpu.memref_squeeze %parallel_loop3A_658 : memref<1x128x64xf32, #tpu.memory_space<vmem>> -> memref<128x64xf32, #tpu.memory_space<vmem>>
        %parallel_loop3A_660 = tpu.vector_load_idx %parallel_loop3A_659[%add3A_21, %parallel_loop3A_543] : memref<128x64xf32, #tpu.memory_space<vmem>>[vector<16xi32>, vector<16xi32>], vector<16xf32>,
        %parallel_loop3A_661 = arith.constant 8.000000e+00 : f32
        %parallel_loop3A_662 = vector.broadcast %parallel_loop3A_661 : f32 to vector<16xf32>
        %parallel_loop3A_663 = arith.mulf %parallel_loop3A_660, %parallel_loop3A_662 : vector<16xf32>
        %parallel_loop3A_664 = arith.constant 0 : i32
        %parallel_loop3A_665 = arith.constant 0 : i32
        %parallel_loop3A_666 = arith.constant 0 : i32
        %parallel_loop3A_667 = tpu.memref_slice %arg7[%parallel_loop3A_371, %parallel_loop3A_664, %parallel_loop3A_665, %parallel_loop3A_666] : memref<4x8x8x130xf32, #tpu.memory_space<vmem>> -> memref<1x8x8x130xf32, #tpu.memory_space<vmem>>
        %parallel_loop3A_668 = tpu.memref_squeeze %parallel_loop3A_667 : memref<1x8x8x130xf32, #tpu.memory_space<vmem>> -> memref<8x8x130xf32, #tpu.memory_space<vmem>>
        tpu.vector_store_idx %parallel_loop3A_668[%parallel_loop3A_574, %parallel_loop3A_577, %add3A_21], %parallel_loop3A_663 : memref<8x8x130xf32, #tpu.memory_space<vmem>>[vector<16xi32>, vector<16xi32>, vector<16xi32>], vector<16xf32>,
        %parallel_loop3A_669 = arith.constant 0 : i32
        %parallel_loop3A_670 = arith.constant 0 : i32
        %parallel_loop3A_671 = tpu.memref_slice %arg6[%parallel_loop3A_370, %parallel_loop3A_669, %parallel_loop3A_670] : memref<4x128x64xf32, #tpu.memory_space<vmem>> -> memref<1x128x64xf32, #tpu.memory_space<vmem>>
        %parallel_loop3A_672 = tpu.memref_squeeze %parallel_loop3A_671 : memref<1x128x64xf32, #tpu.memory_space<vmem>> -> memref<128x64xf32, #tpu.memory_space<vmem>>
        %parallel_loop3A_673 = tpu.vector_load_idx %parallel_loop3A_672[%add3A_24, %parallel_loop3A_543] : memref<128x64xf32, #tpu.memory_space<vmem>>[vector<16xi32>, vector<16xi32>], vector<16xf32>,
        %parallel_loop3A_674 = arith.constant 8.000000e+00 : f32
        %parallel_loop3A_675 = vector.broadcast %parallel_loop3A_674 : f32 to vector<16xf32>
        %parallel_loop3A_676 = arith.mulf %parallel_loop3A_673, %parallel_loop3A_675 : vector<16xf32>
        %parallel_loop3A_677 = arith.constant 0 : i32
        %parallel_loop3A_678 = arith.constant 0 : i32
        %parallel_loop3A_679 = arith.constant 0 : i32
        %parallel_loop3A_680 = tpu.memref_slice %arg7[%parallel_loop3A_371, %parallel_loop3A_677, %parallel_loop3A_678, %parallel_loop3A_679] : memref<4x8x8x130xf32, #tpu.memory_space<vmem>> -> memref<1x8x8x130xf32, #tpu.memory_space<vmem>>
        %parallel_loop3A_681 = tpu.memref_squeeze %parallel_loop3A_680 : memref<1x8x8x130xf32, #tpu.memory_space<vmem>> -> memref<8x8x130xf32, #tpu.memory_space<vmem>>
        tpu.vector_store_idx %parallel_loop3A_681[%parallel_loop3A_574, %parallel_loop3A_577, %add3A_24], %parallel_loop3A_676 : memref<8x8x130xf32, #tpu.memory_space<vmem>>[vector<16xi32>, vector<16xi32>, vector<16xi32>], vector<16xf32>,
      } {sc.loop_unroll_factor = 2 : i64, sc.parallel_access}
      %mul3A_372 = arith.constant 200 : i32
      %mul3A_373 = arith.muli %add3A, %mul3A_372 : i32
      %add3A_374 = arith.addi %mul3A_373, %add3A_349 : i32
      %jit3A_375 = arith.constant 32 : i32
      %div3A_376 = arith.divsi %add3A_374, %jit3A_375 : i32
      %sign3A_377 = arith.constant 0 : i32
      %sign3A_378 = arith.cmpi sgt, %add3A_374, %sign3A_377 : i32
      %sign3A_379 = arith.extui %sign3A_378 : i1 to i32
      %sign3A_380 = arith.constant 0 : i32
      %sign3A_381 = arith.cmpi slt, %add3A_374, %sign3A_380 : i32
      %sign3A_382 = arith.extui %sign3A_381 : i1 to i32
      %sign3A_383 = arith.subi %sign3A_379, %sign3A_382 : i32
      %sign3A_384 = arith.constant 0 : i32
      %sign3A_385 = arith.cmpi sgt, %jit3A_375, %sign3A_384 : i32
      %sign3A_386 = arith.extui %sign3A_385 : i1 to i32
      %sign3A_387 = arith.constant 0 : i32
      %sign3A_388 = arith.cmpi slt, %jit3A_375, %sign3A_387 : i32
      %sign3A_389 = arith.extui %sign3A_388 : i1 to i32
      %sign3A_390 = arith.subi %sign3A_386, %sign3A_389 : i32
      %ne3A_391 = arith.cmpi ne, %sign3A_383, %sign3A_390 : i32
      %rem3A_392 = arith.remsi %add3A_374, %jit3A_375 : i32
      %ne3A_393 = arith.constant 0 : i32
      %ne3A_394 = arith.cmpi ne, %rem3A_392, %ne3A_393 : i32
      %and3A_395 = arith.andi %ne3A_391, %ne3A_394 : i1
      %sub3A_396 = arith.constant 1 : i32
      %sub3A_397 = arith.subi %div3A_376, %sub3A_396 : i32
      %select_n3A_398 = arith.select %and3A_395, %sub3A_397, %div3A_376 : i32
      %jit3A_399 = arith.constant 32 : i32
      %eq3A_400 = arith.constant 0 : i32
      %eq3A_401 = arith.cmpi eq, %jit3A_399, %eq3A_400 : i32
      %jit3A_402 = arith.constant 1 : i32
      %select_n3A_403 = arith.select %eq3A_401, %jit3A_402, %jit3A_399 : i32
      %rem3A_404 = arith.remsi %add3A_374, %select_n3A_403 : i32
      %ne3A_405 = arith.constant 0 : i32
      %ne3A_406 = arith.cmpi ne, %rem3A_404, %ne3A_405 : i32
      %lt3A_407 = arith.constant 0 : i32
      %lt3A_408 = arith.cmpi slt, %rem3A_404, %lt3A_407 : i32
      %lt3A_409 = arith.constant 0 : i32
      %lt3A_410 = arith.cmpi slt, %select_n3A_403, %lt3A_409 : i32
      %ne3A_411 = arith.xori %lt3A_408, %lt3A_410 : i1
      %and3A_412 = arith.andi %ne3A_411, %ne3A_406 : i1
      %add3A_413 = arith.addi %rem3A_404, %select_n3A_403 : i32
      %select_n3A_414 = arith.select %and3A_412, %add3A_413, %rem3A_404 : i32
      %dma_start3A_415 = arith.constant 2 : i32
      %dma_start3A_416 = arith.constant 0 : i32
      %dma_start3A_417 = arith.constant 0 : i32
      %dma_start3A_418 = arith.constant 0 : i32
      %dma_start3A_419 = tpu.memref_slice %arg7[%dma_start3A_415, %dma_start3A_416, %dma_start3A_417, %dma_start3A_418] : memref<4x8x8x130xf32, #tpu.memory_space<vmem>> -> memref<1x8x8x128xf32, #tpu.memory_space<vmem>>
      %dma_start3A_420 = tpu.memref_squeeze %dma_start3A_419 : memref<1x8x8x128xf32, #tpu.memory_space<vmem>> -> memref<8x8x128xf32, #tpu.memory_space<vmem>>
      %dma_start3A_421 = arith.constant 0 : i32
      %dma_start3A_422 = arith.constant 0 : i32
      %dma_start3A_423 = arith.constant 0 : i32
      %dma_start3A_424 = tpu.memref_slice %arg4[%select_n3A_398, %dma_start3A_421, %select_n3A_414, %dma_start3A_422, %dma_start3A_423] : memref<200x8x32x8x128xf32, #tpu.memory_space<hbm>> -> memref<1x8x1x8x128xf32, #tpu.memory_space<hbm>>
      %dma_start3A_425 = tpu.memref_squeeze %dma_start3A_424 : memref<1x8x1x8x128xf32, #tpu.memory_space<hbm>> -> memref<8x8x128xf32, #tpu.memory_space<hbm>>
      %dma_start3A_426 = arith.constant 0 : i32
      %dma_start3A_427 = arith.constant 0 : i32
      %dma_start3A_428 = arith.constant 0 : i32
      %dma_start3A_429 = tpu.memref_slice %arg4[%select_n3A_398, %dma_start3A_426, %select_n3A_414, %dma_start3A_427, %dma_start3A_428] : memref<200x8x32x8x128xf32, #tpu.memory_space<hbm>> -> memref<1x8x1x8x128xf32, #tpu.memory_space<hbm>>
      %dma_start3A_430 = tpu.memref_squeeze %dma_start3A_429 : memref<1x8x1x8x128xf32, #tpu.memory_space<hbm>> -> memref<8x8x128xf32, #tpu.memory_space<hbm>>
      %dma_start3A_431 = arith.constant 0 : i32
      %dma_start3A_432 = arith.constant 0 : i32
      %dma_start3A_433 = arith.constant 0 : i32
      %dma_start3A_434 = tpu.memref_slice %arg7[%dma_start3A_415, %dma_start3A_431, %dma_start3A_432, %dma_start3A_433] : memref<4x8x8x130xf32, #tpu.memory_space<vmem>> -> memref<1x8x8x128xf32, #tpu.memory_space<vmem>>
      %dma_start3A_435 = tpu.memref_squeeze %dma_start3A_434 : memref<1x8x8x128xf32, #tpu.memory_space<vmem>> -> memref<8x8x128xf32, #tpu.memory_space<vmem>>
      tpu.enqueue_dma source(%dma_start3A_435 : memref<8x8x128xf32, #tpu.memory_space<vmem>>) target(%dma_start3A_430 : memref<8x8x128xf32, #tpu.memory_space<hbm>>) target_semaphore(%arg14 : memref<!tpu.dma_semaphore, #tpu.memory_space<semaphore_mem>>)
      %add3A_436 = arith.constant 4 : i32
      %add3A_437 = arith.addi %add3A_349, %add3A_436 : i32
      %lt3A_438 = arith.constant 200 : i32
      %lt3A_439 = arith.cmpi slt, %add3A_437, %lt3A_438 : i32
      %convert_element_type3A_440 = arith.extui %lt3A_439 : i1 to i32
      %cond3A_441 = arith.constant 0 : i32
      %cond3A_442 = arith.cmpi ne, %convert_element_type3A_440, %cond3A_441 : i32
      scf.if %cond3A_442 {
        %add3A_538 = arith.constant 4 : i32
        %add3A_539 = arith.addi %add3A_349, %add3A_538 : i32
        %dma_start3A_540 = arith.constant 2 : i32
        %dma_start3A_541 = arith.constant 0 : i32
        %dma_start3A_542 = arith.constant 0 : i32
        %dma_start3A_543 = tpu.memref_slice %arg6[%dma_start3A_540, %dma_start3A_541, %dma_start3A_542] : memref<4x128x64xf32, #tpu.memory_space<vmem>> -> memref<1x128x64xf32, #tpu.memory_space<vmem>>
        %dma_start3A_544 = tpu.memref_squeeze %dma_start3A_543 : memref<1x128x64xf32, #tpu.memory_space<vmem>> -> memref<128x64xf32, #tpu.memory_space<vmem>>
        %dma_start3A_545 = arith.constant 0 : i32
        %dma_start3A_546 = tpu.memref_slice %arg5[%add3A_539, %dma_start3A_545] : memref<200x128xi32, #tpu.memory_space<vmem>> -> memref<1x128xi32, #tpu.memory_space<vmem>>
        %dma_start3A_547 = tpu.memref_squeeze %dma_start3A_546 : memref<1x128xi32, #tpu.memory_space<vmem>> -> memref<128xi32, #tpu.memory_space<vmem>>
        %dma_start3A_548 = arith.constant 0 : i32
        %dma_start3A_549 = arith.constant 0 : i32
        %dma_start3A_550 = tpu.memref_slice %arg3[%dma_start3A_548, %dma_start3A_549] : memref<100000x64xf32, #tpu.memory_space<hbm>> -> memref<100000x64xf32, #tpu.memory_space<hbm>>
        tpu.enqueue_indirect_dma source(%dma_start3A_550 : memref<100000x64xf32, #tpu.memory_space<hbm>>) target(%dma_start3A_544 : memref<128x64xf32, #tpu.memory_space<vmem>>) offsets(%dma_start3A_547 : memref<128xi32, #tpu.memory_space<vmem>>) semaphore(%arg10 : memref<!tpu.dma_semaphore, #tpu.memory_space<semaphore_mem>>)
      } else {
      }
      %add3A_443 = arith.constant 3 : i32
      %add3A_444 = arith.addi %add3A_171, %add3A_443 : i32
      %dma_wait3A_445 = arith.constant 0 : i32
      %dma_wait3A_446 = arith.constant 3 : i32
      %dma_wait3A_447 = arith.constant 0 : i32
      %dma_wait3A_448 = arith.constant 0 : i32
      %dma_wait3A_449 = tpu.memref_slice %arg6[%dma_wait3A_446, %dma_wait3A_447, %dma_wait3A_448] : memref<4x128x64xf32, #tpu.memory_space<vmem>> -> memref<1x128x64xf32, #tpu.memory_space<vmem>>
      %dma_wait3A_450 = tpu.memref_squeeze %dma_wait3A_449 : memref<1x128x64xf32, #tpu.memory_space<vmem>> -> memref<128x64xf32, #tpu.memory_space<vmem>>
      %dma_wait3A_451 = arith.constant 0 : i32
      %dma_wait3A_452 = tpu.memref_slice %arg5[%dma_wait3A_445, %dma_wait3A_451] : memref<200x128xi32, #tpu.memory_space<vmem>> -> memref<1x128xi32, #tpu.memory_space<vmem>>
      %dma_wait3A_453 = tpu.memref_squeeze %dma_wait3A_452 : memref<1x128xi32, #tpu.memory_space<vmem>> -> memref<128xi32, #tpu.memory_space<vmem>>
      %dma_wait3A_454 = arith.constant 0 : i32
      %dma_wait3A_455 = arith.constant 0 : i32
      %dma_wait3A_456 = tpu.memref_slice %arg3[%dma_wait3A_454, %dma_wait3A_455] : memref<100000x64xf32, #tpu.memory_space<hbm>> -> memref<100000x64xf32, #tpu.memory_space<hbm>>
      tpu.wait_indirect_dma semaphore(%arg11 : memref<!tpu.dma_semaphore, #tpu.memory_space<semaphore_mem>>) src(%dma_wait3A_456 : memref<100000x64xf32, #tpu.memory_space<hbm>>) dst(%dma_wait3A_450 : memref<128x64xf32, #tpu.memory_space<vmem>>)
      %ge3A_457 = arith.constant 4 : i32
      %ge3A_458 = arith.cmpi sge, %add3A_444, %ge3A_457 : i32
      %convert_element_type3A_459 = arith.extui %ge3A_458 : i1 to i32
      %cond3A_460 = arith.constant 0 : i32
      %cond3A_461 = arith.cmpi ne, %convert_element_type3A_459, %cond3A_460 : i32
      scf.if %cond3A_461 {
        %dma_wait3A_538 = arith.constant 3 : i32
        %dma_wait3A_539 = arith.constant 0 : i32
        %dma_wait3A_540 = arith.constant 0 : i32
        %dma_wait3A_541 = arith.constant 0 : i32
        %dma_wait3A_542 = arith.constant 0 : i32
        %dma_wait3A_543 = arith.constant 0 : i32
        %dma_wait3A_544 = tpu.memref_slice %arg7[%dma_wait3A_538, %dma_wait3A_541, %dma_wait3A_542, %dma_wait3A_543] : memref<4x8x8x130xf32, #tpu.memory_space<vmem>> -> memref<1x8x8x128xf32, #tpu.memory_space<vmem>>
        %dma_wait3A_545 = tpu.memref_squeeze %dma_wait3A_544 : memref<1x8x8x128xf32, #tpu.memory_space<vmem>> -> memref<8x8x128xf32, #tpu.memory_space<vmem>>
        %dma_wait3A_546 = arith.constant 0 : i32
        %dma_wait3A_547 = arith.constant 0 : i32
        %dma_wait3A_548 = arith.constant 0 : i32
        %dma_wait3A_549 = tpu.memref_slice %arg4[%dma_wait3A_539, %dma_wait3A_546, %dma_wait3A_540, %dma_wait3A_547, %dma_wait3A_548] : memref<200x8x32x8x128xf32, #tpu.memory_space<hbm>> -> memref<1x8x1x8x128xf32, #tpu.memory_space<hbm>>
        %dma_wait3A_550 = tpu.memref_squeeze %dma_wait3A_549 : memref<1x8x1x8x128xf32, #tpu.memory_space<hbm>> -> memref<8x8x128xf32, #tpu.memory_space<hbm>>
        %dma_wait3A_551 = arith.constant 0 : i32
        %dma_wait3A_552 = arith.constant 0 : i32
        %dma_wait3A_553 = arith.constant 0 : i32
        %dma_wait3A_554 = tpu.memref_slice %arg4[%dma_wait3A_539, %dma_wait3A_551, %dma_wait3A_540, %dma_wait3A_552, %dma_wait3A_553] : memref<200x8x32x8x128xf32, #tpu.memory_space<hbm>> -> memref<1x8x1x8x128xf32, #tpu.memory_space<hbm>>
        %dma_wait3A_555 = tpu.memref_squeeze %dma_wait3A_554 : memref<1x8x1x8x128xf32, #tpu.memory_space<hbm>> -> memref<8x8x128xf32, #tpu.memory_space<hbm>>
        %dma_wait3A_556 = arith.constant 0 : i32
        %dma_wait3A_557 = arith.constant 0 : i32
        %dma_wait3A_558 = arith.constant 0 : i32
        %dma_wait3A_559 = tpu.memref_slice %arg7[%dma_wait3A_538, %dma_wait3A_556, %dma_wait3A_557, %dma_wait3A_558] : memref<4x8x8x130xf32, #tpu.memory_space<vmem>> -> memref<1x8x8x128xf32, #tpu.memory_space<vmem>>
        %dma_wait3A_560 = tpu.memref_squeeze %dma_wait3A_559 : memref<1x8x8x128xf32, #tpu.memory_space<vmem>> -> memref<8x8x128xf32, #tpu.memory_space<vmem>>
        tpu.wait_dma2 semaphore(%arg15 : memref<!tpu.dma_semaphore, #tpu.memory_space<semaphore_mem>>) src(%dma_wait3A_560 : memref<8x8x128xf32, #tpu.memory_space<vmem>>) dst(%dma_wait3A_555 : memref<8x8x128xf32, #tpu.memory_space<hbm>>)
      } else {
      }
      %parallel_loop3A_462 = arith.constant 0 : i32
      %parallel_loop3A_463 = arith.constant 64 : i32
      %parallel_loop3A_464 = arith.constant 1 : i32
      %parallel_loop3A_465 = arith.constant 3 : i32
      %parallel_loop3A_466 = arith.constant 3 : i32
      scf.for %parallel_loop3A_538 = %parallel_loop3A_462 to %parallel_loop3A_463 step %parallel_loop3A_464  : i32 {
        %parallel_loop3A_539 = vector.broadcast %parallel_loop3A_538 : i32 to vector<16xi32>
        %parallel_loop3A_540 = arith.addi %parallel_loop3A_539, %iota3A : vector<16xi32>
        %parallel_loop3A_541 = arith.constant 63 : i32
        %parallel_loop3A_542 = vector.broadcast %parallel_loop3A_541 : i32 to vector<16xi32>
        %parallel_loop3A_543 = arith.andi %parallel_loop3A_540, %parallel_loop3A_542 : vector<16xi32>
        %parallel_loop3A_544 = arith.constant 8 : i32
        %parallel_loop3A_545 = vector.broadcast %parallel_loop3A_544 : i32 to vector<16xi32>
        %parallel_loop3A_546 = arith.divsi %parallel_loop3A_543, %parallel_loop3A_545 : vector<16xi32>
        %parallel_loop3A_547 = arith.constant 0 : i32
        %parallel_loop3A_548 = vector.broadcast %parallel_loop3A_547 : i32 to vector<16xi32>
        %parallel_loop3A_549 = arith.cmpi sgt, %parallel_loop3A_543, %parallel_loop3A_548 : vector<16xi32>
        %parallel_loop3A_550 = arith.extui %parallel_loop3A_549 : vector<16xi1> to vector<16xi32>
        %parallel_loop3A_551 = arith.constant 0 : i32
        %parallel_loop3A_552 = vector.broadcast %parallel_loop3A_551 : i32 to vector<16xi32>
        %parallel_loop3A_553 = arith.cmpi slt, %parallel_loop3A_543, %parallel_loop3A_552 : vector<16xi32>
        %parallel_loop3A_554 = arith.extui %parallel_loop3A_553 : vector<16xi1> to vector<16xi32>
        %parallel_loop3A_555 = arith.subi %parallel_loop3A_550, %parallel_loop3A_554 : vector<16xi32>
        %parallel_loop3A_556 = arith.constant 0 : i32
        %parallel_loop3A_557 = arith.cmpi sgt, %parallel_loop3A_544, %parallel_loop3A_556 : i32
        %parallel_loop3A_558 = arith.extui %parallel_loop3A_557 : i1 to i32
        %parallel_loop3A_559 = arith.constant 0 : i32
        %parallel_loop3A_560 = arith.cmpi slt, %parallel_loop3A_544, %parallel_loop3A_559 : i32
        %parallel_loop3A_561 = arith.extui %parallel_loop3A_560 : i1 to i32
        %parallel_loop3A_562 = arith.subi %parallel_loop3A_558, %parallel_loop3A_561 : i32
        %parallel_loop3A_563 = vector.broadcast %parallel_loop3A_562 : i32 to vector<16xi32>
        %parallel_loop3A_564 = arith.cmpi ne, %parallel_loop3A_555, %parallel_loop3A_563 : vector<16xi32>
        %parallel_loop3A_565 = vector.broadcast %parallel_loop3A_544 : i32 to vector<16xi32>
        %parallel_loop3A_566 = arith.remsi %parallel_loop3A_543, %parallel_loop3A_565 : vector<16xi32>
        %parallel_loop3A_567 = arith.constant 0 : i32
        %parallel_loop3A_568 = vector.broadcast %parallel_loop3A_567 : i32 to vector<16xi32>
        %parallel_loop3A_569 = arith.cmpi ne, %parallel_loop3A_566, %parallel_loop3A_568 : vector<16xi32>
        %parallel_loop3A_570 = arith.andi %parallel_loop3A_564, %parallel_loop3A_569 : vector<16xi1>
        %parallel_loop3A_571 = arith.constant 1 : i32
        %parallel_loop3A_572 = vector.broadcast %parallel_loop3A_571 : i32 to vector<16xi32>
        %parallel_loop3A_573 = arith.subi %parallel_loop3A_546, %parallel_loop3A_572 : vector<16xi32>
        %parallel_loop3A_574 = arith.select %parallel_loop3A_570, %parallel_loop3A_573, %parallel_loop3A_546 : vector<16xi1>, vector<16xi32>
        %parallel_loop3A_575 = arith.constant 7 : i32
        %parallel_loop3A_576 = vector.broadcast %parallel_loop3A_575 : i32 to vector<16xi32>
        %parallel_loop3A_577 = arith.andi %parallel_loop3A_543, %parallel_loop3A_576 : vector<16xi32>
        %parallel_loop3A_578 = arith.constant 0 : i32
        %parallel_loop3A_579 = arith.constant 0 : i32
        %parallel_loop3A_580 = tpu.memref_slice %arg6[%parallel_loop3A_465, %parallel_loop3A_578, %parallel_loop3A_579] : memref<4x128x64xf32, #tpu.memory_space<vmem>> -> memref<1x128x64xf32, #tpu.memory_space<vmem>>
        %parallel_loop3A_581 = tpu.memref_squeeze %parallel_loop3A_580 : memref<1x128x64xf32, #tpu.memory_space<vmem>> -> memref<128x64xf32, #tpu.memory_space<vmem>>
        %parallel_loop3A_582 = tpu.vector_load_idx %parallel_loop3A_581[%add3A_3, %parallel_loop3A_543] : memref<128x64xf32, #tpu.memory_space<vmem>>[vector<16xi32>, vector<16xi32>], vector<16xf32>,
        %parallel_loop3A_583 = arith.constant 8.000000e+00 : f32
        %parallel_loop3A_584 = vector.broadcast %parallel_loop3A_583 : f32 to vector<16xf32>
        %parallel_loop3A_585 = arith.mulf %parallel_loop3A_582, %parallel_loop3A_584 : vector<16xf32>
        %parallel_loop3A_586 = arith.constant 0 : i32
        %parallel_loop3A_587 = arith.constant 0 : i32
        %parallel_loop3A_588 = arith.constant 0 : i32
        %parallel_loop3A_589 = tpu.memref_slice %arg7[%parallel_loop3A_466, %parallel_loop3A_586, %parallel_loop3A_587, %parallel_loop3A_588] : memref<4x8x8x130xf32, #tpu.memory_space<vmem>> -> memref<1x8x8x130xf32, #tpu.memory_space<vmem>>
        %parallel_loop3A_590 = tpu.memref_squeeze %parallel_loop3A_589 : memref<1x8x8x130xf32, #tpu.memory_space<vmem>> -> memref<8x8x130xf32, #tpu.memory_space<vmem>>
        tpu.vector_store_idx %parallel_loop3A_590[%parallel_loop3A_574, %parallel_loop3A_577, %add3A_3], %parallel_loop3A_585 : memref<8x8x130xf32, #tpu.memory_space<vmem>>[vector<16xi32>, vector<16xi32>, vector<16xi32>], vector<16xf32>,
        %parallel_loop3A_591 = arith.constant 0 : i32
        %parallel_loop3A_592 = arith.constant 0 : i32
        %parallel_loop3A_593 = tpu.memref_slice %arg6[%parallel_loop3A_465, %parallel_loop3A_591, %parallel_loop3A_592] : memref<4x128x64xf32, #tpu.memory_space<vmem>> -> memref<1x128x64xf32, #tpu.memory_space<vmem>>
        %parallel_loop3A_594 = tpu.memref_squeeze %parallel_loop3A_593 : memref<1x128x64xf32, #tpu.memory_space<vmem>> -> memref<128x64xf32, #tpu.memory_space<vmem>>
        %parallel_loop3A_595 = tpu.vector_load_idx %parallel_loop3A_594[%add3A_6, %parallel_loop3A_543] : memref<128x64xf32, #tpu.memory_space<vmem>>[vector<16xi32>, vector<16xi32>], vector<16xf32>,
        %parallel_loop3A_596 = arith.constant 8.000000e+00 : f32
        %parallel_loop3A_597 = vector.broadcast %parallel_loop3A_596 : f32 to vector<16xf32>
        %parallel_loop3A_598 = arith.mulf %parallel_loop3A_595, %parallel_loop3A_597 : vector<16xf32>
        %parallel_loop3A_599 = arith.constant 0 : i32
        %parallel_loop3A_600 = arith.constant 0 : i32
        %parallel_loop3A_601 = arith.constant 0 : i32
        %parallel_loop3A_602 = tpu.memref_slice %arg7[%parallel_loop3A_466, %parallel_loop3A_599, %parallel_loop3A_600, %parallel_loop3A_601] : memref<4x8x8x130xf32, #tpu.memory_space<vmem>> -> memref<1x8x8x130xf32, #tpu.memory_space<vmem>>
        %parallel_loop3A_603 = tpu.memref_squeeze %parallel_loop3A_602 : memref<1x8x8x130xf32, #tpu.memory_space<vmem>> -> memref<8x8x130xf32, #tpu.memory_space<vmem>>
        tpu.vector_store_idx %parallel_loop3A_603[%parallel_loop3A_574, %parallel_loop3A_577, %add3A_6], %parallel_loop3A_598 : memref<8x8x130xf32, #tpu.memory_space<vmem>>[vector<16xi32>, vector<16xi32>, vector<16xi32>], vector<16xf32>,
        %parallel_loop3A_604 = arith.constant 0 : i32
        %parallel_loop3A_605 = arith.constant 0 : i32
        %parallel_loop3A_606 = tpu.memref_slice %arg6[%parallel_loop3A_465, %parallel_loop3A_604, %parallel_loop3A_605] : memref<4x128x64xf32, #tpu.memory_space<vmem>> -> memref<1x128x64xf32, #tpu.memory_space<vmem>>
        %parallel_loop3A_607 = tpu.memref_squeeze %parallel_loop3A_606 : memref<1x128x64xf32, #tpu.memory_space<vmem>> -> memref<128x64xf32, #tpu.memory_space<vmem>>
        %parallel_loop3A_608 = tpu.vector_load_idx %parallel_loop3A_607[%add3A_9, %parallel_loop3A_543] : memref<128x64xf32, #tpu.memory_space<vmem>>[vector<16xi32>, vector<16xi32>], vector<16xf32>,
        %parallel_loop3A_609 = arith.constant 8.000000e+00 : f32
        %parallel_loop3A_610 = vector.broadcast %parallel_loop3A_609 : f32 to vector<16xf32>
        %parallel_loop3A_611 = arith.mulf %parallel_loop3A_608, %parallel_loop3A_610 : vector<16xf32>
        %parallel_loop3A_612 = arith.constant 0 : i32
        %parallel_loop3A_613 = arith.constant 0 : i32
        %parallel_loop3A_614 = arith.constant 0 : i32
        %parallel_loop3A_615 = tpu.memref_slice %arg7[%parallel_loop3A_466, %parallel_loop3A_612, %parallel_loop3A_613, %parallel_loop3A_614] : memref<4x8x8x130xf32, #tpu.memory_space<vmem>> -> memref<1x8x8x130xf32, #tpu.memory_space<vmem>>
        %parallel_loop3A_616 = tpu.memref_squeeze %parallel_loop3A_615 : memref<1x8x8x130xf32, #tpu.memory_space<vmem>> -> memref<8x8x130xf32, #tpu.memory_space<vmem>>
        tpu.vector_store_idx %parallel_loop3A_616[%parallel_loop3A_574, %parallel_loop3A_577, %add3A_9], %parallel_loop3A_611 : memref<8x8x130xf32, #tpu.memory_space<vmem>>[vector<16xi32>, vector<16xi32>, vector<16xi32>], vector<16xf32>,
        %parallel_loop3A_617 = arith.constant 0 : i32
        %parallel_loop3A_618 = arith.constant 0 : i32
        %parallel_loop3A_619 = tpu.memref_slice %arg6[%parallel_loop3A_465, %parallel_loop3A_617, %parallel_loop3A_618] : memref<4x128x64xf32, #tpu.memory_space<vmem>> -> memref<1x128x64xf32, #tpu.memory_space<vmem>>
        %parallel_loop3A_620 = tpu.memref_squeeze %parallel_loop3A_619 : memref<1x128x64xf32, #tpu.memory_space<vmem>> -> memref<128x64xf32, #tpu.memory_space<vmem>>
        %parallel_loop3A_621 = tpu.vector_load_idx %parallel_loop3A_620[%add3A_12, %parallel_loop3A_543] : memref<128x64xf32, #tpu.memory_space<vmem>>[vector<16xi32>, vector<16xi32>], vector<16xf32>,
        %parallel_loop3A_622 = arith.constant 8.000000e+00 : f32
        %parallel_loop3A_623 = vector.broadcast %parallel_loop3A_622 : f32 to vector<16xf32>
        %parallel_loop3A_624 = arith.mulf %parallel_loop3A_621, %parallel_loop3A_623 : vector<16xf32>
        %parallel_loop3A_625 = arith.constant 0 : i32
        %parallel_loop3A_626 = arith.constant 0 : i32
        %parallel_loop3A_627 = arith.constant 0 : i32
        %parallel_loop3A_628 = tpu.memref_slice %arg7[%parallel_loop3A_466, %parallel_loop3A_625, %parallel_loop3A_626, %parallel_loop3A_627] : memref<4x8x8x130xf32, #tpu.memory_space<vmem>> -> memref<1x8x8x130xf32, #tpu.memory_space<vmem>>
        %parallel_loop3A_629 = tpu.memref_squeeze %parallel_loop3A_628 : memref<1x8x8x130xf32, #tpu.memory_space<vmem>> -> memref<8x8x130xf32, #tpu.memory_space<vmem>>
        tpu.vector_store_idx %parallel_loop3A_629[%parallel_loop3A_574, %parallel_loop3A_577, %add3A_12], %parallel_loop3A_624 : memref<8x8x130xf32, #tpu.memory_space<vmem>>[vector<16xi32>, vector<16xi32>, vector<16xi32>], vector<16xf32>,
        %parallel_loop3A_630 = arith.constant 0 : i32
        %parallel_loop3A_631 = arith.constant 0 : i32
        %parallel_loop3A_632 = tpu.memref_slice %arg6[%parallel_loop3A_465, %parallel_loop3A_630, %parallel_loop3A_631] : memref<4x128x64xf32, #tpu.memory_space<vmem>> -> memref<1x128x64xf32, #tpu.memory_space<vmem>>
        %parallel_loop3A_633 = tpu.memref_squeeze %parallel_loop3A_632 : memref<1x128x64xf32, #tpu.memory_space<vmem>> -> memref<128x64xf32, #tpu.memory_space<vmem>>
        %parallel_loop3A_634 = tpu.vector_load_idx %parallel_loop3A_633[%add3A_15, %parallel_loop3A_543] : memref<128x64xf32, #tpu.memory_space<vmem>>[vector<16xi32>, vector<16xi32>], vector<16xf32>,
        %parallel_loop3A_635 = arith.constant 8.000000e+00 : f32
        %parallel_loop3A_636 = vector.broadcast %parallel_loop3A_635 : f32 to vector<16xf32>
        %parallel_loop3A_637 = arith.mulf %parallel_loop3A_634, %parallel_loop3A_636 : vector<16xf32>
        %parallel_loop3A_638 = arith.constant 0 : i32
        %parallel_loop3A_639 = arith.constant 0 : i32
        %parallel_loop3A_640 = arith.constant 0 : i32
        %parallel_loop3A_641 = tpu.memref_slice %arg7[%parallel_loop3A_466, %parallel_loop3A_638, %parallel_loop3A_639, %parallel_loop3A_640] : memref<4x8x8x130xf32, #tpu.memory_space<vmem>> -> memref<1x8x8x130xf32, #tpu.memory_space<vmem>>
        %parallel_loop3A_642 = tpu.memref_squeeze %parallel_loop3A_641 : memref<1x8x8x130xf32, #tpu.memory_space<vmem>> -> memref<8x8x130xf32, #tpu.memory_space<vmem>>
        tpu.vector_store_idx %parallel_loop3A_642[%parallel_loop3A_574, %parallel_loop3A_577, %add3A_15], %parallel_loop3A_637 : memref<8x8x130xf32, #tpu.memory_space<vmem>>[vector<16xi32>, vector<16xi32>, vector<16xi32>], vector<16xf32>,
        %parallel_loop3A_643 = arith.constant 0 : i32
        %parallel_loop3A_644 = arith.constant 0 : i32
        %parallel_loop3A_645 = tpu.memref_slice %arg6[%parallel_loop3A_465, %parallel_loop3A_643, %parallel_loop3A_644] : memref<4x128x64xf32, #tpu.memory_space<vmem>> -> memref<1x128x64xf32, #tpu.memory_space<vmem>>
        %parallel_loop3A_646 = tpu.memref_squeeze %parallel_loop3A_645 : memref<1x128x64xf32, #tpu.memory_space<vmem>> -> memref<128x64xf32, #tpu.memory_space<vmem>>
        %parallel_loop3A_647 = tpu.vector_load_idx %parallel_loop3A_646[%add3A_18, %parallel_loop3A_543] : memref<128x64xf32, #tpu.memory_space<vmem>>[vector<16xi32>, vector<16xi32>], vector<16xf32>,
        %parallel_loop3A_648 = arith.constant 8.000000e+00 : f32
        %parallel_loop3A_649 = vector.broadcast %parallel_loop3A_648 : f32 to vector<16xf32>
        %parallel_loop3A_650 = arith.mulf %parallel_loop3A_647, %parallel_loop3A_649 : vector<16xf32>
        %parallel_loop3A_651 = arith.constant 0 : i32
        %parallel_loop3A_652 = arith.constant 0 : i32
        %parallel_loop3A_653 = arith.constant 0 : i32
        %parallel_loop3A_654 = tpu.memref_slice %arg7[%parallel_loop3A_466, %parallel_loop3A_651, %parallel_loop3A_652, %parallel_loop3A_653] : memref<4x8x8x130xf32, #tpu.memory_space<vmem>> -> memref<1x8x8x130xf32, #tpu.memory_space<vmem>>
        %parallel_loop3A_655 = tpu.memref_squeeze %parallel_loop3A_654 : memref<1x8x8x130xf32, #tpu.memory_space<vmem>> -> memref<8x8x130xf32, #tpu.memory_space<vmem>>
        tpu.vector_store_idx %parallel_loop3A_655[%parallel_loop3A_574, %parallel_loop3A_577, %add3A_18], %parallel_loop3A_650 : memref<8x8x130xf32, #tpu.memory_space<vmem>>[vector<16xi32>, vector<16xi32>, vector<16xi32>], vector<16xf32>,
        %parallel_loop3A_656 = arith.constant 0 : i32
        %parallel_loop3A_657 = arith.constant 0 : i32
        %parallel_loop3A_658 = tpu.memref_slice %arg6[%parallel_loop3A_465, %parallel_loop3A_656, %parallel_loop3A_657] : memref<4x128x64xf32, #tpu.memory_space<vmem>> -> memref<1x128x64xf32, #tpu.memory_space<vmem>>
        %parallel_loop3A_659 = tpu.memref_squeeze %parallel_loop3A_658 : memref<1x128x64xf32, #tpu.memory_space<vmem>> -> memref<128x64xf32, #tpu.memory_space<vmem>>
        %parallel_loop3A_660 = tpu.vector_load_idx %parallel_loop3A_659[%add3A_21, %parallel_loop3A_543] : memref<128x64xf32, #tpu.memory_space<vmem>>[vector<16xi32>, vector<16xi32>], vector<16xf32>,
        %parallel_loop3A_661 = arith.constant 8.000000e+00 : f32
        %parallel_loop3A_662 = vector.broadcast %parallel_loop3A_661 : f32 to vector<16xf32>
        %parallel_loop3A_663 = arith.mulf %parallel_loop3A_660, %parallel_loop3A_662 : vector<16xf32>
        %parallel_loop3A_664 = arith.constant 0 : i32
        %parallel_loop3A_665 = arith.constant 0 : i32
        %parallel_loop3A_666 = arith.constant 0 : i32
        %parallel_loop3A_667 = tpu.memref_slice %arg7[%parallel_loop3A_466, %parallel_loop3A_664, %parallel_loop3A_665, %parallel_loop3A_666] : memref<4x8x8x130xf32, #tpu.memory_space<vmem>> -> memref<1x8x8x130xf32, #tpu.memory_space<vmem>>
        %parallel_loop3A_668 = tpu.memref_squeeze %parallel_loop3A_667 : memref<1x8x8x130xf32, #tpu.memory_space<vmem>> -> memref<8x8x130xf32, #tpu.memory_space<vmem>>
        tpu.vector_store_idx %parallel_loop3A_668[%parallel_loop3A_574, %parallel_loop3A_577, %add3A_21], %parallel_loop3A_663 : memref<8x8x130xf32, #tpu.memory_space<vmem>>[vector<16xi32>, vector<16xi32>, vector<16xi32>], vector<16xf32>,
        %parallel_loop3A_669 = arith.constant 0 : i32
        %parallel_loop3A_670 = arith.constant 0 : i32
        %parallel_loop3A_671 = tpu.memref_slice %arg6[%parallel_loop3A_465, %parallel_loop3A_669, %parallel_loop3A_670] : memref<4x128x64xf32, #tpu.memory_space<vmem>> -> memref<1x128x64xf32, #tpu.memory_space<vmem>>
        %parallel_loop3A_672 = tpu.memref_squeeze %parallel_loop3A_671 : memref<1x128x64xf32, #tpu.memory_space<vmem>> -> memref<128x64xf32, #tpu.memory_space<vmem>>
        %parallel_loop3A_673 = tpu.vector_load_idx %parallel_loop3A_672[%add3A_24, %parallel_loop3A_543] : memref<128x64xf32, #tpu.memory_space<vmem>>[vector<16xi32>, vector<16xi32>], vector<16xf32>,
        %parallel_loop3A_674 = arith.constant 8.000000e+00 : f32
        %parallel_loop3A_675 = vector.broadcast %parallel_loop3A_674 : f32 to vector<16xf32>
        %parallel_loop3A_676 = arith.mulf %parallel_loop3A_673, %parallel_loop3A_675 : vector<16xf32>
        %parallel_loop3A_677 = arith.constant 0 : i32
        %parallel_loop3A_678 = arith.constant 0 : i32
        %parallel_loop3A_679 = arith.constant 0 : i32
        %parallel_loop3A_680 = tpu.memref_slice %arg7[%parallel_loop3A_466, %parallel_loop3A_677, %parallel_loop3A_678, %parallel_loop3A_679] : memref<4x8x8x130xf32, #tpu.memory_space<vmem>> -> memref<1x8x8x130xf32, #tpu.memory_space<vmem>>
        %parallel_loop3A_681 = tpu.memref_squeeze %parallel_loop3A_680 : memref<1x8x8x130xf32, #tpu.memory_space<vmem>> -> memref<8x8x130xf32, #tpu.memory_space<vmem>>
        tpu.vector_store_idx %parallel_loop3A_681[%parallel_loop3A_574, %parallel_loop3A_577, %add3A_24], %parallel_loop3A_676 : memref<8x8x130xf32, #tpu.memory_space<vmem>>[vector<16xi32>, vector<16xi32>, vector<16xi32>], vector<16xf32>,
      } {sc.loop_unroll_factor = 2 : i64, sc.parallel_access}
      %mul3A_467 = arith.constant 200 : i32
      %mul3A_468 = arith.muli %add3A, %mul3A_467 : i32
      %add3A_469 = arith.addi %mul3A_468, %add3A_444 : i32
      %jit3A_470 = arith.constant 32 : i32
      %div3A_471 = arith.divsi %add3A_469, %jit3A_470 : i32
      %sign3A_472 = arith.constant 0 : i32
      %sign3A_473 = arith.cmpi sgt, %add3A_469, %sign3A_472 : i32
      %sign3A_474 = arith.extui %sign3A_473 : i1 to i32
      %sign3A_475 = arith.constant 0 : i32
      %sign3A_476 = arith.cmpi slt, %add3A_469, %sign3A_475 : i32
      %sign3A_477 = arith.extui %sign3A_476 : i1 to i32
      %sign3A_478 = arith.subi %sign3A_474, %sign3A_477 : i32
      %sign3A_479 = arith.constant 0 : i32
      %sign3A_480 = arith.cmpi sgt, %jit3A_470, %sign3A_479 : i32
      %sign3A_481 = arith.extui %sign3A_480 : i1 to i32
      %sign3A_482 = arith.constant 0 : i32
      %sign3A_483 = arith.cmpi slt, %jit3A_470, %sign3A_482 : i32
      %sign3A_484 = arith.extui %sign3A_483 : i1 to i32
      %sign3A_485 = arith.subi %sign3A_481, %sign3A_484 : i32
      %ne3A_486 = arith.cmpi ne, %sign3A_478, %sign3A_485 : i32
      %rem3A_487 = arith.remsi %add3A_469, %jit3A_470 : i32
      %ne3A_488 = arith.constant 0 : i32
      %ne3A_489 = arith.cmpi ne, %rem3A_487, %ne3A_488 : i32
      %and3A_490 = arith.andi %ne3A_486, %ne3A_489 : i1
      %sub3A_491 = arith.constant 1 : i32
      %sub3A_492 = arith.subi %div3A_471, %sub3A_491 : i32
      %select_n3A_493 = arith.select %and3A_490, %sub3A_492, %div3A_471 : i32
      %jit3A_494 = arith.constant 32 : i32
      %eq3A_495 = arith.constant 0 : i32
      %eq3A_496 = arith.cmpi eq, %jit3A_494, %eq3A_495 : i32
      %jit3A_497 = arith.constant 1 : i32
      %select_n3A_498 = arith.select %eq3A_496, %jit3A_497, %jit3A_494 : i32
      %rem3A_499 = arith.remsi %add3A_469, %select_n3A_498 : i32
      %ne3A_500 = arith.constant 0 : i32
      %ne3A_501 = arith.cmpi ne, %rem3A_499, %ne3A_500 : i32
      %lt3A_502 = arith.constant 0 : i32
      %lt3A_503 = arith.cmpi slt, %rem3A_499, %lt3A_502 : i32
      %lt3A_504 = arith.constant 0 : i32
      %lt3A_505 = arith.cmpi slt, %select_n3A_498, %lt3A_504 : i32
      %ne3A_506 = arith.xori %lt3A_503, %lt3A_505 : i1
      %and3A_507 = arith.andi %ne3A_506, %ne3A_501 : i1
      %add3A_508 = arith.addi %rem3A_499, %select_n3A_498 : i32
      %select_n3A_509 = arith.select %and3A_507, %add3A_508, %rem3A_499 : i32
      %dma_start3A_510 = arith.constant 3 : i32
      %dma_start3A_511 = arith.constant 0 : i32
      %dma_start3A_512 = arith.constant 0 : i32
      %dma_start3A_513 = arith.constant 0 : i32
      %dma_start3A_514 = tpu.memref_slice %arg7[%dma_start3A_510, %dma_start3A_511, %dma_start3A_512, %dma_start3A_513] : memref<4x8x8x130xf32, #tpu.memory_space<vmem>> -> memref<1x8x8x128xf32, #tpu.memory_space<vmem>>
      %dma_start3A_515 = tpu.memref_squeeze %dma_start3A_514 : memref<1x8x8x128xf32, #tpu.memory_space<vmem>> -> memref<8x8x128xf32, #tpu.memory_space<vmem>>
      %dma_start3A_516 = arith.constant 0 : i32
      %dma_start3A_517 = arith.constant 0 : i32
      %dma_start3A_518 = arith.constant 0 : i32
      %dma_start3A_519 = tpu.memref_slice %arg4[%select_n3A_493, %dma_start3A_516, %select_n3A_509, %dma_start3A_517, %dma_start3A_518] : memref<200x8x32x8x128xf32, #tpu.memory_space<hbm>> -> memref<1x8x1x8x128xf32, #tpu.memory_space<hbm>>
      %dma_start3A_520 = tpu.memref_squeeze %dma_start3A_519 : memref<1x8x1x8x128xf32, #tpu.memory_space<hbm>> -> memref<8x8x128xf32, #tpu.memory_space<hbm>>
      %dma_start3A_521 = arith.constant 0 : i32
      %dma_start3A_522 = arith.constant 0 : i32
      %dma_start3A_523 = arith.constant 0 : i32
      %dma_start3A_524 = tpu.memref_slice %arg4[%select_n3A_493, %dma_start3A_521, %select_n3A_509, %dma_start3A_522, %dma_start3A_523] : memref<200x8x32x8x128xf32, #tpu.memory_space<hbm>> -> memref<1x8x1x8x128xf32, #tpu.memory_space<hbm>>
      %dma_start3A_525 = tpu.memref_squeeze %dma_start3A_524 : memref<1x8x1x8x128xf32, #tpu.memory_space<hbm>> -> memref<8x8x128xf32, #tpu.memory_space<hbm>>
      %dma_start3A_526 = arith.constant 0 : i32
      %dma_start3A_527 = arith.constant 0 : i32
      %dma_start3A_528 = arith.constant 0 : i32
      %dma_start3A_529 = tpu.memref_slice %arg7[%dma_start3A_510, %dma_start3A_526, %dma_start3A_527, %dma_start3A_528] : memref<4x8x8x130xf32, #tpu.memory_space<vmem>> -> memref<1x8x8x128xf32, #tpu.memory_space<vmem>>
      %dma_start3A_530 = tpu.memref_squeeze %dma_start3A_529 : memref<1x8x8x128xf32, #tpu.memory_space<vmem>> -> memref<8x8x128xf32, #tpu.memory_space<vmem>>
      tpu.enqueue_dma source(%dma_start3A_530 : memref<8x8x128xf32, #tpu.memory_space<vmem>>) target(%dma_start3A_525 : memref<8x8x128xf32, #tpu.memory_space<hbm>>) target_semaphore(%arg15 : memref<!tpu.dma_semaphore, #tpu.memory_space<semaphore_mem>>)
      %add3A_531 = arith.constant 4 : i32
      %add3A_532 = arith.addi %add3A_444, %add3A_531 : i32
      %lt3A_533 = arith.constant 200 : i32
      %lt3A_534 = arith.cmpi slt, %add3A_532, %lt3A_533 : i32
      %convert_element_type3A_535 = arith.extui %lt3A_534 : i1 to i32
      %cond3A_536 = arith.constant 0 : i32
      %cond3A_537 = arith.cmpi ne, %convert_element_type3A_535, %cond3A_536 : i32
      scf.if %cond3A_537 {
        %add3A_538 = arith.constant 4 : i32
        %add3A_539 = arith.addi %add3A_444, %add3A_538 : i32
        %dma_start3A_540 = arith.constant 3 : i32
        %dma_start3A_541 = arith.constant 0 : i32
        %dma_start3A_542 = arith.constant 0 : i32
        %dma_start3A_543 = tpu.memref_slice %arg6[%dma_start3A_540, %dma_start3A_541, %dma_start3A_542] : memref<4x128x64xf32, #tpu.memory_space<vmem>> -> memref<1x128x64xf32, #tpu.memory_space<vmem>>
        %dma_start3A_544 = tpu.memref_squeeze %dma_start3A_543 : memref<1x128x64xf32, #tpu.memory_space<vmem>> -> memref<128x64xf32, #tpu.memory_space<vmem>>
        %dma_start3A_545 = arith.constant 0 : i32
        %dma_start3A_546 = tpu.memref_slice %arg5[%add3A_539, %dma_start3A_545] : memref<200x128xi32, #tpu.memory_space<vmem>> -> memref<1x128xi32, #tpu.memory_space<vmem>>
        %dma_start3A_547 = tpu.memref_squeeze %dma_start3A_546 : memref<1x128xi32, #tpu.memory_space<vmem>> -> memref<128xi32, #tpu.memory_space<vmem>>
        %dma_start3A_548 = arith.constant 0 : i32
        %dma_start3A_549 = arith.constant 0 : i32
        %dma_start3A_550 = tpu.memref_slice %arg3[%dma_start3A_548, %dma_start3A_549] : memref<100000x64xf32, #tpu.memory_space<hbm>> -> memref<100000x64xf32, #tpu.memory_space<hbm>>
        tpu.enqueue_indirect_dma source(%dma_start3A_550 : memref<100000x64xf32, #tpu.memory_space<hbm>>) target(%dma_start3A_544 : memref<128x64xf32, #tpu.memory_space<vmem>>) offsets(%dma_start3A_547 : memref<128xi32, #tpu.memory_space<vmem>>) semaphore(%arg11 : memref<!tpu.dma_semaphore, #tpu.memory_space<semaphore_mem>>)
      } else {
      }
    }
    %scan3A_75 = arith.constant 50 : i32
    %dma_wait3A = arith.constant 0 : i32
    %dma_wait3A_76 = arith.constant 0 : i32
    %dma_wait3A_77 = arith.constant 0 : i32
    %dma_wait3A_78 = arith.constant 0 : i32
    %dma_wait3A_79 = arith.constant 0 : i32
    %dma_wait3A_80 = arith.constant 0 : i32
    %dma_wait3A_81 = tpu.memref_slice %arg7[%dma_wait3A, %dma_wait3A_78, %dma_wait3A_79, %dma_wait3A_80] : memref<4x8x8x130xf32, #tpu.memory_space<vmem>> -> memref<1x8x8x128xf32, #tpu.memory_space<vmem>>
    %dma_wait3A_82 = tpu.memref_squeeze %dma_wait3A_81 : memref<1x8x8x128xf32, #tpu.memory_space<vmem>> -> memref<8x8x128xf32, #tpu.memory_space<vmem>>
    %dma_wait3A_83 = arith.constant 0 : i32
    %dma_wait3A_84 = arith.constant 0 : i32
    %dma_wait3A_85 = arith.constant 0 : i32
    %dma_wait3A_86 = tpu.memref_slice %arg4[%dma_wait3A_76, %dma_wait3A_83, %dma_wait3A_77, %dma_wait3A_84, %dma_wait3A_85] : memref<200x8x32x8x128xf32, #tpu.memory_space<hbm>> -> memref<1x8x1x8x128xf32, #tpu.memory_space<hbm>>
    %dma_wait3A_87 = tpu.memref_squeeze %dma_wait3A_86 : memref<1x8x1x8x128xf32, #tpu.memory_space<hbm>> -> memref<8x8x128xf32, #tpu.memory_space<hbm>>
    %dma_wait3A_88 = arith.constant 0 : i32
    %dma_wait3A_89 = arith.constant 0 : i32
    %dma_wait3A_90 = arith.constant 0 : i32
    %dma_wait3A_91 = tpu.memref_slice %arg4[%dma_wait3A_76, %dma_wait3A_88, %dma_wait3A_77, %dma_wait3A_89, %dma_wait3A_90] : memref<200x8x32x8x128xf32, #tpu.memory_space<hbm>> -> memref<1x8x1x8x128xf32, #tpu.memory_space<hbm>>
    %dma_wait3A_92 = tpu.memref_squeeze %dma_wait3A_91 : memref<1x8x1x8x128xf32, #tpu.memory_space<hbm>> -> memref<8x8x128xf32, #tpu.memory_space<hbm>>
    %dma_wait3A_93 = arith.constant 0 : i32
    %dma_wait3A_94 = arith.constant 0 : i32
    %dma_wait3A_95 = arith.constant 0 : i32
    %dma_wait3A_96 = tpu.memref_slice %arg7[%dma_wait3A, %dma_wait3A_93, %dma_wait3A_94, %dma_wait3A_95] : memref<4x8x8x130xf32, #tpu.memory_space<vmem>> -> memref<1x8x8x128xf32, #tpu.memory_space<vmem>>
    %dma_wait3A_97 = tpu.memref_squeeze %dma_wait3A_96 : memref<1x8x8x128xf32, #tpu.memory_space<vmem>> -> memref<8x8x128xf32, #tpu.memory_space<vmem>>
    tpu.wait_dma2 semaphore(%arg12 : memref<!tpu.dma_semaphore, #tpu.memory_space<semaphore_mem>>) src(%dma_wait3A_97 : memref<8x8x128xf32, #tpu.memory_space<vmem>>) dst(%dma_wait3A_92 : memref<8x8x128xf32, #tpu.memory_space<hbm>>)
    %dma_wait3A_98 = arith.constant 1 : i32
    %dma_wait3A_99 = arith.constant 0 : i32
    %dma_wait3A_100 = arith.constant 0 : i32
    %dma_wait3A_101 = arith.constant 0 : i32
    %dma_wait3A_102 = arith.constant 0 : i32
    %dma_wait3A_103 = arith.constant 0 : i32
    %dma_wait3A_104 = tpu.memref_slice %arg7[%dma_wait3A_98, %dma_wait3A_101, %dma_wait3A_102, %dma_wait3A_103] : memref<4x8x8x130xf32, #tpu.memory_space<vmem>> -> memref<1x8x8x128xf32, #tpu.memory_space<vmem>>
    %dma_wait3A_105 = tpu.memref_squeeze %dma_wait3A_104 : memref<1x8x8x128xf32, #tpu.memory_space<vmem>> -> memref<8x8x128xf32, #tpu.memory_space<vmem>>
    %dma_wait3A_106 = arith.constant 0 : i32
    %dma_wait3A_107 = arith.constant 0 : i32
    %dma_wait3A_108 = arith.constant 0 : i32
    %dma_wait3A_109 = tpu.memref_slice %arg4[%dma_wait3A_99, %dma_wait3A_106, %dma_wait3A_100, %dma_wait3A_107, %dma_wait3A_108] : memref<200x8x32x8x128xf32, #tpu.memory_space<hbm>> -> memref<1x8x1x8x128xf32, #tpu.memory_space<hbm>>
    %dma_wait3A_110 = tpu.memref_squeeze %dma_wait3A_109 : memref<1x8x1x8x128xf32, #tpu.memory_space<hbm>> -> memref<8x8x128xf32, #tpu.memory_space<hbm>>
    %dma_wait3A_111 = arith.constant 0 : i32
    %dma_wait3A_112 = arith.constant 0 : i32
    %dma_wait3A_113 = arith.constant 0 : i32
    %dma_wait3A_114 = tpu.memref_slice %arg4[%dma_wait3A_99, %dma_wait3A_111, %dma_wait3A_100, %dma_wait3A_112, %dma_wait3A_113] : memref<200x8x32x8x128xf32, #tpu.memory_space<hbm>> -> memref<1x8x1x8x128xf32, #tpu.memory_space<hbm>>
    %dma_wait3A_115 = tpu.memref_squeeze %dma_wait3A_114 : memref<1x8x1x8x128xf32, #tpu.memory_space<hbm>> -> memref<8x8x128xf32, #tpu.memory_space<hbm>>
    %dma_wait3A_116 = arith.constant 0 : i32
    %dma_wait3A_117 = arith.constant 0 : i32
    %dma_wait3A_118 = arith.constant 0 : i32
    %dma_wait3A_119 = tpu.memref_slice %arg7[%dma_wait3A_98, %dma_wait3A_116, %dma_wait3A_117, %dma_wait3A_118] : memref<4x8x8x130xf32, #tpu.memory_space<vmem>> -> memref<1x8x8x128xf32, #tpu.memory_space<vmem>>
    %dma_wait3A_120 = tpu.memref_squeeze %dma_wait3A_119 : memref<1x8x8x128xf32, #tpu.memory_space<vmem>> -> memref<8x8x128xf32, #tpu.memory_space<vmem>>
    tpu.wait_dma2 semaphore(%arg13 : memref<!tpu.dma_semaphore, #tpu.memory_space<semaphore_mem>>) src(%dma_wait3A_120 : memref<8x8x128xf32, #tpu.memory_space<vmem>>) dst(%dma_wait3A_115 : memref<8x8x128xf32, #tpu.memory_space<hbm>>)
    %dma_wait3A_121 = arith.constant 2 : i32
    %dma_wait3A_122 = arith.constant 0 : i32
    %dma_wait3A_123 = arith.constant 0 : i32
    %dma_wait3A_124 = arith.constant 0 : i32
    %dma_wait3A_125 = arith.constant 0 : i32
    %dma_wait3A_126 = arith.constant 0 : i32
    %dma_wait3A_127 = tpu.memref_slice %arg7[%dma_wait3A_121, %dma_wait3A_124, %dma_wait3A_125, %dma_wait3A_126] : memref<4x8x8x130xf32, #tpu.memory_space<vmem>> -> memref<1x8x8x128xf32, #tpu.memory_space<vmem>>
    %dma_wait3A_128 = tpu.memref_squeeze %dma_wait3A_127 : memref<1x8x8x128xf32, #tpu.memory_space<vmem>> -> memref<8x8x128xf32, #tpu.memory_space<vmem>>
    %dma_wait3A_129 = arith.constant 0 : i32
    %dma_wait3A_130 = arith.constant 0 : i32
    %dma_wait3A_131 = arith.constant 0 : i32
    %dma_wait3A_132 = tpu.memref_slice %arg4[%dma_wait3A_122, %dma_wait3A_129, %dma_wait3A_123, %dma_wait3A_130, %dma_wait3A_131] : memref<200x8x32x8x128xf32, #tpu.memory_space<hbm>> -> memref<1x8x1x8x128xf32, #tpu.memory_space<hbm>>
    %dma_wait3A_133 = tpu.memref_squeeze %dma_wait3A_132 : memref<1x8x1x8x128xf32, #tpu.memory_space<hbm>> -> memref<8x8x128xf32, #tpu.memory_space<hbm>>
    %dma_wait3A_134 = arith.constant 0 : i32
    %dma_wait3A_135 = arith.constant 0 : i32
    %dma_wait3A_136 = arith.constant 0 : i32
    %dma_wait3A_137 = tpu.memref_slice %arg4[%dma_wait3A_122, %dma_wait3A_134, %dma_wait3A_123, %dma_wait3A_135, %dma_wait3A_136] : memref<200x8x32x8x128xf32, #tpu.memory_space<hbm>> -> memref<1x8x1x8x128xf32, #tpu.memory_space<hbm>>
    %dma_wait3A_138 = tpu.memref_squeeze %dma_wait3A_137 : memref<1x8x1x8x128xf32, #tpu.memory_space<hbm>> -> memref<8x8x128xf32, #tpu.memory_space<hbm>>
    %dma_wait3A_139 = arith.constant 0 : i32
    %dma_wait3A_140 = arith.constant 0 : i32
    %dma_wait3A_141 = arith.constant 0 : i32
    %dma_wait3A_142 = tpu.memref_slice %arg7[%dma_wait3A_121, %dma_wait3A_139, %dma_wait3A_140, %dma_wait3A_141] : memref<4x8x8x130xf32, #tpu.memory_space<vmem>> -> memref<1x8x8x128xf32, #tpu.memory_space<vmem>>
    %dma_wait3A_143 = tpu.memref_squeeze %dma_wait3A_142 : memref<1x8x8x128xf32, #tpu.memory_space<vmem>> -> memref<8x8x128xf32, #tpu.memory_space<vmem>>
    tpu.wait_dma2 semaphore(%arg14 : memref<!tpu.dma_semaphore, #tpu.memory_space<semaphore_mem>>) src(%dma_wait3A_143 : memref<8x8x128xf32, #tpu.memory_space<vmem>>) dst(%dma_wait3A_138 : memref<8x8x128xf32, #tpu.memory_space<hbm>>)
    %dma_wait3A_144 = arith.constant 3 : i32
    %dma_wait3A_145 = arith.constant 0 : i32
    %dma_wait3A_146 = arith.constant 0 : i32
    %dma_wait3A_147 = arith.constant 0 : i32
    %dma_wait3A_148 = arith.constant 0 : i32
    %dma_wait3A_149 = arith.constant 0 : i32
    %dma_wait3A_150 = tpu.memref_slice %arg7[%dma_wait3A_144, %dma_wait3A_147, %dma_wait3A_148, %dma_wait3A_149] : memref<4x8x8x130xf32, #tpu.memory_space<vmem>> -> memref<1x8x8x128xf32, #tpu.memory_space<vmem>>
    %dma_wait3A_151 = tpu.memref_squeeze %dma_wait3A_150 : memref<1x8x8x128xf32, #tpu.memory_space<vmem>> -> memref<8x8x128xf32, #tpu.memory_space<vmem>>
    %dma_wait3A_152 = arith.constant 0 : i32
    %dma_wait3A_153 = arith.constant 0 : i32
    %dma_wait3A_154 = arith.constant 0 : i32
    %dma_wait3A_155 = tpu.memref_slice %arg4[%dma_wait3A_145, %dma_wait3A_152, %dma_wait3A_146, %dma_wait3A_153, %dma_wait3A_154] : memref<200x8x32x8x128xf32, #tpu.memory_space<hbm>> -> memref<1x8x1x8x128xf32, #tpu.memory_space<hbm>>
    %dma_wait3A_156 = tpu.memref_squeeze %dma_wait3A_155 : memref<1x8x1x8x128xf32, #tpu.memory_space<hbm>> -> memref<8x8x128xf32, #tpu.memory_space<hbm>>
    %dma_wait3A_157 = arith.constant 0 : i32
    %dma_wait3A_158 = arith.constant 0 : i32
    %dma_wait3A_159 = arith.constant 0 : i32
    %dma_wait3A_160 = tpu.memref_slice %arg4[%dma_wait3A_145, %dma_wait3A_157, %dma_wait3A_146, %dma_wait3A_158, %dma_wait3A_159] : memref<200x8x32x8x128xf32, #tpu.memory_space<hbm>> -> memref<1x8x1x8x128xf32, #tpu.memory_space<hbm>>
    %dma_wait3A_161 = tpu.memref_squeeze %dma_wait3A_160 : memref<1x8x1x8x128xf32, #tpu.memory_space<hbm>> -> memref<8x8x128xf32, #tpu.memory_space<hbm>>
    %dma_wait3A_162 = arith.constant 0 : i32
    %dma_wait3A_163 = arith.constant 0 : i32
    %dma_wait3A_164 = arith.constant 0 : i32
    %dma_wait3A_165 = tpu.memref_slice %arg7[%dma_wait3A_144, %dma_wait3A_162, %dma_wait3A_163, %dma_wait3A_164] : memref<4x8x8x130xf32, #tpu.memory_space<vmem>> -> memref<1x8x8x128xf32, #tpu.memory_space<vmem>>
    %dma_wait3A_166 = tpu.memref_squeeze %dma_wait3A_165 : memref<1x8x8x128xf32, #tpu.memory_space<vmem>> -> memref<8x8x128xf32, #tpu.memory_space<vmem>>
    tpu.wait_dma2 semaphore(%arg15 : memref<!tpu.dma_semaphore, #tpu.memory_space<semaphore_mem>>) src(%dma_wait3A_166 : memref<8x8x128xf32, #tpu.memory_space<vmem>>) dst(%dma_wait3A_161 : memref<8x8x128xf32, #tpu.memory_space<hbm>>)
    return
  }
}

</mosaic_0001>

<sc_bundles>
// kernel: _sc_gather.3.cloned.1.call-start
scs
__scs_entry_jumppad:
0x0: {  	(pc) =	sbr.rel $0x88, $3  }
0x1: {  	(tag) =	ssettag $0x0;
	lr =	simm.s32 $0x1  }
0x2: {  	[smem:$0x3F9F] =	sst lr;
	_ =	strace $0xD0000000  }
0x3: {  	_ = 	snop  }
0x4: {  	_ = 	snop  }
0x5: {  	_ = 	snop  }
0x6: {  	_ = 	snop  }
0x7: {  	_ = 	snop  }
__scs_overlays_trampoline_lowered:
0x8: {  	[smem:$0x3FAE] =	sst s0  }
0x9: {  	[smem:$0x3FAF] =	sst s1  }
0xa: {  	[smem:$0x3FB0] =	sst s2  }
0xb: {  	[smem:$0x3FB1] =	sst s3  }
0xc: {  	[smem:$0x3FB2] =	sst s4  }
0xd: {  	[smem:$0x3FB3] =	sst s5  }
0xe: {  	[smem:$0x3FB4] =	sst s6  }
0xf: {  	[smem:$0x3FB5] =	sst s7  }
0x10: {  	[smem:$0x3FB6] =	sst s8  }
0x11: {  	[smem:$0x3FB7] =	sst s9;
	s0 =	simm.s32 @!p0 $0x0  }
0x12: {  	s1 =	sld [smem:$0x3F9D];
	s0 =	simm.s32 @p0 $0x1  }
0x13: {  	[smem:$0x3FB8] =	sst s0;
	s0 =	simm.s32 @!p1 $0x0  }
0x14: {  	s2 =	sld [smem:$0x3F9C];
	s0 =	simm.s32 @p1 $0x1  }
0x15: {  	[smem:$0x3FB9] =	sst s0;
	s0 =	simm.s32 @!p2 $0x0  }
0x16: {  	s3 =	sld [smem:$0x3FDB];
	s0 =	simm.s32 @p2 $0x1  }
0x17: {  	s4 =	simm.s32 $0x1BF5;
	[smem:$0x3FBB] =	sst s0  }
0x18: {  	s0 =	sld [smem:$0x3F9E];
	_ =	swait.ge [sflag:s4], $0x0  }
0x19: {  	s7 =	sld [smem:$0x3F9F]  }
0x1a: {  	s8 =	sadd.s32 $0xFFFFE003, lr  }
0x1b: {  	s9 =	sadd.s32 $0xFFFFFEF7, lr;
	s5 =	simm.s32 $0xFFFFFFFF;
	p2 =	slt.u32 s8, $0xFFFFF086  }
0x1c: {  	p1 =	slt.u32 s9, $0xF7A;
	s5 =	simm.s32 @!p2 $0x0  }
0x1d: {  	s5 =	simm.s32 @p1 $0x1;
	p0 =	seq.s32 s7, s2  }
0x1e: {  	s7 =	smul.u32 @!p0 $0xF7A, s2;
	p2 =	seq.s32 @!p0 s5, $0x0  }
0x1f: {  	s9 =	smul.u32 $0xF7A, s1;
	s8 =	simm.s32 @!p0 $0x1BF5;
	p2 =	por !p2, p0  }
0x20: {  	[sflag:s8] =	ssyncset.s32 @!p0 $0xFFFFF086;
	s6 =	sadd.s32 @!p0 s3, s7;
	s7 =	simm.s32 @!p0 $0x108  }
0x21: {  	s3 =	sadd.s32 s3, s9;
	s6 =	sadd.s32 @!p0 $0x88, s6;
	s7 =	simm.s32 @p2 $0x1082  }
0x22: {  	[simem:s7], [sflag:s8] =	dma.local @!p0 [hbm:s6], $0xF7A  }
0x23: {  	s9 =	sor.u32 $0xD0000000, s2;
	s6 =	simm.s32 $0x108;
	_ =	swait.ge @!p0 [sflag:s8], $0x0  }
0x24: {  	s3 =	sadd.s32 $0x88, s3;
	s6 =	simm.s32 @!p1 $0x1082;
	[sflag:s4] =	ssyncset.s32 $0xFFFFF086  }
0x25: {  	[simem:s6], [sflag:s4] =	dma.local [hbm:s3], $0xF7A  }
0x26: {  	[smem:$0x3F9F] =	sst s1;
	(tag) =	ssettag s2;
	_ =	strace s9  }
0x27: {  	s1 =	sld [smem:$0x3FAF]  }
0x28: {  	s2 =	sld [smem:$0x3FB0]  }
0x29: {  	s4 =	sld [smem:$0x3FB2]  }
0x2a: {  	p0 =	seq.s32 s5, $0x0;
	s5 =	sld [smem:$0x3FB3]  }
0x2b: {  	s6 =	sld [smem:$0x3FB4]  }
0x2c: {  	s7 =	sld [smem:$0x3FB5]  }
0x2d: {  	s3 =	simm.s32 $0x108;
	s8 =	sld [smem:$0x3FB6]  }
0x2e: {  	s3 =	simm.s32 @!p0 $0x1082;
	s9 =	sld [smem:$0x3FB7]  }
0x2f: {  	lr =	sadd.s32 s0, s3;
	s0 =	sld [smem:$0x3FAE]  }
0x30: {  	s3 =	sld [smem:$0x3FB1]  }
0x31: {  	[smem:$0x3FBA] =	sst s10  }
0x32: {  	s10 =	sld [smem:$0x3FB8];
	_ =	sdelay $0x3  }
0x33: {  	p0 =	seq.s32 s10, $0x1;
	s10 =	sld [smem:$0x3FBA];
	_ =	sdelay $0x3  }
0x34: {  	[smem:$0x3FBA] =	sst s10  }
0x35: {  	s10 =	sld [smem:$0x3FB9];
	_ =	sdelay $0x3  }
0x36: {  	p1 =	seq.s32 s10, $0x1;
	s10 =	sld [smem:$0x3FBA];
	_ =	sdelay $0x3  }
0x37: {  	[smem:$0x3FBA] =	sst s10  }
0x38: {  	s10 =	sld [smem:$0x3FBB]  }
0x39: {  	_ = 	snop;
	(pc) =	sbr.ind lr, $3  }
0x3a: {  	_ = 	snop  }
0x3b: {  	_ = 	snop  }
0x3c: {  	p2 =	seq.s32 s10, $0x1;
	s10 =	sld [smem:$0x3FBA]  }
0x3d: {  	_ =	shalt  }
0x3e: {  	_ =	shalt  }
0x3f: {  	_ =	shalt  }
0x40: {  	_ =	shalt  }
0x41: {  	_ =	shalt  }
0x42: {  	_ =	shalt  }
0x43: {  	_ =	shalt  }
0x44: {  	_ =	shalt  }
0x45: {  	_ =	shalt  }
0x46: {  	_ =	shalt  }
0x47: {  	_ =	shalt  }
0x48: {  	_ =	shalt  }
0x49: {  	_ =	shalt  }
0x4a: {  	_ =	shalt  }
0x4b: {  	_ =	shalt  }
0x4c: {  	_ =	shalt  }
0x4d: {  	_ =	shalt  }
0x4e: {  	_ =	shalt  }
0x4f: {  	_ =	shalt  }
0x50: {  	_ =	shalt  }
0x51: {  	_ =	shalt  }
0x52: {  	_ =	shalt  }
0x53: {  	_ =	shalt  }
0x54: {  	_ =	shalt  }
0x55: {  	_ =	shalt  }
0x56: {  	_ =	shalt  }
0x57: {  	_ =	shalt  }
0x58: {  	_ =	shalt  }
0x59: {  	_ =	shalt  }
0x5a: {  	_ =	shalt  }
0x5b: {  	_ =	shalt  }
0x5c: {  	_ =	shalt  }
0x5d: {  	_ =	shalt  }
0x5e: {  	_ =	shalt  }
0x5f: {  	_ =	shalt  }
0x60: {  	_ =	shalt  }
0x61: {  	_ =	shalt  }
0x62: {  	_ =	shalt  }
0x63: {  	_ =	shalt  }
0x64: {  	_ =	shalt  }
0x65: {  	_ =	shalt  }
0x66: {  	_ =	shalt  }
0x67: {  	_ =	shalt  }
0x68: {  	_ =	shalt  }
0x69: {  	_ =	shalt  }
0x6a: {  	_ =	shalt  }
0x6b: {  	_ =	shalt  }
0x6c: {  	_ =	shalt  }
0x6d: {  	_ =	shalt  }
0x6e: {  	_ =	shalt  }
0x6f: {  	_ =	shalt  }
0x70: {  	_ =	shalt  }
0x71: {  	_ =	shalt  }
0x72: {  	_ =	shalt  }
0x73: {  	_ =	shalt  }
0x74: {  	_ =	shalt  }
0x75: {  	_ =	shalt  }
0x76: {  	_ =	shalt  }
0x77: {  	_ =	shalt  }
0x78: {  	_ =	shalt  }
0x79: {  	_ =	shalt  }
0x7a: {  	_ =	shalt  }
0x7b: {  	_ =	shalt  }
0x7c: {  	_ =	shalt  }
0x7d: {  	_ =	shalt  }
0x7e: {  	_ =	shalt  }
0x7f: {  	_ =	shalt  }
0x80: {  	_ =	shalt  }
0x81: {  	_ =	shalt  }
0x82: {  	_ =	shalt  }
0x83: {  	_ =	shalt  }
0x84: {  	_ =	shalt  }
0x85: {  	_ =	shalt  }
0x86: {  	_ =	shalt  }
0x87: {  	_ =	shalt  }
.Lfunc_end0:
.L_simem_size_0:
called_computation_lowered:
.L_overlay_start_0:
0x88: {  	s2 =	sld [smem:$0x3FD9]  }
0x89: {  	s3 =	sld [smem:$0x3FFE];
	_ =	sdelay $0x1  }
0x8a: {  	s1 =	srdreg.scid  }
0x8b: {  	s0 =	sand.u32 $0x1, s1  }
0x8c: {  	s17 =	sshll.u32 s0, $0xA;
	s2 =	sadd.s32 s3, s2  }
0x8d: {  	s2 =	sadd.s32 s2, s17  }
0x8e: {  	[smem:$0x3FC6] =	sst s2  }
0x8f: {  	_ = 	snop  }
0x90: {  	s2 =	sld [smem:$0x3FC9]  }
0x91: {  	s18 =	sld [smem:$0x3FD0];
	(tm) =	ssettm $0x1  }
0x92: {  	s4 =	sld [smem:$0x3FFB];
	_ =	sdelay $0x3  }
0x93: {  	_ =	strace s4  }
0x94: {  	s4 =	sld [smem:$0x3FFC];
	_ =	sdelay $0x3  }
0x95: {  	_ =	strace s4  }
0x96: {  	s4 =	sld [smem:$0x3FFD];
	_ =	sdelay $0x3  }
0x97: {  	_ =	strace s4  }
0x98: {  	_ =	strace $0x8FFFFFFF  }
0x99: {  	s19 =	sld [smem:$0x3FDB];
	_ =	sdelay $0x1  }
0x9a: {  	s5 =	simm.s32 $_scs_section_size  }
0x9b: {  	s6 =	simm.s32 $_size__tile_overlayer_lowered;
	s7 =	simm.s32 $_tile_overlayer_lowered  }
0x9c: {  	s22 =	simm.s32 $0x1BFF;
	s21 =	sshll.u32 s7, $0x1;
	s4 =	sadd.s32 s5, s19  }
0x9d: {  	s8 =	simm.s32 $0x0;
	s20 =	sshll.u32 s6, $0x1;
	s6 =	sadd.s32 s21, s4  }
0x9e: {  	[timem:s8], [sflag:s22] =	dma.local [hbm:s6], s20  }
0x9f: {  	_ =	swait.ge [sflag:s22], s20  }
0xa0: {  	s5 =	ssub.s32 $0x0, s20;
	[sflag:s22] =	ssyncset.done $0x0  }
0xa1: {  	[sflag:s22] =	ssyncadd.s32 s5;
	_ =	sdelay $0x1  }
0xa2: {  	s23 =	simm.s32 $0x1B8B  }
0xa3: {  	_ =	swait.ge [sflag:s23], $0x1  }
0xa4: {  	[sflag:s23] =	ssyncset.done $0x0  }
0xa5: {  	s25 =	simm.s32 $0x1B8E;
	s24 =	sld [smem:$0x3FFE];
	[sflag:s23] =	ssyncadd.s32 $0xFFFFFFFF  }
0xa6: {  	s26 =	simm.s32 $execute0_lowered;
	[smem:$0x3FD2] =	sst s25  }
0xa7: {  	s6 =	sshll.u32 s26, $0x1;
	_ =	strace $0x80000046;
	[dreg:$0x1] =	wrdreg $0xFFFFFFFF  }
0xa8: {  	s28 =	simm.s32 $_size_execute0_lowered;
	s4 =	sadd.s32 s4, s6;
	[dreg:$0x0] =	wrdreg $0x0  }
0xa9: {  	s6 =	sshll.u32 s28, $0x1;
	[dreg:$0x2] =	wrdreg s4  }
0xaa: {  	[dreg:$0x3] =	wrdreg s6  }
0xab: {  	[dreg:$0x4] =	wrdreg $0xC0  }
0xac: {  	_ =	task [dreg:s8], $0x5FFFF  }
0xad: {  	[dreg:$0x1] =	wrdreg $0xFFFFFFFF  }
0xae: {  	[dreg:$0x0] =	wrdreg $0x60  }
0xaf: {  	[dreg:$0x2] =	wrdreg s2  }
0xb0: {  	[dreg:$0x3] =	wrdreg s24  }
0xb1: {  	[dreg:$0x4] =	wrdreg s18  }
0xb2: {  	[dreg:$0x5] =	wrdreg $0x9  }
0xb3: {  	_ =	task.clear_ibuf [dreg:s8], $0x6FFFF;
	_ =	strace $0x90000046  }
0xb4: {  	s29 =	simm.s32 $0x9;
	_ =	strace $0x80000048  }
0xb5: {  	_ =	swait.ge [sflag:s29], $0x1  }
0xb6: {  	[sflag:s29] =	ssyncadd.s32 $0xFFFFFFFF  }
0xb7: {  	_ =	strace $0x90000048  }
0xb8: {  	_ =	sfence  }
0xb9: {  	s30 =	sld [smem:$0x0];
	_ =	sdelay $0x2  }
0xba: {  	s31 =	sshll.u32 s1, $0xD;
	s1 =	sshrl.u32 s1, $0x2  }
0xbb: {  	s3 =	sand.u32 $0x4000, s31;
	s1 =	sadd.s32 s1, s30  }
0xbc: {  	s0 =	sor.u32 s3, s0;
	s1 =	sshll.u32 s1, $0x11  }
0xbd: {  	s0 =	sor.u32 s1, s0  }
0xbe: {  	s0 =	sadd.s32 $0x8F2B, s0  }
0xbf: {  	[sflag:s0] =	ssyncadd.remote.s32 $0x1  }
0xc0: {  	_ =	sfence.sel $0xFFFF  }
0xc1: {  	[dreg:$0x0] =	wrdreg $0xFFFFFFFF;
	(pc) =	sbr.abs _section_cstart, $3  }
0xc2: {  	[dreg:$0x1] =	wrdreg $0xFFFFFFFF  }
0xc3: {  	_ =	task.clear_ibuf [dreg:s8], $0x2FFFF;
	_ =	strace $0x9FFFFFFF  }
0xc4: {  	(tm) =	ssettm $0x7FFFFFFF  }
0xc5: {  	_ =	shalt  }
tec
execute0_lowered:
.L_overlay_start_1:
0x0: {  	(tag) =	ssettag $0x1  }
0x1: {  	s0 =	rddreg [dreg:$0x0]  }
0x2: {  	s1 =	rddreg [dreg:$0x1]  }
0x3: {  	s2 =	rddreg [dreg:$0x2];
	s3 =	srdreg.scid  }
0x4: {  	s5 =	stileid.u32;
	s9 =	simm.s32 $0x80;
	s10 =	simm.s32 $0x6400  }
0x5: {  	s11 =	simm.s32 $0x8400;
	s13 =	simm.s32 $0xA400;
	s15 =	simm.s32 $0xC400  }
0x6: {  	s16 =	simm.s32 $0x1;
	s17 =	simm.s32 $0xE400;
	s18 =	simm.s32 $0x2  }
0x7: {  	s19 =	simm.s32 $0x10600;
	s20 =	simm.s32 $0x3;
	s21 =	simm.s32 $0x12800  }
0x8: {  	s22 =	simm.s32 $0x4;
	s4 =	sand.u32 $0x1, s3;
	s5 =	sshll.u32 s5, $0x1  }
0x9: {  	s23 =	simm.s32 $0x14A00;
	s24 =	simm.s32 $0x5;
	s5 =	sor.u32 s4, s5  }
0xa: {  	v0 =	vlaneseq.u32;
	s25 =	simm.s32 $0x6;
	s26 =	simm.s32 $0x7;
	s8 =	smul.u32 $0xC80, s5  }
.Ltmp0:
0xb: {  	s28 =	simm.s32 $0x8;
	v1 =	vmul.u32 $0x40, v0;
	v3 =	vor.u32 $0x10, v0;
	v5 =	vor.u32 $0x20, v0;
	s6 =	ssub.s32 $0x2, s4;
	(pc) =	sbr.rel .LBB2_1-.Ltmp0, $4  }
0xc: {  	s29 =	simm.s32 $0x0;
	s3 =	simm.s32 $0x0;
	v7 =	vor.u32 $0x30, v0;
	v9 =	vor.u32 $0x40, v0;
	v11 =	vor.u32 $0x50, v0;
	s7 =	sshrl.u32 s6, $0x1  }
0xd: {  	v13 =	vor.u32 $0x60, v0;
	v15 =	vor.u32 $0x70, v0;
	[smem:$0x7FF] =	sst s3;
	v2 =	vor.u32 $0x400, v1;
	s30 =	ssub.s32 s6, s7;
	s0 =	sadd.s32 s0, s8  }
0xe: {  	_ =	strace $0x80000047;
	v4 =	vor.u32 $0x800, v1;
	v6 =	vor.u32 $0xC00, v1;
	v8 =	vor.u32 $0x1000, v1;
	s31 =	smax.u32 s30, $0x1;
	[dreg:$0x4] =	wrdreg s0  }
0xf: {  	s4 =	sadd.s32 $0x400, s1;
	v10 =	vor.u32 $0x1400, v1;
	v12 =	vor.u32 $0x1800, v1;
	v14 =	vor.u32 $0x1C00, v1;
	s6 =	smul.u32 $0xC8, s5;
	[dreg:$0x5] =	wrdreg s31  }
.LBB2_20:
0x10: {  	_ =	swait.ge [sflag:s24], $0x2000  }
0x11: {  	[sflag:s24] =	ssyncset.done $0x0  }
0x12: {  	[sflag:s24] =	ssyncadd.s32 $0xFFFFE000  }
0x13: {  	_ =	swait.ge [sflag:s25], $0x2000  }
0x14: {  	[sflag:s25] =	ssyncset.done $0x0  }
0x15: {  	[sflag:s25] =	ssyncadd.s32 $0xFFFFE000  }
0x16: {  	_ =	swait.ge [sflag:s26], $0x2000  }
0x17: {  	[sflag:s26] =	ssyncset.done $0x0  }
0x18: {  	[sflag:s26] =	ssyncadd.s32 $0xFFFFE000  }
0x19: {  	_ =	swait.ge [sflag:s28], $0x2000  }
0x1a: {  	s29 =	sadd.s32 $0x1, s29;
	s0 =	rddreg [dreg:$0x5]  }
0x1b: {  	p0 =	sne.s32 s29, s0  }
.Ltmp1:
0x1c: {  	_ = 	snop;
	(pc) =	sbr.rel @!p0 .LBB2_21-.Ltmp1, $3  }
0x1d: {  	_ =	sdelay $0x1  }
0x1e: {  	[sflag:s28] =	ssyncset.done $0x0  }
0x1f: {  	[sflag:s28] =	ssyncadd.s32 $0xFFFFE000  }
.LBB2_1:
0x20: {  	s0 =	rddreg [dreg:$0x4];
	s12 =	simm.s32 $0x9  }
0x21: {  	[tilespmem:s3], [sflag:$0x9] =	stream.linear.gather [hbm4b:s0+s3], $0x6400, $0x38;
	[tilespmem:$0x16C00] =	vst v63  }
0x22: {  	_ =	swait.ge [sflag:s12], $0x6400  }
0x23: {  	[sflag:s12] =	ssyncset.done $0x0  }
0x24: {  	[sflag:s12] =	ssyncadd.s32 $0xFFFF9C00  }
0x25: {  	[tilespmem:s10], [sflag:$0x1] =	stream.indirect.gather [hbm4b:s4+s9], $0x40, s3, s9, $0xb8;
	[tilespmem:$0x16C00] =	vst v63  }
0x26: {  	_ = 	snop  }
0x27: {  	[tilespmem:s11], [sflag:$0x2] =	stream.indirect.gather [hbm4b:s4+s9], $0x40, s9, s9, $0xb8;
	[tilespmem:$0x16C00] =	vst v63  }
0x28: {  	s14 =	simm.s32 $0x100  }
0x29: {  	[tilespmem:s13], [sflag:$0x3] =	stream.indirect.gather [hbm4b:s4+s9], $0x40, s14, s9, $0xb8;
	[tilespmem:$0x16C00] =	vst v63  }
0x2a: {  	s31 =	simm.s32 $0x180;
	s30 =	simm.s32 $0x0  }
0x2b: {  	[tilespmem:s15], [sflag:$0x4] =	stream.indirect.gather [hbm4b:s4+s9], $0x40, s31, s9, $0xb8;
	[tilespmem:$0x16C00] =	vst v63  }
.LBB2_2:
0x2c: {  	s0 =	simm.s32 $0x0  }
0x2d: {  	v16 =	vadd.s32 s0, v0  }
0x2e: {  	_ =	swait.ge [sflag:s16], $0x2000;
	v27 =	vand.u32 $0x3F, v16  }
0x2f: {  	p0 =	seq.s32 s30, $0x0;
	[sflag:s16] =	ssyncset.done $0x0;
	v17 =	vor.u32 v1, v27  }
0x30: {  	s1 =	simm.s32 $0x1;
	s0 =	simm.s32 @!p0 $0x5;
	[sflag:s16] =	ssyncadd.s32 $0xFFFFE000  }
0x31: {  	v19 =	vadd.s32 s1, v0;
	v18 =	vshrl.u32 v16, $0x3;
	_ =	swait.ge @!p0 [sflag:s0], $0x2000  }
0x32: {  	v16 =	vand.u32 $0x7, v16;
	v28 =	vand.u32 $0x3F, v19;
	v18 =	vand.u32 $0x7, v18;
	[sflag:s0] =	ssyncset.done @!p0 $0x0  }
0x33: {  	v16 =	vmul.u32 $0x88, v16;
	v20 =	vor.u32 v1, v28;
	v18 =	vmul.u32 $0x440, v18;
	[sflag:s0] =	ssyncadd.s32 @!p0 $0xFFFFE000  }
0x34: {  	v21 =	vld.idx.msk [tilespmem:v17+s10+$0x0], $0xffff  }
0x35: {  	v17 =	vadd.s32 v16, v18;
	v16 =	vshrl.u32 v19, $0x3  }
0x36: {  	v19 =	vand.u32 $0x7, v19;
	v18 =	vadd.s32 v0, v17;
	v16 =	vand.u32 $0x7, v16  }
0x37: {  	v22 =	vor.u32 v2, v27;
	v19 =	vmul.u32 $0x88, v19;
	v16 =	vmul.u32 $0x440, v16  }
0x38: {  	v20 =	vld.idx.msk [tilespmem:v20+s10+$0x0], $0xffff  }
0x39: {  	v16 =	vadd.s32 v19, v16;
	v21 =	vmul.f32 $8.000000000e+00, v21  }
0x3a: {  	v19 =	vadd.s32 v0, v16  }
0x3b: {  	[tilespmem:v18+s17+$0x0] =	vst.idx.msk $0xffff, v21;
	v18 =	vor.u32 v2, v28  }
0x3c: {  	v21 =	vld.idx.msk [tilespmem:v22+s10+$0x0], $0xffff  }
0x3d: {  	v20 =	vmul.f32 $8.000000000e+00, v20  }
0x3e: {  	v22 =	vadd.s32 v3, v17  }
0x3f: {  	[tilespmem:v19+s17+$0x0] =	vst.idx.msk $0xffff, v20  }
0x40: {  	v18 =	vld.idx.msk [tilespmem:v18+s10+$0x0], $0xffff  }
0x41: {  	s5 =	simm.s32 $0x2;
	v19 =	vor.u32 v4, v27;
	v21 =	vmul.f32 $8.000000000e+00, v21  }
0x42: {  	v23 =	vadd.s32 s5, v0;
	v24 =	vadd.s32 v3, v16  }
0x43: {  	v20 =	vand.u32 $0x3F, v23;
	[tilespmem:v22+s17+$0x0] =	vst.idx.msk $0xffff, v21;
	v22 =	vor.u32 v4, v28  }
0x44: {  	s7 =	simm.s32 $0x3;
	v25 =	vor.u32 v1, v20;
	v21 =	vand.u32 $0x7, v23;
	v23 =	vshrl.u32 v23, $0x3  }
0x45: {  	v26 =	vadd.s32 s7, v0;
	v23 =	vand.u32 $0x7, v23;
	v18 =	vmul.f32 $8.000000000e+00, v18  }
0x46: {  	v19 =	vld.idx.msk [tilespmem:v19+s10+$0x0], $0xffff;
	v29 =	vmul.u32 $0x88, v21;
	v21 =	vand.u32 $0x3F, v26;
	v23 =	vmul.u32 $0x440, v23  }
0x47: {  	[tilespmem:v24+s17+$0x0] =	vst.idx.msk $0xffff, v18;
	v24 =	vor.u32 v1, v21  }
0x48: {  	v31 =	vshrl.u32 v26, $0x3;
	v18 =	vadd.s32 v29, v23;
	v23 =	vadd.s32 v5, v17;
	v22 =	vld.idx.msk [tilespmem:v22+s10+$0x0], $0xffff  }
0x49: {  	v30 =	vor.u32 v6, v27;
	v31 =	vand.u32 $0x7, v31;
	v33 =	vor.u32 v6, v28;
	v25 =	vld.idx.msk [tilespmem:v25+s10+$0x0], $0xffff  }
0x4a: {  	v31 =	vmul.u32 $0x440, v31;
	v32 =	vadd.s32 v5, v16;
	v26 =	vand.u32 $0x7, v26  }
0x4b: {  	v26 =	vmul.u32 $0x88, v26;
	v29 =	vadd.s32 v0, v18;
	v19 =	vmul.f32 $8.000000000e+00, v19  }
0x4c: {  	v34 =	vor.u32 v2, v20;
	v24 =	vld.idx.msk [tilespmem:v24+s10+$0x0], $0xffff  }
0x4d: {  	[tilespmem:v23+s17+$0x0] =	vst.idx.msk $0xffff, v19;
	v19 =	vadd.s32 v26, v31;
	v22 =	vmul.f32 $8.000000000e+00, v22  }
0x4e: {  	v23 =	vmul.f32 $8.000000000e+00, v25;
	v25 =	vld.idx.msk [tilespmem:v30+s10+$0x0], $0xffff;
	v26 =	vadd.s32 v0, v19  }
0x4f: {  	[tilespmem:v32+s17+$0x0] =	vst.idx.msk $0xffff, v22  }
0x50: {  	v30 =	vadd.s32 v7, v17;
	[tilespmem:v29+s17+$0x0] =	vst.idx.msk $0xffff, v23;
	v22 =	vor.u32 v2, v21;
	v29 =	vld.idx.msk [tilespmem:v33+s10+$0x0], $0xffff  }
0x51: {  	v46 =	vor.u32 v10, v28;
	v31 =	vld.idx.msk [tilespmem:v34+s10+$0x0], $0xffff;
	v23 =	vmul.f32 $8.000000000e+00, v24;
	v24 =	vor.u32 v8, v27  }
0x52: {  	v51 =	vor.u32 v12, v27;
	v54 =	vor.u32 v12, v28;
	v61 =	vadd.s32 v7, v16  }
0x53: {  	v62 =	vadd.s32 v3, v18;
	v25 =	vmul.f32 $8.000000000e+00, v25;
	[tilespmem:v26+s17+$0x0] =	vst.idx.msk $0xffff, v23;
	v26 =	vor.u32 v8, v28  }
0x54: {  	s8 =	simm.s32 $0x4;
	v44 =	vadd.s32 v9, v17;
	v50 =	vadd.s32 v11, v17;
	v40 =	vadd.s32 v9, v16  }
0x55: {  	v60 =	vadd.s32 s8, v0;
	v35 =	vor.u32 v4, v20;
	v22 =	vld.idx.msk [tilespmem:v22+s10+$0x0], $0xffff;
	[tilespmem:v30+s17+$0x0] =	vst.idx.msk $0xffff, v25;
	v29 =	vmul.f32 $8.000000000e+00, v29  }
0x56: {  	v36 =	vor.u32 v6, v20;
	v23 =	vand.u32 $0x3F, v60;
	v31 =	vmul.f32 $8.000000000e+00, v31;
	v37 =	vld.idx.msk [tilespmem:v24+s10+$0x0], $0xffff  }
0x57: {  	s12 =	simm.s32 $0x5;
	v38 =	vadd.s32 v3, v19;
	v30 =	vor.u32 v1, v23;
	[tilespmem:v61+s17+$0x0] =	vst.idx.msk $0xffff, v29  }
0x58: {  	v39 =	vadd.s32 s12, v0;
	v63 =	vor.u32 v4, v21;
	[tilespmem:v62+s17+$0x0] =	vst.idx.msk $0xffff, v31;
	v31 =	vshrl.u32 v60, $0x3;
	v26 =	vld.idx.msk [tilespmem:v26+s10+$0x0], $0xffff  }
0x59: {  	v25 =	vor.u32 v10, v27;
	v24 =	vand.u32 $0x7, v60;
	v31 =	vand.u32 $0x7, v31  }
0x5a: {  	v45 =	vmul.u32 $0x88, v24;
	v31 =	vmul.u32 $0x440, v31;
	v22 =	vmul.f32 $8.000000000e+00, v22  }
0x5b: {  	v49 =	vor.u32 v6, v21;
	v34 =	vld.idx.msk [tilespmem:v35+s10+$0x0], $0xffff;
	v24 =	vand.u32 $0x3F, v39;
	v37 =	vmul.f32 $8.000000000e+00, v37  }
0x5c: {  	v30 =	vld.idx.msk [tilespmem:v30+s10+$0x0], $0xffff;
	[tilespmem:v38+s17+$0x0] =	vst.idx.msk $0xffff, v22;
	v22 =	vadd.s32 v45, v31;
	v31 =	vor.u32 v1, v24  }
0x5d: {  	v47 =	vadd.s32 v5, v18;
	v33 =	vld.idx.msk [tilespmem:v63+s10+$0x0], $0xffff;
	[tilespmem:v44+s17+$0x0] =	vst.idx.msk $0xffff, v37;
	v26 =	vmul.f32 $8.000000000e+00, v26  }
0x5e: {  	v41 =	vadd.s32 v5, v19;
	v48 =	vadd.s32 v0, v22;
	v37 =	vld.idx.msk [tilespmem:v25+s10+$0x0], $0xffff;
	v25 =	vshrl.u32 v39, $0x3  }
0x5f: {  	v29 =	vor.u32 v2, v23;
	[tilespmem:v40+s17+$0x0] =	vst.idx.msk $0xffff, v26;
	v25 =	vand.u32 $0x7, v25;
	v26 =	vand.u32 $0x7, v39  }
0x60: {  	v34 =	vmul.f32 $8.000000000e+00, v34;
	v38 =	vld.idx.msk [tilespmem:v46+s10+$0x0], $0xffff;
	v25 =	vmul.u32 $0x440, v25;
	v26 =	vmul.u32 $0x88, v26  }
0x61: {  	v59 =	vor.u32 v8, v20;
	v28 =	vor.u32 v14, v28;
	v30 =	vmul.f32 $8.000000000e+00, v30;
	v31 =	vld.idx.msk [tilespmem:v31+s10+$0x0], $0xffff  }
0x62: {  	[tilespmem:v47+s17+$0x0] =	vst.idx.msk $0xffff, v34;
	v33 =	vmul.f32 $8.000000000e+00, v33;
	v25 =	vadd.s32 v26, v25;
	v26 =	vadd.s32 v11, v16  }
0x63: {  	v35 =	vld.idx.msk [tilespmem:v36+s10+$0x0], $0xffff;
	[tilespmem:v48+s17+$0x0] =	vst.idx.msk $0xffff, v30;
	v52 =	vadd.s32 v0, v25;
	v53 =	vmul.f32 $8.000000000e+00, v37  }
0x64: {  	v27 =	vor.u32 v14, v27;
	v30 =	vor.u32 v2, v24;
	v56 =	vld.idx.msk [tilespmem:v29+s10+$0x0], $0xffff;
	[tilespmem:v41+s17+$0x0] =	vst.idx.msk $0xffff, v33  }
0x65: {  	v29 =	vadd.s32 v7, v18;
	v55 =	vld.idx.msk [tilespmem:v49+s10+$0x0], $0xffff;
	[tilespmem:v50+s17+$0x0] =	vst.idx.msk $0xffff, v53;
	v57 =	vmul.f32 $8.000000000e+00, v38  }
0x66: {  	s14 =	simm.s32 $0x6;
	v60 =	vor.u32 v8, v21;
	v42 =	vadd.s32 v3, v22;
	v31 =	vmul.f32 $8.000000000e+00, v31;
	v34 =	vld.idx.msk [tilespmem:v51+s10+$0x0], $0xffff  }
0x67: {  	v58 =	vadd.s32 s14, v0;
	v45 =	vor.u32 v4, v23;
	v44 =	vadd.s32 v7, v19;
	[tilespmem:v26+s17+$0x0] =	vst.idx.msk $0xffff, v57  }
0x68: {  	v43 =	vand.u32 $0x7, v58;
	v47 =	vadd.s32 v13, v17;
	[tilespmem:v52+s17+$0x0] =	vst.idx.msk $0xffff, v31;
	v31 =	vmul.f32 $8.000000000e+00, v35;
	v61 =	vld.idx.msk [tilespmem:v54+s10+$0x0], $0xffff  }
0x69: {  	v41 =	vadd.s32 v3, v25;
	v26 =	vand.u32 $0x3F, v58;
	v39 =	vmul.f32 $8.000000000e+00, v56;
	v46 =	vld.idx.msk [tilespmem:v30+s10+$0x0], $0xffff  }
0x6a: {  	v32 =	vor.u32 v1, v26;
	v62 =	vmul.f32 $8.000000000e+00, v55;
	[tilespmem:v29+s17+$0x0] =	vst.idx.msk $0xffff, v31;
	v31 =	vadd.s32 v13, v16  }
0x6b: {  	v63 =	vshrl.u32 v58, $0x3;
	v38 =	vor.u32 v2, v26;
	[tilespmem:v42+s17+$0x0] =	vst.idx.msk $0xffff, v39;
	v35 =	vld.idx.msk [tilespmem:v59+s10+$0x0], $0xffff;
	v34 =	vmul.f32 $8.000000000e+00, v34  }
0x6c: {  	v30 =	vor.u32 v6, v23;
	v42 =	vor.u32 v4, v24;
	v40 =	vld.idx.msk [tilespmem:v45+s10+$0x0], $0xffff;
	[tilespmem:v44+s17+$0x0] =	vst.idx.msk $0xffff, v62  }
0x6d: {  	v33 =	vmul.u32 $0x88, v43;
	v39 =	vadd.s32 v9, v18;
	v37 =	vld.idx.msk [tilespmem:v60+s10+$0x0], $0xffff;
	[tilespmem:v47+s17+$0x0] =	vst.idx.msk $0xffff, v34;
	v36 =	vmul.f32 $8.000000000e+00, v61  }
0x6e: {  	s31 =	sshll.u32 s30, $0x2;
	s1 =	simm.s32 $0x7;
	s0 =	simm.s32 $0x8;
	v29 =	vor.u32 v10, v20;
	v44 =	vand.u32 $0x7, v63;
	v43 =	vmul.f32 $8.000000000e+00, v46;
	v27 =	vld.idx.msk [tilespmem:v27+s10+$0x0], $0xffff  }
.LBB2_3:
0x6f: {  	p1 =	slt.u32 s0, $0x3E;
	v32 =	vld.idx.msk [tilespmem:v32+s10+$0x0], $0xffff;
	v34 =	vmul.u32 $0x440, v44;
	v44 =	vadd.s32 s1, v0;
	v45 =	vadd.s32 v9, v19;
	[tilespmem:v31+s17+$0x0] =	vst.idx.msk $0xffff, v36  }
0x70: {  	v31 =	vmul.f32 $8.000000000e+00, v35;
	v35 =	vor.u32 v10, v21;
	v46 =	vand.u32 $0x3F, v44;
	[tilespmem:v41+s17+$0x0] =	vst.idx.msk $0xffff, v43;
	v28 =	vld.idx.msk [tilespmem:v28+s10+$0x0], $0xffff  }
0x71: {  	v36 =	vadd.s32 v5, v22;
	v33 =	vadd.s32 v33, v34;
	v34 =	vor.u32 v1, v46;
	v41 =	vld.idx.msk [tilespmem:v42+s10+$0x0], $0xffff  }
0x72: {  	v37 =	vmul.f32 $8.000000000e+00, v37;
	[tilespmem:v39+s17+$0x0] =	vst.idx.msk $0xffff, v31;
	v31 =	vadd.s32 v11, v18;
	v39 =	vadd.s32 v15, v17  }
0x73: {  	v43 =	vadd.s32 v15, v16;
	v42 =	vadd.s32 v0, v33;
	v40 =	vmul.f32 $8.000000000e+00, v40;
	v17 =	vmovc v18;
	v29 =	vld.idx.msk [tilespmem:v29+s10+$0x0], $0xffff  }
0x74: {  	v47 =	vadd.s32 v5, v25;
	v48 =	vshrl.u32 v44, $0x3;
	v18 =	vmovc v22;
	v49 =	vmul.f32 $8.000000000e+00, v27;
	[tilespmem:v45+s17+$0x0] =	vst.idx.msk $0xffff, v37  }
0x75: {  	v44 =	vand.u32 $0x7, v44;
	v16 =	vmovc v19;
	v22 =	vmovc v33;
	v37 =	vand.u32 $0x7, v48;
	v45 =	vor.u32 v6, v24;
	v35 =	vld.idx.msk [tilespmem:v35+s10+$0x0], $0xffff  }
0x76: {  	v19 =	vmovc v25;
	v28 =	vmul.f32 $8.000000000e+00, v28;
	v33 =	vld.idx.msk [tilespmem:v34+s10+$0x0], $0xffff;
	v34 =	vmul.u32 $0x440, v37;
	v37 =	vmul.u32 $0x88, v44;
	[tilespmem:v36+s17+$0x0] =	vst.idx.msk $0xffff, v40  }
0x77: {  	v27 =	vmovc v23;
	v32 =	vmul.f32 $8.000000000e+00, v32;
	v36 =	vmul.f32 $8.000000000e+00, v41;
	v40 =	vor.u32 v12, v20;
	[tilespmem:v39+s17+$0x0] =	vst.idx.msk $0xffff, v49  }
0x78: {  	v25 =	vadd.s32 v37, v34;
	v30 =	vld.idx.msk [tilespmem:v30+s10+$0x0], $0xffff;
	v34 =	vadd.s32 v11, v16;
	[tilespmem:v43+s17+$0x0] =	vst.idx.msk $0xffff, v28  }
0x79: {  	v29 =	vmul.f32 $8.000000000e+00, v29;
	v28 =	vadd.s32 v0, v25;
	[tilespmem:v47+s17+$0x0] =	vst.idx.msk $0xffff, v36;
	v36 =	vor.u32 v12, v21  }
0x7a: {  	v23 =	vmov v26;
	[tilespmem:v42+s17+$0x0] =	vst.idx.msk $0xffff, v32;
	v32 =	vor.u32 v2, v46;
	v37 =	vld.idx.msk [tilespmem:v45+s10+$0x0], $0xffff  }
0x7b: {  	v39 =	vadd.s32 v7, v18;
	v26 =	vmul.f32 $8.000000000e+00, v35;
	v38 =	vld.idx.msk [tilespmem:v38+s10+$0x0], $0xffff;
	[tilespmem:v31+s17+$0x0] =	vst.idx.msk $0xffff, v29  }
0x7c: {  	v43 =	vadd.s32 s0, v0;
	v29 =	vmul.f32 $8.000000000e+00, v33;
	v31 =	vor.u32 v8, v27;
	v33 =	vld.idx.msk [tilespmem:v40+s10+$0x0], $0xffff  }
0x7d: {  	v45 =	vand.u32 $0x7, v43;
	v42 =	vadd.s32 v7, v19;
	v40 =	vadd.s32 v3, v22;
	[tilespmem:v34+s17+$0x0] =	vst.idx.msk $0xffff, v26  }
0x7e: {  	v26 =	vand.u32 $0x3F, v43;
	v34 =	vor.u32 v8, v24;
	[tilespmem:v28+s17+$0x0] =	vst.idx.msk $0xffff, v29;
	v28 =	vmul.f32 $8.000000000e+00, v30;
	v36 =	vld.idx.msk [tilespmem:v36+s10+$0x0], $0xffff  }
0x7f: {  	v48 =	vadd.s32 v13, v17;
	v44 =	vor.u32 v4, v23;
	v49 =	vor.u32 v14, v20;
	v47 =	vld.idx.msk [tilespmem:v32+s10+$0x0], $0xffff  }
0x80: {  	v30 =	vor.u32 v6, v23;
	v29 =	vor.u32 v10, v27;
	[tilespmem:v39+s17+$0x0] =	vst.idx.msk $0xffff, v28;
	v28 =	vmul.f32 $8.000000000e+00, v37  }
.Ltmp2:
0x81: {  	v20 =	vmovc v27;
	v32 =	vor.u32 v1, v26;
	v37 =	vmul.f32 $8.000000000e+00, v38;
	v35 =	vld.idx.msk [tilespmem:v31+s10+$0x0], $0xffff;
	v31 =	vadd.s32 v13, v16;
	(pc) =	sbr.rel @p1 .LBB2_3-.Ltmp2, $4  }
0x82: {  	v41 =	vadd.s32 v3, v25;
	v27 =	vmul.f32 $8.000000000e+00, v33;
	[tilespmem:v42+s17+$0x0] =	vst.idx.msk $0xffff, v28;
	v28 =	vor.u32 v14, v21  }
0x83: {  	v38 =	vor.u32 v2, v26;
	v42 =	vor.u32 v4, v46;
	[tilespmem:v40+s17+$0x0] =	vst.idx.msk $0xffff, v37;
	v37 =	vld.idx.msk [tilespmem:v34+s10+$0x0], $0xffff  }
0x84: {  	v39 =	vadd.s32 v9, v18;
	v34 =	vshrl.u32 v43, $0x3;
	v36 =	vmul.f32 $8.000000000e+00, v36;
	v40 =	vld.idx.msk [tilespmem:v44+s10+$0x0], $0xffff;
	[tilespmem:v48+s17+$0x0] =	vst.idx.msk $0xffff, v27  }
0x85: {  	s1 =	sadd.s32 $0x1, s0;
	s0 =	sadd.s32 $0x2, s0;
	v33 =	vmul.u32 $0x88, v45;
	v21 =	vmovc v24;
	v24 =	vmovc v46;
	v44 =	vand.u32 $0x7, v34;
	v43 =	vmul.f32 $8.000000000e+00, v47;
	v27 =	vld.idx.msk [tilespmem:v49+s10+$0x0], $0xffff  }
0x86: {  	v45 =	vadd.s32 s1, v0  }
0x87: {  	v34 =	vand.u32 $0x3F, v45  }
0x88: {  	v46 =	vor.u32 v1, v34;
	_ =	sdelay $0x1  }
0x89: {  	v47 =	vshrl.u32 v45, $0x3  }
0x8a: {  	v44 =	vmul.u32 $0x440, v44;
	v45 =	vand.u32 $0x7, v45;
	v47 =	vand.u32 $0x7, v47  }
0x8b: {  	v48 =	vld.idx.msk [tilespmem:v32+s10+$0x0], $0xffff;
	v45 =	vmul.u32 $0x88, v45;
	v47 =	vmul.u32 $0x440, v47  }
0x8c: {  	v32 =	vadd.s32 v33, v44;
	v62 =	vld.idx.msk [tilespmem:v46+s10+$0x0], $0xffff  }
0x8d: {  	v63 =	vadd.s32 v0, v32;
	v33 =	vadd.s32 v45, v47  }
0x8e: {  	v45 =	vadd.s32 v0, v33  }
0x8f: {  	v52 =	vor.u32 v2, v34  }
0x90: {  	v48 =	vmul.f32 $8.000000000e+00, v48  }
0x91: {  	v44 =	vmul.f32 $8.000000000e+00, v62  }
0x92: {  	[tilespmem:v63+s17+$0x0] =	vst.idx.msk $0xffff, v48  }
0x93: {  	v38 =	vld.idx.msk [tilespmem:v38+s10+$0x0], $0xffff;
	[tilespmem:v45+s17+$0x0] =	vst.idx.msk $0xffff, v44  }
0x94: {  	v44 =	vld.idx.msk [tilespmem:v52+s10+$0x0], $0xffff  }
0x95: {  	v53 =	vadd.s32 v3, v32  }
0x96: {  	v54 =	vor.u32 v4, v26;
	v55 =	vadd.s32 v3, v33  }
0x97: {  	v56 =	vor.u32 v4, v34  }
0x98: {  	v38 =	vmul.f32 $8.000000000e+00, v38  }
0x99: {  	[tilespmem:v41+s17+$0x0] =	vst.idx.msk $0xffff, v43;
	v57 =	vmul.f32 $8.000000000e+00, v44  }
0x9a: {  	v42 =	vld.idx.msk [tilespmem:v42+s10+$0x0], $0xffff;
	[tilespmem:v53+s17+$0x0] =	vst.idx.msk $0xffff, v38  }
0x9b: {  	v58 =	vadd.s32 v5, v22;
	v59 =	vld.idx.msk [tilespmem:v54+s10+$0x0], $0xffff;
	[tilespmem:v55+s17+$0x0] =	vst.idx.msk $0xffff, v57  }
0x9c: {  	v60 =	vadd.s32 v5, v25;
	v61 =	vld.idx.msk [tilespmem:v56+s10+$0x0], $0xffff  }
0x9d: {  	v63 =	vadd.s32 v5, v32;
	v62 =	vor.u32 v6, v24  }
0x9e: {  	v40 =	vmul.f32 $8.000000000e+00, v40;
	v52 =	vor.u32 v6, v26;
	v53 =	vadd.s32 v5, v33  }
0x9f: {  	v49 =	vor.u32 v6, v34;
	v42 =	vmul.f32 $8.000000000e+00, v42  }
0xa0: {  	[tilespmem:v58+s17+$0x0] =	vst.idx.msk $0xffff, v40;
	v54 =	vmul.f32 $8.000000000e+00, v59  }
0xa1: {  	v30 =	vld.idx.msk [tilespmem:v30+s10+$0x0], $0xffff;
	[tilespmem:v60+s17+$0x0] =	vst.idx.msk $0xffff, v42;
	v55 =	vmul.f32 $8.000000000e+00, v61  }
0xa2: {  	v41 =	vld.idx.msk [tilespmem:v62+s10+$0x0], $0xffff;
	[tilespmem:v63+s17+$0x0] =	vst.idx.msk $0xffff, v54  }
0xa3: {  	v56 =	vadd.s32 v7, v22;
	v57 =	vld.idx.msk [tilespmem:v52+s10+$0x0], $0xffff;
	[tilespmem:v53+s17+$0x0] =	vst.idx.msk $0xffff, v55  }
0xa4: {  	v58 =	vor.u32 v8, v23;
	v59 =	vadd.s32 v7, v25;
	v60 =	vld.idx.msk [tilespmem:v49+s10+$0x0], $0xffff  }
0xa5: {  	v62 =	vadd.s32 v7, v32;
	v61 =	vor.u32 v8, v24  }
0xa6: {  	v30 =	vmul.f32 $8.000000000e+00, v30;
	v63 =	vor.u32 v8, v26;
	v52 =	vadd.s32 v7, v33  }
0xa7: {  	v41 =	vmul.f32 $8.000000000e+00, v41;
	v53 =	vor.u32 v8, v34  }
0xa8: {  	[tilespmem:v56+s17+$0x0] =	vst.idx.msk $0xffff, v30;
	v54 =	vmul.f32 $8.000000000e+00, v57  }
0xa9: {  	[tilespmem:v59+s17+$0x0] =	vst.idx.msk $0xffff, v41;
	v38 =	vld.idx.msk [tilespmem:v58+s10+$0x0], $0xffff;
	v55 =	vmul.f32 $8.000000000e+00, v60  }
0xaa: {  	v56 =	vadd.s32 v9, v19;
	[tilespmem:v62+s17+$0x0] =	vst.idx.msk $0xffff, v54;
	v57 =	vld.idx.msk [tilespmem:v61+s10+$0x0], $0xffff  }
0xab: {  	v30 =	vor.u32 v10, v21;
	v58 =	vadd.s32 v9, v22;
	v59 =	vld.idx.msk [tilespmem:v63+s10+$0x0], $0xffff;
	[tilespmem:v52+s17+$0x0] =	vst.idx.msk $0xffff, v55  }
0xac: {  	v35 =	vmul.f32 $8.000000000e+00, v35;
	v61 =	vadd.s32 v9, v25;
	v60 =	vor.u32 v10, v23;
	v62 =	vld.idx.msk [tilespmem:v53+s10+$0x0], $0xffff  }
0xad: {  	v37 =	vmul.f32 $8.000000000e+00, v37;
	v63 =	vor.u32 v10, v24;
	v52 =	vadd.s32 v9, v32  }
0xae: {  	[tilespmem:v39+s17+$0x0] =	vst.idx.msk $0xffff, v35;
	v54 =	vor.u32 v10, v26;
	v55 =	vadd.s32 v9, v33;
	v53 =	vmul.f32 $8.000000000e+00, v38  }
0xaf: {  	v29 =	vld.idx.msk [tilespmem:v29+s10+$0x0], $0xffff;
	[tilespmem:v56+s17+$0x0] =	vst.idx.msk $0xffff, v37;
	v56 =	vmul.f32 $8.000000000e+00, v57;
	v57 =	vor.u32 v10, v34  }
0xb0: {  	v30 =	vld.idx.msk [tilespmem:v30+s10+$0x0], $0xffff;
	[tilespmem:v58+s17+$0x0] =	vst.idx.msk $0xffff, v53;
	v58 =	vmul.f32 $8.000000000e+00, v59  }
0xb1: {  	[tilespmem:v61+s17+$0x0] =	vst.idx.msk $0xffff, v56;
	v59 =	vadd.s32 v11, v18;
	v40 =	vld.idx.msk [tilespmem:v60+s10+$0x0], $0xffff;
	v60 =	vmul.f32 $8.000000000e+00, v62  }
0xb2: {  	v61 =	vor.u32 v12, v20;
	v45 =	vld.idx.msk [tilespmem:v63+s10+$0x0], $0xffff;
	[tilespmem:v52+s17+$0x0] =	vst.idx.msk $0xffff, v58;
	v62 =	vadd.s32 v11, v19  }
0xb3: {  	v48 =	vadd.s32 v11, v22;
	v63 =	vor.u32 v12, v21;
	v38 =	vld.idx.msk [tilespmem:v54+s10+$0x0], $0xffff;
	[tilespmem:v55+s17+$0x0] =	vst.idx.msk $0xffff, v60  }
0xb4: {  	v50 =	vadd.s32 v11, v25;
	v29 =	vmul.f32 $8.000000000e+00, v29;
	v49 =	vor.u32 v12, v23;
	v41 =	vld.idx.msk [tilespmem:v57+s10+$0x0], $0xffff  }
0xb5: {  	[tilespmem:v31+s17+$0x0] =	vst.idx.msk $0xffff, v36;
	v51 =	vor.u32 v12, v24;
	v30 =	vmul.f32 $8.000000000e+00, v30;
	v52 =	vadd.s32 v11, v32  }
0xb6: {  	v54 =	vor.u32 v12, v26;
	[tilespmem:v59+s17+$0x0] =	vst.idx.msk $0xffff, v29;
	v55 =	vadd.s32 v11, v33;
	v53 =	vmul.f32 $8.000000000e+00, v40  }
0xb7: {  	v56 =	vmul.f32 $8.000000000e+00, v45;
	v43 =	vld.idx.msk [tilespmem:v61+s10+$0x0], $0xffff;
	v57 =	vor.u32 v12, v34;
	[tilespmem:v62+s17+$0x0] =	vst.idx.msk $0xffff, v30  }
0xb8: {  	v17 =	vadd.s32 v15, v17;
	[tilespmem:v48+s17+$0x0] =	vst.idx.msk $0xffff, v53;
	v58 =	vmul.f32 $8.000000000e+00, v38;
	v35 =	vld.idx.msk [tilespmem:v63+s10+$0x0], $0xffff  }
0xb9: {  	v59 =	vadd.s32 v13, v18;
	[tilespmem:v50+s17+$0x0] =	vst.idx.msk $0xffff, v56;
	v37 =	vld.idx.msk [tilespmem:v49+s10+$0x0], $0xffff;
	v60 =	vmul.f32 $8.000000000e+00, v41  }
0xba: {  	v61 =	vor.u32 v14, v20;
	v62 =	vadd.s32 v13, v19;
	v31 =	vld.idx.msk [tilespmem:v51+s10+$0x0], $0xffff;
	[tilespmem:v52+s17+$0x0] =	vst.idx.msk $0xffff, v58  }
0xbb: {  	v45 =	vadd.s32 v13, v22;
	v63 =	vor.u32 v14, v21;
	v36 =	vld.idx.msk [tilespmem:v54+s10+$0x0], $0xffff;
	[tilespmem:v55+s17+$0x0] =	vst.idx.msk $0xffff, v60  }
0xbc: {  	v47 =	vor.u32 v14, v23;
	v48 =	vadd.s32 v13, v25;
	v46 =	vmul.f32 $8.000000000e+00, v43;
	v49 =	vld.idx.msk [tilespmem:v57+s10+$0x0], $0xffff  }
0xbd: {  	v28 =	vld.idx.msk [tilespmem:v28+s10+$0x0], $0xffff;
	v50 =	vor.u32 v14, v24;
	v51 =	vadd.s32 v13, v32;
	v35 =	vmul.f32 $8.000000000e+00, v35  }
0xbe: {  	v53 =	vor.u32 v14, v26;
	v54 =	vadd.s32 v13, v33;
	[tilespmem:v59+s17+$0x0] =	vst.idx.msk $0xffff, v46;
	v52 =	vmul.f32 $8.000000000e+00, v37  }
0xbf: {  	v34 =	vor.u32 v14, v34;
	v31 =	vmul.f32 $8.000000000e+00, v31;
	v20 =	vld.idx.msk [tilespmem:v61+s10+$0x0], $0xffff;
	[tilespmem:v62+s17+$0x0] =	vst.idx.msk $0xffff, v35  }
0xc0: {  	v16 =	vadd.s32 v15, v16;
	[tilespmem:v45+s17+$0x0] =	vst.idx.msk $0xffff, v52;
	v55 =	vmul.f32 $8.000000000e+00, v36;
	v21 =	vld.idx.msk [tilespmem:v63+s10+$0x0], $0xffff  }
0xc1: {  	v56 =	vadd.s32 v15, v18;
	[tilespmem:v48+s17+$0x0] =	vst.idx.msk $0xffff, v31;
	v23 =	vld.idx.msk [tilespmem:v47+s10+$0x0], $0xffff;
	v57 =	vmul.f32 $8.000000000e+00, v49  }
0xc2: {  	v27 =	vmul.f32 $8.000000000e+00, v27;
	v58 =	vadd.s32 v15, v19;
	v24 =	vld.idx.msk [tilespmem:v50+s10+$0x0], $0xffff;
	[tilespmem:v51+s17+$0x0] =	vst.idx.msk $0xffff, v55  }
0xc3: {  	v28 =	vmul.f32 $8.000000000e+00, v28;
	v59 =	vadd.s32 v15, v22;
	v26 =	vld.idx.msk [tilespmem:v53+s10+$0x0], $0xffff;
	[tilespmem:v54+s17+$0x0] =	vst.idx.msk $0xffff, v57  }
0xc4: {  	[tilespmem:v17+s17+$0x0] =	vst.idx.msk $0xffff, v27;
	v60 =	vadd.s32 v15, v25;
	v17 =	vmul.f32 $8.000000000e+00, v20;
	v61 =	vld.idx.msk [tilespmem:v34+s10+$0x0], $0xffff  }
0xc5: {  	[tilespmem:v16+s17+$0x0] =	vst.idx.msk $0xffff, v28;
	v62 =	vadd.s32 v15, v32;
	v16 =	vmul.f32 $8.000000000e+00, v21  }
0xc6: {  	v63 =	vadd.s32 v15, v33;
	[tilespmem:v56+s17+$0x0] =	vst.idx.msk $0xffff, v17;
	v17 =	vmul.f32 $8.000000000e+00, v23  }
0xc7: {  	s0 =	sadd.s32 s6, s31;
	[tilespmem:v58+s17+$0x0] =	vst.idx.msk $0xffff, v16;
	v16 =	vmul.f32 $8.000000000e+00, v24  }
0xc8: {  	s5 =	sshll.u32 s0, $0x7;
	[tilespmem:v59+s17+$0x0] =	vst.idx.msk $0xffff, v17;
	v17 =	vmul.f32 $8.000000000e+00, v26  }
0xc9: {  	s0 =	sshll.u32 s0, $0xA;
	s1 =	sand.u32 $0xE00, s5;
	[tilespmem:v60+s17+$0x0] =	vst.idx.msk $0xffff, v16;
	v16 =	vmul.f32 $8.000000000e+00, v61  }
0xca: {  	s0 =	sand.u32 $0xFFF8000, s0;
	s1 =	sadd.s32 s2, s1;
	[tilespmem:v62+s17+$0x0] =	vst.idx.msk $0xffff, v17  }
0xcb: {  	s7 =	simm.s32 $0xE400;
	s1 =	sadd.s32 s0, s1;
	[tilespmem:v63+s17+$0x0] =	vst.idx.msk $0xffff, v16  }
0xcc: {  	[hbm4b:s1+s3] =	stream.linear.scatter [tilespmem:s7], [sflag:$0x5], $0x80, $0x38;
	[tilespmem:$0x16C00] =	vst v63  }
0xcd: {  	s8 =	simm.s32 $0xE488;
	s5 =	sadd.s32 $0x10, s1  }
0xce: {  	[hbm4b:s5+s3] =	stream.linear.scatter [tilespmem:s8], [sflag:$0x5], $0x80, $0x38;
	[tilespmem:$0x16C00] =	vst v63  }
0xcf: {  	s12 =	simm.s32 $0xE510;
	s14 =	sadd.s32 $0x20, s1  }
0xd0: {  	[hbm4b:s14+s3] =	stream.linear.scatter [tilespmem:s12], [sflag:$0x5], $0x80, $0x38;
	[tilespmem:$0x16C00] =	vst v63  }
0xd1: {  	s7 =	simm.s32 $0xE598;
	s8 =	sadd.s32 $0x30, s1  }
0xd2: {  	[hbm4b:s8+s3] =	stream.linear.scatter [tilespmem:s7], [sflag:$0x5], $0x80, $0x38;
	[tilespmem:$0x16C00] =	vst v63  }
0xd3: {  	s12 =	simm.s32 $0xE620;
	s14 =	sadd.s32 $0x40, s1  }
0xd4: {  	[hbm4b:s14+s3] =	stream.linear.scatter [tilespmem:s12], [sflag:$0x5], $0x80, $0x38;
	[tilespmem:$0x16C00] =	vst v63  }
0xd5: {  	s0 =	simm.s32 $0x440;
	s7 =	simm.s32 $0xE6A8;
	s8 =	sadd.s32 $0x50, s1  }
0xd6: {  	[hbm4b:s8+s3] =	stream.linear.scatter [tilespmem:s7], [sflag:$0x5], $0x80, $0x38;
	[tilespmem:$0x16C00] =	vst v63  }
0xd7: {  	s5 =	sadd.s32 $0x70, s1;
	s12 =	simm.s32 $0xE730;
	s14 =	sadd.s32 $0x60, s1  }
0xd8: {  	[hbm4b:s14+s3] =	stream.linear.scatter [tilespmem:s12], [sflag:$0x5], $0x80, $0x38;
	[tilespmem:$0x16C00] =	vst v63  }
0xd9: {  	s1 =	sadd.s32 $0x1000, s1;
	s12 =	simm.s32 $0x2200;
	s14 =	simm.s32 $0xE7B8  }
.LBB2_5:
0xda: {  	[hbm4b:s5+s3] =	stream.linear.scatter [tilespmem:s14], [sflag:$0x5], $0x80, $0x38;
	[tilespmem:$0x16C00] =	vst v63  }
0xdb: {  	s5 =	smov.u32 s0;
	s0 =	smov.u32 s12  }
0xdc: {  	s7 =	sadd.s32 $0x1100, s12;
	s0 =	sshra.s32 s0, $0x2;
	s14 =	sadd.s32 $0xE400, s5  }
0xdd: {  	[hbm4b:s1+s3] =	stream.linear.scatter [tilespmem:s14], [sflag:$0x5], $0x80, $0x38;
	[tilespmem:$0x16C00] =	vst v63  }
0xde: {  	p1 =	sne.s32 s12, $0x7700;
	s12 =	sadd.s32 $0xE488, s5;
	s14 =	sadd.s32 $0x10, s1  }
0xdf: {  	[hbm4b:s14+s3] =	stream.linear.scatter [tilespmem:s12], [sflag:$0x5], $0x80, $0x38;
	[tilespmem:$0x16C00] =	vst v63  }
0xe0: {  	s12 =	sadd.s32 $0xE510, s5;
	s14 =	sadd.s32 $0x20, s1  }
0xe1: {  	[hbm4b:s14+s3] =	stream.linear.scatter [tilespmem:s12], [sflag:$0x5], $0x80, $0x38;
	[tilespmem:$0x16C00] =	vst v63  }
0xe2: {  	s12 =	sadd.s32 $0xE598, s5;
	s14 =	sadd.s32 $0x30, s1  }
0xe3: {  	[hbm4b:s14+s3] =	stream.linear.scatter [tilespmem:s12], [sflag:$0x5], $0x80, $0x38;
	[tilespmem:$0x16C00] =	vst v63  }
0xe4: {  	s12 =	sadd.s32 $0xE620, s5;
	s14 =	sadd.s32 $0x40, s1  }
0xe5: {  	[hbm4b:s14+s3] =	stream.linear.scatter [tilespmem:s12], [sflag:$0x5], $0x80, $0x38;
	[tilespmem:$0x16C00] =	vst v63  }
0xe6: {  	s12 =	sadd.s32 $0xE6A8, s5;
	s14 =	sadd.s32 $0x50, s1  }
0xe7: {  	[hbm4b:s14+s3] =	stream.linear.scatter [tilespmem:s12], [sflag:$0x5], $0x80, $0x38;
	[tilespmem:$0x16C00] =	vst v63  }
.Ltmp3:
0xe8: {  	_ = 	snop;
	(pc) =	sbr.rel @p1 .LBB2_5-.Ltmp3, $4  }
0xe9: {  	s12 =	sadd.s32 $0xE730, s5;
	s14 =	sadd.s32 $0x60, s1  }
0xea: {  	[hbm4b:s14+s3] =	stream.linear.scatter [tilespmem:s12], [sflag:$0x5], $0x80, $0x38;
	[tilespmem:$0x16C00] =	vst v63  }
0xeb: {  	s14 =	sadd.s32 $0xE7B8, s5  }
0xec: {  	s5 =	sadd.s32 $0x70, s1;
	s1 =	sadd.s32 $0x1000, s1;
	s12 =	smov.u32 s7  }
0xed: {  	[hbm4b:s5+s3] =	stream.linear.scatter [tilespmem:s14], [sflag:$0x5], $0x80, $0x38;
	[tilespmem:$0x16C00] =	vst v63  }
0xee: {  	s7 =	sadd.s32 $0xE400, s0  }
0xef: {  	[hbm4b:s1+s3] =	stream.linear.scatter [tilespmem:s7], [sflag:$0x5], $0x80, $0x38;
	[tilespmem:$0x16C00] =	vst v63  }
0xf0: {  	s8 =	sadd.s32 $0xE488, s0;
	s7 =	sadd.s32 $0x10, s1  }
0xf1: {  	[hbm4b:s7+s3] =	stream.linear.scatter [tilespmem:s8], [sflag:$0x5], $0x80, $0x38;
	[tilespmem:$0x16C00] =	vst v63  }
0xf2: {  	s12 =	sadd.s32 $0xE510, s0;
	s14 =	sadd.s32 $0x20, s1  }
0xf3: {  	[hbm4b:s14+s3] =	stream.linear.scatter [tilespmem:s12], [sflag:$0x5], $0x80, $0x38;
	[tilespmem:$0x16C00] =	vst v63  }
0xf4: {  	s7 =	sadd.s32 $0xE598, s0;
	s8 =	sadd.s32 $0x30, s1  }
0xf5: {  	[hbm4b:s8+s3] =	stream.linear.scatter [tilespmem:s7], [sflag:$0x5], $0x80, $0x38;
	[tilespmem:$0x16C00] =	vst v63  }
0xf6: {  	p1 =	seq.s32 s30, $0x31;
	s12 =	sadd.s32 $0xE620, s0;
	s14 =	sadd.s32 $0x40, s1  }
0xf7: {  	[hbm4b:s14+s3] =	stream.linear.scatter [tilespmem:s12], [sflag:$0x5], $0x80, $0x38;
	[tilespmem:$0x16C00] =	vst v63  }
0xf8: {  	s7 =	sadd.s32 $0xE6A8, s0;
	s8 =	sadd.s32 $0x50, s1;
	s12 =	sadd.s32 $0xE730, s0  }
0xf9: {  	[hbm4b:s8+s3] =	stream.linear.scatter [tilespmem:s7], [sflag:$0x5], $0x80, $0x38;
	[tilespmem:$0x16C00] =	vst v63  }
0xfa: {  	s14 =	sadd.s32 $0x60, s1;
	s8 =	sadd.s32 $0xE7B8, s0;
	s0 =	sshll.u32 @!p1 s30, $0x9  }
0xfb: {  	[hbm4b:s14+s3] =	stream.linear.scatter [tilespmem:s12], [sflag:$0x5], $0x80, $0x38;
	[tilespmem:$0x16C00] =	vst v63  }
0xfc: {  	s5 =	simm.s32 @!p1 $0x80;
	s0 =	sand.u32 @!p1 $0x3FFFFE00, s0;
	s12 =	sadd.s32 $0x70, s1  }
0xfd: {  	[hbm4b:s12+s3] =	stream.linear.scatter [tilespmem:s8], [sflag:$0x5], $0x80, $0x38;
	[tilespmem:$0x16C00] =	vst v63  }
0xfe: {  	s7 =	simm.s32 @!p1 $0x6400;
	s1 =	sadd.s32 @!p1 $0x200, s0;
	s12 =	simm.s32 $0x0  }
0xff: {  	v16 =	vadd.s32 s12, v0;
	[tilespmem:s7], [sflag:$0x1] =	stream.indirect.gather @!p1 [hbm4b:s4+s5], $0x40, s1, s5, $0xb8;
	[tilespmem:$0x16C00] =	vst v63  }
0x100: {  	v27 =	vand.u32 $0x3F, v16;
	_ =	swait.ge [sflag:s18], $0x2000  }
0x101: {  	v17 =	vor.u32 v1, v27;
	[sflag:s18] =	ssyncset.done $0x0  }
0x102: {  	s14 =	simm.s32 $0x1;
	s1 =	simm.s32 @!p0 $0x6;
	[sflag:s18] =	ssyncadd.s32 $0xFFFFE000  }
0x103: {  	v19 =	vadd.s32 s14, v0;
	v18 =	vshrl.u32 v16, $0x3;
	_ =	swait.ge @!p0 [sflag:s1], $0x2000  }
0x104: {  	v28 =	vand.u32 $0x3F, v19;
	v16 =	vand.u32 $0x7, v16;
	v18 =	vand.u32 $0x7, v18;
	[sflag:s1] =	ssyncset.done @!p0 $0x0  }
0x105: {  	v20 =	vor.u32 v1, v28;
	v16 =	vmul.u32 $0x88, v16;
	v18 =	vmul.u32 $0x440, v18;
	[sflag:s1] =	ssyncadd.s32 @!p0 $0xFFFFE000  }
0x106: {  	v21 =	vld.idx.msk [tilespmem:v17+s11+$0x0], $0xffff  }
0x107: {  	v17 =	vadd.s32 v16, v18;
	v16 =	vshrl.u32 v19, $0x3  }
0x108: {  	v19 =	vand.u32 $0x7, v19;
	v18 =	vadd.s32 v0, v17;
	v16 =	vand.u32 $0x7, v16  }
0x109: {  	v22 =	vor.u32 v2, v27;
	v19 =	vmul.u32 $0x88, v19;
	v16 =	vmul.u32 $0x440, v16  }
0x10a: {  	v20 =	vld.idx.msk [tilespmem:v20+s11+$0x0], $0xffff  }
0x10b: {  	v16 =	vadd.s32 v19, v16;
	v21 =	vmul.f32 $8.000000000e+00, v21  }
0x10c: {  	v19 =	vadd.s32 v0, v16  }
0x10d: {  	[tilespmem:v18+s19+$0x0] =	vst.idx.msk $0xffff, v21;
	v18 =	vor.u32 v2, v28  }
0x10e: {  	v21 =	vld.idx.msk [tilespmem:v22+s11+$0x0], $0xffff  }
0x10f: {  	v20 =	vmul.f32 $8.000000000e+00, v20  }
0x110: {  	v22 =	vadd.s32 v3, v17  }
0x111: {  	[tilespmem:v19+s19+$0x0] =	vst.idx.msk $0xffff, v20  }
0x112: {  	v18 =	vld.idx.msk [tilespmem:v18+s11+$0x0], $0xffff  }
0x113: {  	s5 =	simm.s32 $0x2;
	v19 =	vor.u32 v4, v27;
	v21 =	vmul.f32 $8.000000000e+00, v21  }
0x114: {  	v23 =	vadd.s32 s5, v0;
	v24 =	vadd.s32 v3, v16  }
0x115: {  	v20 =	vand.u32 $0x3F, v23;
	[tilespmem:v22+s19+$0x0] =	vst.idx.msk $0xffff, v21;
	v22 =	vor.u32 v4, v28  }
0x116: {  	s7 =	simm.s32 $0x3;
	v25 =	vor.u32 v1, v20;
	v21 =	vand.u32 $0x7, v23;
	v23 =	vshrl.u32 v23, $0x3  }
0x117: {  	v26 =	vadd.s32 s7, v0;
	v23 =	vand.u32 $0x7, v23;
	v18 =	vmul.f32 $8.000000000e+00, v18  }
0x118: {  	v19 =	vld.idx.msk [tilespmem:v19+s11+$0x0], $0xffff;
	v29 =	vmul.u32 $0x88, v21;
	v21 =	vand.u32 $0x3F, v26;
	v23 =	vmul.u32 $0x440, v23  }
0x119: {  	[tilespmem:v24+s19+$0x0] =	vst.idx.msk $0xffff, v18;
	v24 =	vor.u32 v1, v21  }
0x11a: {  	v31 =	vshrl.u32 v26, $0x3;
	v18 =	vadd.s32 v29, v23;
	v23 =	vadd.s32 v5, v17;
	v22 =	vld.idx.msk [tilespmem:v22+s11+$0x0], $0xffff  }
0x11b: {  	v33 =	vor.u32 v6, v28;
	v30 =	vor.u32 v6, v27;
	v31 =	vand.u32 $0x7, v31;
	v25 =	vld.idx.msk [tilespmem:v25+s11+$0x0], $0xffff  }
0x11c: {  	v31 =	vmul.u32 $0x440, v31;
	v32 =	vadd.s32 v5, v16;
	v26 =	vand.u32 $0x7, v26  }
0x11d: {  	v26 =	vmul.u32 $0x88, v26;
	v29 =	vadd.s32 v0, v18;
	v19 =	vmul.f32 $8.000000000e+00, v19  }
0x11e: {  	v34 =	vor.u32 v2, v20;
	v24 =	vld.idx.msk [tilespmem:v24+s11+$0x0], $0xffff  }
0x11f: {  	[tilespmem:v23+s19+$0x0] =	vst.idx.msk $0xffff, v19;
	v19 =	vadd.s32 v26, v31;
	v22 =	vmul.f32 $8.000000000e+00, v22  }
0x120: {  	v23 =	vmul.f32 $8.000000000e+00, v25;
	v25 =	vld.idx.msk [tilespmem:v30+s11+$0x0], $0xffff;
	v26 =	vadd.s32 v0, v19  }
0x121: {  	[tilespmem:v32+s19+$0x0] =	vst.idx.msk $0xffff, v22  }
0x122: {  	v30 =	vadd.s32 v7, v17;
	[tilespmem:v29+s19+$0x0] =	vst.idx.msk $0xffff, v23;
	v22 =	vor.u32 v2, v21;
	v29 =	vld.idx.msk [tilespmem:v33+s11+$0x0], $0xffff  }
0x123: {  	v46 =	vor.u32 v10, v28;
	v31 =	vld.idx.msk [tilespmem:v34+s11+$0x0], $0xffff;
	v23 =	vmul.f32 $8.000000000e+00, v24;
	v24 =	vor.u32 v8, v27  }
0x124: {  	v54 =	vor.u32 v12, v28;
	v51 =	vor.u32 v12, v27;
	v61 =	vadd.s32 v7, v16  }
0x125: {  	v62 =	vadd.s32 v3, v18;
	v25 =	vmul.f32 $8.000000000e+00, v25;
	[tilespmem:v26+s19+$0x0] =	vst.idx.msk $0xffff, v23;
	v26 =	vor.u32 v8, v28  }
0x126: {  	s8 =	simm.s32 $0x4;
	v44 =	vadd.s32 v9, v17;
	v50 =	vadd.s32 v11, v17;
	v40 =	vadd.s32 v9, v16  }
0x127: {  	v60 =	vadd.s32 s8, v0;
	v35 =	vor.u32 v4, v20;
	v22 =	vld.idx.msk [tilespmem:v22+s11+$0x0], $0xffff;
	[tilespmem:v30+s19+$0x0] =	vst.idx.msk $0xffff, v25;
	v29 =	vmul.f32 $8.000000000e+00, v29  }
0x128: {  	v36 =	vor.u32 v6, v20;
	v23 =	vand.u32 $0x3F, v60;
	v31 =	vmul.f32 $8.000000000e+00, v31;
	v37 =	vld.idx.msk [tilespmem:v24+s11+$0x0], $0xffff  }
0x129: {  	s12 =	simm.s32 $0x5;
	v38 =	vadd.s32 v3, v19;
	v30 =	vor.u32 v1, v23;
	[tilespmem:v61+s19+$0x0] =	vst.idx.msk $0xffff, v29  }
0x12a: {  	v39 =	vadd.s32 s12, v0;
	v63 =	vor.u32 v4, v21;
	[tilespmem:v62+s19+$0x0] =	vst.idx.msk $0xffff, v31;
	v31 =	vshrl.u32 v60, $0x3;
	v26 =	vld.idx.msk [tilespmem:v26+s11+$0x0], $0xffff  }
0x12b: {  	v25 =	vor.u32 v10, v27;
	v24 =	vand.u32 $0x7, v60;
	v31 =	vand.u32 $0x7, v31  }
0x12c: {  	v45 =	vmul.u32 $0x88, v24;
	v31 =	vmul.u32 $0x440, v31;
	v22 =	vmul.f32 $8.000000000e+00, v22  }
0x12d: {  	v49 =	vor.u32 v6, v21;
	v34 =	vld.idx.msk [tilespmem:v35+s11+$0x0], $0xffff;
	v24 =	vand.u32 $0x3F, v39;
	v37 =	vmul.f32 $8.000000000e+00, v37  }
0x12e: {  	v30 =	vld.idx.msk [tilespmem:v30+s11+$0x0], $0xffff;
	[tilespmem:v38+s19+$0x0] =	vst.idx.msk $0xffff, v22;
	v22 =	vadd.s32 v45, v31;
	v31 =	vor.u32 v1, v24  }
0x12f: {  	v47 =	vadd.s32 v5, v18;
	v33 =	vld.idx.msk [tilespmem:v63+s11+$0x0], $0xffff;
	[tilespmem:v44+s19+$0x0] =	vst.idx.msk $0xffff, v37;
	v26 =	vmul.f32 $8.000000000e+00, v26  }
0x130: {  	v41 =	vadd.s32 v5, v19;
	v48 =	vadd.s32 v0, v22;
	v37 =	vld.idx.msk [tilespmem:v25+s11+$0x0], $0xffff;
	v25 =	vshrl.u32 v39, $0x3  }
0x131: {  	v29 =	vor.u32 v2, v23;
	[tilespmem:v40+s19+$0x0] =	vst.idx.msk $0xffff, v26;
	v25 =	vand.u32 $0x7, v25;
	v26 =	vand.u32 $0x7, v39  }
0x132: {  	v34 =	vmul.f32 $8.000000000e+00, v34;
	v38 =	vld.idx.msk [tilespmem:v46+s11+$0x0], $0xffff;
	v25 =	vmul.u32 $0x440, v25;
	v26 =	vmul.u32 $0x88, v26  }
0x133: {  	v59 =	vor.u32 v8, v20;
	v28 =	vor.u32 v14, v28;
	v30 =	vmul.f32 $8.000000000e+00, v30;
	v31 =	vld.idx.msk [tilespmem:v31+s11+$0x0], $0xffff  }
0x134: {  	[tilespmem:v47+s19+$0x0] =	vst.idx.msk $0xffff, v34;
	v33 =	vmul.f32 $8.000000000e+00, v33;
	v25 =	vadd.s32 v26, v25;
	v26 =	vadd.s32 v11, v16  }
0x135: {  	v35 =	vld.idx.msk [tilespmem:v36+s11+$0x0], $0xffff;
	[tilespmem:v48+s19+$0x0] =	vst.idx.msk $0xffff, v30;
	v52 =	vadd.s32 v0, v25;
	v53 =	vmul.f32 $8.000000000e+00, v37  }
0x136: {  	v27 =	vor.u32 v14, v27;
	v30 =	vor.u32 v2, v24;
	v56 =	vld.idx.msk [tilespmem:v29+s11+$0x0], $0xffff;
	[tilespmem:v41+s19+$0x0] =	vst.idx.msk $0xffff, v33  }
0x137: {  	v29 =	vadd.s32 v7, v18;
	v55 =	vld.idx.msk [tilespmem:v49+s11+$0x0], $0xffff;
	[tilespmem:v50+s19+$0x0] =	vst.idx.msk $0xffff, v53;
	v57 =	vmul.f32 $8.000000000e+00, v38  }
0x138: {  	s14 =	simm.s32 $0x6;
	v60 =	vor.u32 v8, v21;
	v42 =	vadd.s32 v3, v22;
	v31 =	vmul.f32 $8.000000000e+00, v31;
	v34 =	vld.idx.msk [tilespmem:v51+s11+$0x0], $0xffff  }
0x139: {  	v58 =	vadd.s32 s14, v0;
	v45 =	vor.u32 v4, v23;
	v44 =	vadd.s32 v7, v19;
	[tilespmem:v26+s19+$0x0] =	vst.idx.msk $0xffff, v57  }
0x13a: {  	v43 =	vand.u32 $0x7, v58;
	v47 =	vadd.s32 v13, v17;
	[tilespmem:v52+s19+$0x0] =	vst.idx.msk $0xffff, v31;
	v31 =	vmul.f32 $8.000000000e+00, v35;
	v61 =	vld.idx.msk [tilespmem:v54+s11+$0x0], $0xffff  }
0x13b: {  	v41 =	vadd.s32 v3, v25;
	v26 =	vand.u32 $0x3F, v58;
	v39 =	vmul.f32 $8.000000000e+00, v56;
	v46 =	vld.idx.msk [tilespmem:v30+s11+$0x0], $0xffff  }
0x13c: {  	v32 =	vor.u32 v1, v26;
	v62 =	vmul.f32 $8.000000000e+00, v55;
	[tilespmem:v29+s19+$0x0] =	vst.idx.msk $0xffff, v31;
	v31 =	vadd.s32 v13, v16  }
0x13d: {  	v63 =	vshrl.u32 v58, $0x3;
	v38 =	vor.u32 v2, v26;
	[tilespmem:v42+s19+$0x0] =	vst.idx.msk $0xffff, v39;
	v35 =	vld.idx.msk [tilespmem:v59+s11+$0x0], $0xffff;
	v34 =	vmul.f32 $8.000000000e+00, v34  }
0x13e: {  	v30 =	vor.u32 v6, v23;
	v42 =	vor.u32 v4, v24;
	v40 =	vld.idx.msk [tilespmem:v45+s11+$0x0], $0xffff;
	[tilespmem:v44+s19+$0x0] =	vst.idx.msk $0xffff, v62  }
0x13f: {  	v33 =	vmul.u32 $0x88, v43;
	v39 =	vadd.s32 v9, v18;
	v37 =	vld.idx.msk [tilespmem:v60+s11+$0x0], $0xffff;
	[tilespmem:v47+s19+$0x0] =	vst.idx.msk $0xffff, v34;
	v36 =	vmul.f32 $8.000000000e+00, v61  }
0x140: {  	s14 =	simm.s32 $0x7;
	s12 =	simm.s32 $0x8;
	s1 =	sor.u32 $0x1, s31;
	v29 =	vor.u32 v10, v20;
	v44 =	vand.u32 $0x7, v63;
	v43 =	vmul.f32 $8.000000000e+00, v46;
	v27 =	vld.idx.msk [tilespmem:v27+s11+$0x0], $0xffff  }
.LBB2_7:
0x141: {  	p2 =	slt.u32 s12, $0x3E;
	v32 =	vld.idx.msk [tilespmem:v32+s11+$0x0], $0xffff;
	v34 =	vmul.u32 $0x440, v44;
	v44 =	vadd.s32 s14, v0;
	v45 =	vadd.s32 v9, v19;
	[tilespmem:v31+s19+$0x0] =	vst.idx.msk $0xffff, v36  }
0x142: {  	v31 =	vmul.f32 $8.000000000e+00, v35;
	v35 =	vor.u32 v10, v21;
	v46 =	vand.u32 $0x3F, v44;
	[tilespmem:v41+s19+$0x0] =	vst.idx.msk $0xffff, v43;
	v28 =	vld.idx.msk [tilespmem:v28+s11+$0x0], $0xffff  }
0x143: {  	v36 =	vadd.s32 v5, v22;
	v33 =	vadd.s32 v33, v34;
	v34 =	vor.u32 v1, v46;
	v41 =	vld.idx.msk [tilespmem:v42+s11+$0x0], $0xffff  }
0x144: {  	v37 =	vmul.f32 $8.000000000e+00, v37;
	[tilespmem:v39+s19+$0x0] =	vst.idx.msk $0xffff, v31;
	v31 =	vadd.s32 v11, v18;
	v39 =	vadd.s32 v15, v17  }
0x145: {  	v43 =	vadd.s32 v15, v16;
	v42 =	vadd.s32 v0, v33;
	v40 =	vmul.f32 $8.000000000e+00, v40;
	v17 =	vmovc v18;
	v29 =	vld.idx.msk [tilespmem:v29+s11+$0x0], $0xffff  }
0x146: {  	v47 =	vadd.s32 v5, v25;
	v48 =	vshrl.u32 v44, $0x3;
	v18 =	vmovc v22;
	v49 =	vmul.f32 $8.000000000e+00, v27;
	[tilespmem:v45+s19+$0x0] =	vst.idx.msk $0xffff, v37  }
0x147: {  	v44 =	vand.u32 $0x7, v44;
	v16 =	vmovc v19;
	v22 =	vmovc v33;
	v37 =	vand.u32 $0x7, v48;
	v45 =	vor.u32 v6, v24;
	v35 =	vld.idx.msk [tilespmem:v35+s11+$0x0], $0xffff  }
0x148: {  	v19 =	vmovc v25;
	v28 =	vmul.f32 $8.000000000e+00, v28;
	v33 =	vld.idx.msk [tilespmem:v34+s11+$0x0], $0xffff;
	v34 =	vmul.u32 $0x440, v37;
	v37 =	vmul.u32 $0x88, v44;
	[tilespmem:v36+s19+$0x0] =	vst.idx.msk $0xffff, v40  }
0x149: {  	v27 =	vmovc v23;
	v32 =	vmul.f32 $8.000000000e+00, v32;
	v36 =	vmul.f32 $8.000000000e+00, v41;
	v40 =	vor.u32 v12, v20;
	[tilespmem:v39+s19+$0x0] =	vst.idx.msk $0xffff, v49  }
0x14a: {  	v25 =	vadd.s32 v37, v34;
	v30 =	vld.idx.msk [tilespmem:v30+s11+$0x0], $0xffff;
	v34 =	vadd.s32 v11, v16;
	[tilespmem:v43+s19+$0x0] =	vst.idx.msk $0xffff, v28  }
0x14b: {  	v29 =	vmul.f32 $8.000000000e+00, v29;
	v28 =	vadd.s32 v0, v25;
	[tilespmem:v47+s19+$0x0] =	vst.idx.msk $0xffff, v36;
	v36 =	vor.u32 v12, v21  }
0x14c: {  	v23 =	vmov v26;
	[tilespmem:v42+s19+$0x0] =	vst.idx.msk $0xffff, v32;
	v32 =	vor.u32 v2, v46;
	v37 =	vld.idx.msk [tilespmem:v45+s11+$0x0], $0xffff  }
0x14d: {  	v39 =	vadd.s32 v7, v18;
	v26 =	vmul.f32 $8.000000000e+00, v35;
	v38 =	vld.idx.msk [tilespmem:v38+s11+$0x0], $0xffff;
	[tilespmem:v31+s19+$0x0] =	vst.idx.msk $0xffff, v29  }
0x14e: {  	v43 =	vadd.s32 s12, v0;
	v29 =	vmul.f32 $8.000000000e+00, v33;
	v31 =	vor.u32 v8, v27;
	v33 =	vld.idx.msk [tilespmem:v40+s11+$0x0], $0xffff  }
0x14f: {  	v45 =	vand.u32 $0x7, v43;
	v42 =	vadd.s32 v7, v19;
	v40 =	vadd.s32 v3, v22;
	[tilespmem:v34+s19+$0x0] =	vst.idx.msk $0xffff, v26  }
0x150: {  	v26 =	vand.u32 $0x3F, v43;
	v34 =	vor.u32 v8, v24;
	[tilespmem:v28+s19+$0x0] =	vst.idx.msk $0xffff, v29;
	v28 =	vmul.f32 $8.000000000e+00, v30;
	v36 =	vld.idx.msk [tilespmem:v36+s11+$0x0], $0xffff  }
0x151: {  	v48 =	vadd.s32 v13, v17;
	v44 =	vor.u32 v4, v23;
	v49 =	vor.u32 v14, v20;
	v47 =	vld.idx.msk [tilespmem:v32+s11+$0x0], $0xffff  }
0x152: {  	v30 =	vor.u32 v6, v23;
	v29 =	vor.u32 v10, v27;
	[tilespmem:v39+s19+$0x0] =	vst.idx.msk $0xffff, v28;
	v28 =	vmul.f32 $8.000000000e+00, v37  }
.Ltmp4:
0x153: {  	v20 =	vmovc v27;
	v32 =	vor.u32 v1, v26;
	v37 =	vmul.f32 $8.000000000e+00, v38;
	v35 =	vld.idx.msk [tilespmem:v31+s11+$0x0], $0xffff;
	v31 =	vadd.s32 v13, v16;
	(pc) =	sbr.rel @p2 .LBB2_7-.Ltmp4, $4  }
0x154: {  	v41 =	vadd.s32 v3, v25;
	v27 =	vmul.f32 $8.000000000e+00, v33;
	[tilespmem:v42+s19+$0x0] =	vst.idx.msk $0xffff, v28;
	v28 =	vor.u32 v14, v21  }
0x155: {  	v38 =	vor.u32 v2, v26;
	v42 =	vor.u32 v4, v46;
	[tilespmem:v40+s19+$0x0] =	vst.idx.msk $0xffff, v37;
	v37 =	vld.idx.msk [tilespmem:v34+s11+$0x0], $0xffff  }
0x156: {  	v39 =	vadd.s32 v9, v18;
	v34 =	vshrl.u32 v43, $0x3;
	v36 =	vmul.f32 $8.000000000e+00, v36;
	v40 =	vld.idx.msk [tilespmem:v44+s11+$0x0], $0xffff;
	[tilespmem:v48+s19+$0x0] =	vst.idx.msk $0xffff, v27  }
0x157: {  	s14 =	sadd.s32 $0x1, s12;
	s12 =	sadd.s32 $0x2, s12;
	v33 =	vmul.u32 $0x88, v45;
	v21 =	vmovc v24;
	v24 =	vmovc v46;
	v44 =	vand.u32 $0x7, v34;
	v43 =	vmul.f32 $8.000000000e+00, v47;
	v27 =	vld.idx.msk [tilespmem:v49+s11+$0x0], $0xffff  }
0x158: {  	v45 =	vadd.s32 s14, v0  }
0x159: {  	v34 =	vand.u32 $0x3F, v45  }
0x15a: {  	v46 =	vor.u32 v1, v34;
	_ =	sdelay $0x1  }
0x15b: {  	v47 =	vshrl.u32 v45, $0x3  }
0x15c: {  	v44 =	vmul.u32 $0x440, v44;
	v45 =	vand.u32 $0x7, v45;
	v47 =	vand.u32 $0x7, v47  }
0x15d: {  	v48 =	vld.idx.msk [tilespmem:v32+s11+$0x0], $0xffff;
	v45 =	vmul.u32 $0x88, v45;
	v47 =	vmul.u32 $0x440, v47  }
0x15e: {  	v32 =	vadd.s32 v33, v44;
	v62 =	vld.idx.msk [tilespmem:v46+s11+$0x0], $0xffff  }
0x15f: {  	v63 =	vadd.s32 v0, v32;
	v33 =	vadd.s32 v45, v47  }
0x160: {  	v45 =	vadd.s32 v0, v33  }
0x161: {  	v52 =	vor.u32 v2, v34  }
0x162: {  	v48 =	vmul.f32 $8.000000000e+00, v48  }
0x163: {  	v44 =	vmul.f32 $8.000000000e+00, v62  }
0x164: {  	[tilespmem:v63+s19+$0x0] =	vst.idx.msk $0xffff, v48  }
0x165: {  	v38 =	vld.idx.msk [tilespmem:v38+s11+$0x0], $0xffff;
	[tilespmem:v45+s19+$0x0] =	vst.idx.msk $0xffff, v44  }
0x166: {  	v44 =	vld.idx.msk [tilespmem:v52+s11+$0x0], $0xffff  }
0x167: {  	v53 =	vadd.s32 v3, v32  }
0x168: {  	v54 =	vor.u32 v4, v26;
	v55 =	vadd.s32 v3, v33  }
0x169: {  	v56 =	vor.u32 v4, v34  }
0x16a: {  	v38 =	vmul.f32 $8.000000000e+00, v38  }
0x16b: {  	[tilespmem:v41+s19+$0x0] =	vst.idx.msk $0xffff, v43;
	v57 =	vmul.f32 $8.000000000e+00, v44  }
0x16c: {  	v42 =	vld.idx.msk [tilespmem:v42+s11+$0x0], $0xffff;
	[tilespmem:v53+s19+$0x0] =	vst.idx.msk $0xffff, v38  }
0x16d: {  	v58 =	vadd.s32 v5, v22;
	v59 =	vld.idx.msk [tilespmem:v54+s11+$0x0], $0xffff;
	[tilespmem:v55+s19+$0x0] =	vst.idx.msk $0xffff, v57  }
0x16e: {  	v60 =	vadd.s32 v5, v25;
	v61 =	vld.idx.msk [tilespmem:v56+s11+$0x0], $0xffff  }
0x16f: {  	v63 =	vadd.s32 v5, v32;
	v62 =	vor.u32 v6, v24  }
0x170: {  	v40 =	vmul.f32 $8.000000000e+00, v40;
	v52 =	vor.u32 v6, v26;
	v53 =	vadd.s32 v5, v33  }
0x171: {  	v49 =	vor.u32 v6, v34;
	v42 =	vmul.f32 $8.000000000e+00, v42  }
0x172: {  	[tilespmem:v58+s19+$0x0] =	vst.idx.msk $0xffff, v40;
	v54 =	vmul.f32 $8.000000000e+00, v59  }
0x173: {  	v30 =	vld.idx.msk [tilespmem:v30+s11+$0x0], $0xffff;
	[tilespmem:v60+s19+$0x0] =	vst.idx.msk $0xffff, v42;
	v55 =	vmul.f32 $8.000000000e+00, v61  }
0x174: {  	v41 =	vld.idx.msk [tilespmem:v62+s11+$0x0], $0xffff;
	[tilespmem:v63+s19+$0x0] =	vst.idx.msk $0xffff, v54  }
0x175: {  	v56 =	vadd.s32 v7, v22;
	v57 =	vld.idx.msk [tilespmem:v52+s11+$0x0], $0xffff;
	[tilespmem:v53+s19+$0x0] =	vst.idx.msk $0xffff, v55  }
0x176: {  	v58 =	vor.u32 v8, v23;
	v59 =	vadd.s32 v7, v25;
	v60 =	vld.idx.msk [tilespmem:v49+s11+$0x0], $0xffff  }
0x177: {  	v62 =	vadd.s32 v7, v32;
	v61 =	vor.u32 v8, v24  }
0x178: {  	v30 =	vmul.f32 $8.000000000e+00, v30;
	v63 =	vor.u32 v8, v26;
	v52 =	vadd.s32 v7, v33  }
0x179: {  	v41 =	vmul.f32 $8.000000000e+00, v41;
	v53 =	vor.u32 v8, v34  }
0x17a: {  	[tilespmem:v56+s19+$0x0] =	vst.idx.msk $0xffff, v30;
	v54 =	vmul.f32 $8.000000000e+00, v57  }
0x17b: {  	[tilespmem:v59+s19+$0x0] =	vst.idx.msk $0xffff, v41;
	v38 =	vld.idx.msk [tilespmem:v58+s11+$0x0], $0xffff;
	v55 =	vmul.f32 $8.000000000e+00, v60  }
0x17c: {  	v56 =	vadd.s32 v9, v19;
	[tilespmem:v62+s19+$0x0] =	vst.idx.msk $0xffff, v54;
	v57 =	vld.idx.msk [tilespmem:v61+s11+$0x0], $0xffff  }
0x17d: {  	v30 =	vor.u32 v10, v21;
	v58 =	vadd.s32 v9, v22;
	v59 =	vld.idx.msk [tilespmem:v63+s11+$0x0], $0xffff;
	[tilespmem:v52+s19+$0x0] =	vst.idx.msk $0xffff, v55  }
0x17e: {  	v35 =	vmul.f32 $8.000000000e+00, v35;
	v61 =	vadd.s32 v9, v25;
	v60 =	vor.u32 v10, v23;
	v62 =	vld.idx.msk [tilespmem:v53+s11+$0x0], $0xffff  }
0x17f: {  	v37 =	vmul.f32 $8.000000000e+00, v37;
	v63 =	vor.u32 v10, v24;
	v52 =	vadd.s32 v9, v32  }
0x180: {  	[tilespmem:v39+s19+$0x0] =	vst.idx.msk $0xffff, v35;
	v54 =	vor.u32 v10, v26;
	v55 =	vadd.s32 v9, v33;
	v53 =	vmul.f32 $8.000000000e+00, v38  }
0x181: {  	v29 =	vld.idx.msk [tilespmem:v29+s11+$0x0], $0xffff;
	[tilespmem:v56+s19+$0x0] =	vst.idx.msk $0xffff, v37;
	v56 =	vmul.f32 $8.000000000e+00, v57;
	v57 =	vor.u32 v10, v34  }
0x182: {  	v30 =	vld.idx.msk [tilespmem:v30+s11+$0x0], $0xffff;
	[tilespmem:v58+s19+$0x0] =	vst.idx.msk $0xffff, v53;
	v58 =	vmul.f32 $8.000000000e+00, v59  }
0x183: {  	[tilespmem:v61+s19+$0x0] =	vst.idx.msk $0xffff, v56;
	v59 =	vadd.s32 v11, v18;
	v40 =	vld.idx.msk [tilespmem:v60+s11+$0x0], $0xffff;
	v60 =	vmul.f32 $8.000000000e+00, v62  }
0x184: {  	v61 =	vor.u32 v12, v20;
	v45 =	vld.idx.msk [tilespmem:v63+s11+$0x0], $0xffff;
	[tilespmem:v52+s19+$0x0] =	vst.idx.msk $0xffff, v58;
	v62 =	vadd.s32 v11, v19  }
0x185: {  	v48 =	vadd.s32 v11, v22;
	v63 =	vor.u32 v12, v21;
	v38 =	vld.idx.msk [tilespmem:v54+s11+$0x0], $0xffff;
	[tilespmem:v55+s19+$0x0] =	vst.idx.msk $0xffff, v60  }
0x186: {  	v50 =	vadd.s32 v11, v25;
	v29 =	vmul.f32 $8.000000000e+00, v29;
	v49 =	vor.u32 v12, v23;
	v41 =	vld.idx.msk [tilespmem:v57+s11+$0x0], $0xffff  }
0x187: {  	[tilespmem:v31+s19+$0x0] =	vst.idx.msk $0xffff, v36;
	v51 =	vor.u32 v12, v24;
	v30 =	vmul.f32 $8.000000000e+00, v30;
	v52 =	vadd.s32 v11, v32  }
0x188: {  	v54 =	vor.u32 v12, v26;
	[tilespmem:v59+s19+$0x0] =	vst.idx.msk $0xffff, v29;
	v55 =	vadd.s32 v11, v33;
	v53 =	vmul.f32 $8.000000000e+00, v40  }
0x189: {  	v56 =	vmul.f32 $8.000000000e+00, v45;
	v43 =	vld.idx.msk [tilespmem:v61+s11+$0x0], $0xffff;
	v57 =	vor.u32 v12, v34;
	[tilespmem:v62+s19+$0x0] =	vst.idx.msk $0xffff, v30  }
0x18a: {  	v17 =	vadd.s32 v15, v17;
	[tilespmem:v48+s19+$0x0] =	vst.idx.msk $0xffff, v53;
	v58 =	vmul.f32 $8.000000000e+00, v38;
	v35 =	vld.idx.msk [tilespmem:v63+s11+$0x0], $0xffff  }
0x18b: {  	v59 =	vadd.s32 v13, v18;
	[tilespmem:v50+s19+$0x0] =	vst.idx.msk $0xffff, v56;
	v37 =	vld.idx.msk [tilespmem:v49+s11+$0x0], $0xffff;
	v60 =	vmul.f32 $8.000000000e+00, v41  }
0x18c: {  	v61 =	vor.u32 v14, v20;
	v62 =	vadd.s32 v13, v19;
	v31 =	vld.idx.msk [tilespmem:v51+s11+$0x0], $0xffff;
	[tilespmem:v52+s19+$0x0] =	vst.idx.msk $0xffff, v58  }
0x18d: {  	v45 =	vadd.s32 v13, v22;
	v63 =	vor.u32 v14, v21;
	v36 =	vld.idx.msk [tilespmem:v54+s11+$0x0], $0xffff;
	[tilespmem:v55+s19+$0x0] =	vst.idx.msk $0xffff, v60  }
0x18e: {  	v47 =	vor.u32 v14, v23;
	v48 =	vadd.s32 v13, v25;
	v46 =	vmul.f32 $8.000000000e+00, v43;
	v49 =	vld.idx.msk [tilespmem:v57+s11+$0x0], $0xffff  }
0x18f: {  	v28 =	vld.idx.msk [tilespmem:v28+s11+$0x0], $0xffff;
	v50 =	vor.u32 v14, v24;
	v51 =	vadd.s32 v13, v32;
	v35 =	vmul.f32 $8.000000000e+00, v35  }
0x190: {  	v53 =	vor.u32 v14, v26;
	v54 =	vadd.s32 v13, v33;
	[tilespmem:v59+s19+$0x0] =	vst.idx.msk $0xffff, v46;
	v52 =	vmul.f32 $8.000000000e+00, v37  }
0x191: {  	v34 =	vor.u32 v14, v34;
	v31 =	vmul.f32 $8.000000000e+00, v31;
	v20 =	vld.idx.msk [tilespmem:v61+s11+$0x0], $0xffff;
	[tilespmem:v62+s19+$0x0] =	vst.idx.msk $0xffff, v35  }
0x192: {  	v16 =	vadd.s32 v15, v16;
	[tilespmem:v45+s19+$0x0] =	vst.idx.msk $0xffff, v52;
	v55 =	vmul.f32 $8.000000000e+00, v36;
	v21 =	vld.idx.msk [tilespmem:v63+s11+$0x0], $0xffff  }
0x193: {  	v56 =	vadd.s32 v15, v18;
	[tilespmem:v48+s19+$0x0] =	vst.idx.msk $0xffff, v31;
	v23 =	vld.idx.msk [tilespmem:v47+s11+$0x0], $0xffff;
	v57 =	vmul.f32 $8.000000000e+00, v49  }
0x194: {  	v27 =	vmul.f32 $8.000000000e+00, v27;
	v58 =	vadd.s32 v15, v19;
	v24 =	vld.idx.msk [tilespmem:v50+s11+$0x0], $0xffff;
	[tilespmem:v51+s19+$0x0] =	vst.idx.msk $0xffff, v55  }
0x195: {  	v28 =	vmul.f32 $8.000000000e+00, v28;
	v59 =	vadd.s32 v15, v22;
	v26 =	vld.idx.msk [tilespmem:v53+s11+$0x0], $0xffff;
	[tilespmem:v54+s19+$0x0] =	vst.idx.msk $0xffff, v57  }
0x196: {  	[tilespmem:v17+s19+$0x0] =	vst.idx.msk $0xffff, v27;
	v60 =	vadd.s32 v15, v25;
	v17 =	vmul.f32 $8.000000000e+00, v20;
	v61 =	vld.idx.msk [tilespmem:v34+s11+$0x0], $0xffff  }
0x197: {  	[tilespmem:v16+s19+$0x0] =	vst.idx.msk $0xffff, v28;
	v62 =	vadd.s32 v15, v32;
	v16 =	vmul.f32 $8.000000000e+00, v21  }
0x198: {  	v63 =	vadd.s32 v15, v33;
	[tilespmem:v56+s19+$0x0] =	vst.idx.msk $0xffff, v17;
	v17 =	vmul.f32 $8.000000000e+00, v23  }
0x199: {  	s1 =	sadd.s32 s6, s1;
	[tilespmem:v58+s19+$0x0] =	vst.idx.msk $0xffff, v16;
	v16 =	vmul.f32 $8.000000000e+00, v24  }
0x19a: {  	s5 =	sshll.u32 s1, $0x7;
	[tilespmem:v59+s19+$0x0] =	vst.idx.msk $0xffff, v17;
	v17 =	vmul.f32 $8.000000000e+00, v26  }
0x19b: {  	s1 =	sshll.u32 s1, $0xA;
	s5 =	sand.u32 $0xE80, s5;
	[tilespmem:v60+s19+$0x0] =	vst.idx.msk $0xffff, v16;
	v16 =	vmul.f32 $8.000000000e+00, v61  }
0x19c: {  	s1 =	sand.u32 $0xFFF8000, s1;
	s5 =	sadd.s32 s2, s5;
	[tilespmem:v62+s19+$0x0] =	vst.idx.msk $0xffff, v17  }
0x19d: {  	s12 =	sadd.s32 s1, s5;
	s5 =	simm.s32 $0x10600;
	[tilespmem:v63+s19+$0x0] =	vst.idx.msk $0xffff, v16  }
0x19e: {  	[hbm4b:s12+s3] =	stream.linear.scatter [tilespmem:s5], [sflag:$0x6], $0x80, $0x38;
	[tilespmem:$0x16C00] =	vst v63  }
0x19f: {  	s7 =	simm.s32 $0x10688;
	s5 =	sadd.s32 $0x10, s12  }
0x1a0: {  	[hbm4b:s5+s3] =	stream.linear.scatter [tilespmem:s7], [sflag:$0x6], $0x80, $0x38;
	[tilespmem:$0x16C00] =	vst v63  }
0x1a1: {  	s8 =	simm.s32 $0x10710;
	s14 =	sadd.s32 $0x20, s12  }
0x1a2: {  	[hbm4b:s14+s3] =	stream.linear.scatter [tilespmem:s8], [sflag:$0x6], $0x80, $0x38;
	[tilespmem:$0x16C00] =	vst v63  }
0x1a3: {  	s5 =	simm.s32 $0x10798;
	s7 =	sadd.s32 $0x30, s12  }
0x1a4: {  	[hbm4b:s7+s3] =	stream.linear.scatter [tilespmem:s5], [sflag:$0x6], $0x80, $0x38;
	[tilespmem:$0x16C00] =	vst v63  }
0x1a5: {  	s8 =	simm.s32 $0x10820;
	s14 =	sadd.s32 $0x40, s12  }
0x1a6: {  	[hbm4b:s14+s3] =	stream.linear.scatter [tilespmem:s8], [sflag:$0x6], $0x80, $0x38;
	[tilespmem:$0x16C00] =	vst v63  }
0x1a7: {  	s1 =	simm.s32 $0x440;
	s5 =	simm.s32 $0x108A8;
	s7 =	sadd.s32 $0x50, s12  }
0x1a8: {  	[hbm4b:s7+s3] =	stream.linear.scatter [tilespmem:s5], [sflag:$0x6], $0x80, $0x38;
	[tilespmem:$0x16C00] =	vst v63  }
0x1a9: {  	s8 =	simm.s32 $0x10930;
	s14 =	sadd.s32 $0x60, s12;
	s5 =	simm.s32 $0x109B8  }
0x1aa: {  	[hbm4b:s14+s3] =	stream.linear.scatter [tilespmem:s8], [sflag:$0x6], $0x80, $0x38;
	[tilespmem:$0x16C00] =	vst v63  }
0x1ab: {  	s7 =	sadd.s32 $0x70, s12;
	s12 =	sadd.s32 $0x1000, s12;
	s14 =	simm.s32 $0x2200  }
.LBB2_9:
0x1ac: {  	[hbm4b:s7+s3] =	stream.linear.scatter [tilespmem:s5], [sflag:$0x6], $0x80, $0x38;
	[tilespmem:$0x16C00] =	vst v63  }
0x1ad: {  	s5 =	smov.u32 s1;
	s1 =	smov.u32 s14  }
0x1ae: {  	s8 =	sadd.s32 $0x1100, s14;
	s1 =	sshra.s32 s1, $0x2;
	s7 =	sadd.s32 $0x10600, s5  }
0x1af: {  	[hbm4b:s12+s3] =	stream.linear.scatter [tilespmem:s7], [sflag:$0x6], $0x80, $0x38;
	[tilespmem:$0x16C00] =	vst v63  }
0x1b0: {  	p2 =	sne.s32 s14, $0x7700;
	s14 =	sadd.s32 $0x10, s12;
	s7 =	sadd.s32 $0x10688, s5  }
0x1b1: {  	[hbm4b:s14+s3] =	stream.linear.scatter [tilespmem:s7], [sflag:$0x6], $0x80, $0x38;
	[tilespmem:$0x16C00] =	vst v63  }
0x1b2: {  	s7 =	sadd.s32 $0x10710, s5;
	s14 =	sadd.s32 $0x20, s12  }
0x1b3: {  	[hbm4b:s14+s3] =	stream.linear.scatter [tilespmem:s7], [sflag:$0x6], $0x80, $0x38;
	[tilespmem:$0x16C00] =	vst v63  }
0x1b4: {  	s7 =	sadd.s32 $0x10798, s5;
	s14 =	sadd.s32 $0x30, s12  }
0x1b5: {  	[hbm4b:s14+s3] =	stream.linear.scatter [tilespmem:s7], [sflag:$0x6], $0x80, $0x38;
	[tilespmem:$0x16C00] =	vst v63  }
0x1b6: {  	s7 =	sadd.s32 $0x10820, s5;
	s14 =	sadd.s32 $0x40, s12  }
0x1b7: {  	[hbm4b:s14+s3] =	stream.linear.scatter [tilespmem:s7], [sflag:$0x6], $0x80, $0x38;
	[tilespmem:$0x16C00] =	vst v63  }
.Ltmp5:
0x1b8: {  	s7 =	sadd.s32 $0x108A8, s5;
	s14 =	sadd.s32 $0x50, s12;
	(pc) =	sbr.rel @p2 .LBB2_9-.Ltmp5, $4  }
0x1b9: {  	[hbm4b:s14+s3] =	stream.linear.scatter [tilespmem:s7], [sflag:$0x6], $0x80, $0x38;
	[tilespmem:$0x16C00] =	vst v63  }
0x1ba: {  	s7 =	sadd.s32 $0x10930, s5;
	s14 =	sadd.s32 $0x60, s12;
	s5 =	sadd.s32 $0x109B8, s5  }
0x1bb: {  	[hbm4b:s14+s3] =	stream.linear.scatter [tilespmem:s7], [sflag:$0x6], $0x80, $0x38;
	[tilespmem:$0x16C00] =	vst v63  }
0x1bc: {  	s7 =	sadd.s32 $0x70, s12;
	s12 =	sadd.s32 $0x1000, s12;
	s14 =	smov.u32 s8  }
0x1bd: {  	[hbm4b:s7+s3] =	stream.linear.scatter [tilespmem:s5], [sflag:$0x6], $0x80, $0x38;
	[tilespmem:$0x16C00] =	vst v63  }
0x1be: {  	s7 =	sadd.s32 $0x10600, s1  }
0x1bf: {  	[hbm4b:s12+s3] =	stream.linear.scatter [tilespmem:s7], [sflag:$0x6], $0x80, $0x38;
	[tilespmem:$0x16C00] =	vst v63  }
0x1c0: {  	s8 =	sadd.s32 $0x10688, s1;
	s14 =	sadd.s32 $0x10, s12  }
0x1c1: {  	[hbm4b:s14+s3] =	stream.linear.scatter [tilespmem:s8], [sflag:$0x6], $0x80, $0x38;
	[tilespmem:$0x16C00] =	vst v63  }
0x1c2: {  	s8 =	sadd.s32 $0x10710, s1;
	s14 =	sadd.s32 $0x20, s12  }
0x1c3: {  	[hbm4b:s14+s3] =	stream.linear.scatter [tilespmem:s8], [sflag:$0x6], $0x80, $0x38;
	[tilespmem:$0x16C00] =	vst v63  }
0x1c4: {  	s8 =	sadd.s32 $0x10798, s1;
	s14 =	sadd.s32 $0x30, s12  }
0x1c5: {  	[hbm4b:s14+s3] =	stream.linear.scatter [tilespmem:s8], [sflag:$0x6], $0x80, $0x38;
	[tilespmem:$0x16C00] =	vst v63  }
0x1c6: {  	s8 =	sadd.s32 $0x10820, s1;
	s14 =	sadd.s32 $0x40, s12  }
0x1c7: {  	[hbm4b:s14+s3] =	stream.linear.scatter [tilespmem:s8], [sflag:$0x6], $0x80, $0x38;
	[tilespmem:$0x16C00] =	vst v63  }
0x1c8: {  	s8 =	sadd.s32 $0x108A8, s1;
	s14 =	sadd.s32 $0x50, s12  }
0x1c9: {  	[hbm4b:s14+s3] =	stream.linear.scatter [tilespmem:s8], [sflag:$0x6], $0x80, $0x38;
	[tilespmem:$0x16C00] =	vst v63  }
0x1ca: {  	s8 =	sadd.s32 $0x10930, s1;
	s14 =	sadd.s32 $0x60, s12  }
0x1cb: {  	[hbm4b:s14+s3] =	stream.linear.scatter [tilespmem:s8], [sflag:$0x6], $0x80, $0x38;
	[tilespmem:$0x16C00] =	vst v63  }
0x1cc: {  	s5 =	simm.s32 @!p1 $0x80;
	s12 =	sadd.s32 $0x70, s12;
	s8 =	sadd.s32 $0x109B8, s1  }
0x1cd: {  	[hbm4b:s12+s3] =	stream.linear.scatter [tilespmem:s8], [sflag:$0x6], $0x80, $0x38;
	[tilespmem:$0x16C00] =	vst v63  }
0x1ce: {  	s7 =	simm.s32 @!p1 $0x8400;
	s1 =	sadd.s32 @!p1 $0x280, s0;
	s8 =	simm.s32 $0x0  }
0x1cf: {  	v16 =	vadd.s32 s8, v0;
	[tilespmem:s7], [sflag:$0x2] =	stream.indirect.gather @!p1 [hbm4b:s4+s5], $0x40, s1, s5, $0xb8;
	[tilespmem:$0x16C00] =	vst v63  }
0x1d0: {  	v27 =	vand.u32 $0x3F, v16;
	_ =	swait.ge [sflag:s20], $0x2000  }
0x1d1: {  	v17 =	vor.u32 v1, v27;
	[sflag:s20] =	ssyncset.done $0x0  }
0x1d2: {  	s14 =	simm.s32 $0x1;
	s1 =	simm.s32 @!p0 $0x7;
	[sflag:s20] =	ssyncadd.s32 $0xFFFFE000  }
0x1d3: {  	v19 =	vadd.s32 s14, v0;
	v18 =	vshrl.u32 v16, $0x3;
	_ =	swait.ge @!p0 [sflag:s1], $0x2000  }
0x1d4: {  	v28 =	vand.u32 $0x3F, v19;
	v16 =	vand.u32 $0x7, v16;
	v18 =	vand.u32 $0x7, v18;
	[sflag:s1] =	ssyncset.done @!p0 $0x0  }
0x1d5: {  	v20 =	vor.u32 v1, v28;
	v16 =	vmul.u32 $0x88, v16;
	v18 =	vmul.u32 $0x440, v18;
	[sflag:s1] =	ssyncadd.s32 @!p0 $0xFFFFE000  }
0x1d6: {  	v21 =	vld.idx.msk [tilespmem:v17+s13+$0x0], $0xffff  }
0x1d7: {  	v17 =	vadd.s32 v16, v18;
	v16 =	vshrl.u32 v19, $0x3  }
0x1d8: {  	v19 =	vand.u32 $0x7, v19;
	v18 =	vadd.s32 v0, v17;
	v16 =	vand.u32 $0x7, v16  }
0x1d9: {  	v22 =	vor.u32 v2, v27;
	v19 =	vmul.u32 $0x88, v19;
	v16 =	vmul.u32 $0x440, v16  }
0x1da: {  	v20 =	vld.idx.msk [tilespmem:v20+s13+$0x0], $0xffff  }
0x1db: {  	v16 =	vadd.s32 v19, v16;
	v21 =	vmul.f32 $8.000000000e+00, v21  }
0x1dc: {  	v19 =	vadd.s32 v0, v16  }
0x1dd: {  	[tilespmem:v18+s21+$0x0] =	vst.idx.msk $0xffff, v21;
	v18 =	vor.u32 v2, v28  }
0x1de: {  	v21 =	vld.idx.msk [tilespmem:v22+s13+$0x0], $0xffff  }
0x1df: {  	v20 =	vmul.f32 $8.000000000e+00, v20  }
0x1e0: {  	v22 =	vadd.s32 v3, v17  }
0x1e1: {  	[tilespmem:v19+s21+$0x0] =	vst.idx.msk $0xffff, v20  }
0x1e2: {  	v18 =	vld.idx.msk [tilespmem:v18+s13+$0x0], $0xffff  }
0x1e3: {  	s5 =	simm.s32 $0x2;
	v19 =	vor.u32 v4, v27;
	v21 =	vmul.f32 $8.000000000e+00, v21  }
0x1e4: {  	v23 =	vadd.s32 s5, v0;
	v24 =	vadd.s32 v3, v16  }
0x1e5: {  	v20 =	vand.u32 $0x3F, v23;
	[tilespmem:v22+s21+$0x0] =	vst.idx.msk $0xffff, v21;
	v22 =	vor.u32 v4, v28  }
0x1e6: {  	s7 =	simm.s32 $0x3;
	v25 =	vor.u32 v1, v20;
	v21 =	vand.u32 $0x7, v23;
	v23 =	vshrl.u32 v23, $0x3  }
0x1e7: {  	v26 =	vadd.s32 s7, v0;
	v23 =	vand.u32 $0x7, v23;
	v18 =	vmul.f32 $8.000000000e+00, v18  }
0x1e8: {  	v19 =	vld.idx.msk [tilespmem:v19+s13+$0x0], $0xffff;
	v29 =	vmul.u32 $0x88, v21;
	v21 =	vand.u32 $0x3F, v26;
	v23 =	vmul.u32 $0x440, v23  }
0x1e9: {  	[tilespmem:v24+s21+$0x0] =	vst.idx.msk $0xffff, v18;
	v24 =	vor.u32 v1, v21  }
0x1ea: {  	v31 =	vshrl.u32 v26, $0x3;
	v18 =	vadd.s32 v29, v23;
	v23 =	vadd.s32 v5, v17;
	v22 =	vld.idx.msk [tilespmem:v22+s13+$0x0], $0xffff  }
0x1eb: {  	v33 =	vor.u32 v6, v28;
	v30 =	vor.u32 v6, v27;
	v31 =	vand.u32 $0x7, v31;
	v25 =	vld.idx.msk [tilespmem:v25+s13+$0x0], $0xffff  }
0x1ec: {  	v31 =	vmul.u32 $0x440, v31;
	v32 =	vadd.s32 v5, v16;
	v26 =	vand.u32 $0x7, v26  }
0x1ed: {  	v26 =	vmul.u32 $0x88, v26;
	v29 =	vadd.s32 v0, v18;
	v19 =	vmul.f32 $8.000000000e+00, v19  }
0x1ee: {  	v34 =	vor.u32 v2, v20;
	v24 =	vld.idx.msk [tilespmem:v24+s13+$0x0], $0xffff  }
0x1ef: {  	[tilespmem:v23+s21+$0x0] =	vst.idx.msk $0xffff, v19;
	v19 =	vadd.s32 v26, v31;
	v22 =	vmul.f32 $8.000000000e+00, v22  }
0x1f0: {  	v23 =	vmul.f32 $8.000000000e+00, v25;
	v25 =	vld.idx.msk [tilespmem:v30+s13+$0x0], $0xffff;
	v26 =	vadd.s32 v0, v19  }
0x1f1: {  	[tilespmem:v32+s21+$0x0] =	vst.idx.msk $0xffff, v22  }
0x1f2: {  	v30 =	vadd.s32 v7, v17;
	[tilespmem:v29+s21+$0x0] =	vst.idx.msk $0xffff, v23;
	v22 =	vor.u32 v2, v21;
	v29 =	vld.idx.msk [tilespmem:v33+s13+$0x0], $0xffff  }
0x1f3: {  	v46 =	vor.u32 v10, v28;
	v31 =	vld.idx.msk [tilespmem:v34+s13+$0x0], $0xffff;
	v23 =	vmul.f32 $8.000000000e+00, v24;
	v24 =	vor.u32 v8, v27  }
0x1f4: {  	v54 =	vor.u32 v12, v28;
	v51 =	vor.u32 v12, v27;
	v61 =	vadd.s32 v7, v16  }
0x1f5: {  	v62 =	vadd.s32 v3, v18;
	v25 =	vmul.f32 $8.000000000e+00, v25;
	[tilespmem:v26+s21+$0x0] =	vst.idx.msk $0xffff, v23;
	v26 =	vor.u32 v8, v28  }
0x1f6: {  	s8 =	simm.s32 $0x4;
	v44 =	vadd.s32 v9, v17;
	v50 =	vadd.s32 v11, v17;
	v40 =	vadd.s32 v9, v16  }
0x1f7: {  	v60 =	vadd.s32 s8, v0;
	v35 =	vor.u32 v4, v20;
	v22 =	vld.idx.msk [tilespmem:v22+s13+$0x0], $0xffff;
	[tilespmem:v30+s21+$0x0] =	vst.idx.msk $0xffff, v25;
	v29 =	vmul.f32 $8.000000000e+00, v29  }
0x1f8: {  	v36 =	vor.u32 v6, v20;
	v23 =	vand.u32 $0x3F, v60;
	v31 =	vmul.f32 $8.000000000e+00, v31;
	v37 =	vld.idx.msk [tilespmem:v24+s13+$0x0], $0xffff  }
0x1f9: {  	s12 =	simm.s32 $0x5;
	v38 =	vadd.s32 v3, v19;
	v30 =	vor.u32 v1, v23;
	[tilespmem:v61+s21+$0x0] =	vst.idx.msk $0xffff, v29  }
0x1fa: {  	v39 =	vadd.s32 s12, v0;
	v63 =	vor.u32 v4, v21;
	[tilespmem:v62+s21+$0x0] =	vst.idx.msk $0xffff, v31;
	v31 =	vshrl.u32 v60, $0x3;
	v26 =	vld.idx.msk [tilespmem:v26+s13+$0x0], $0xffff  }
0x1fb: {  	v25 =	vor.u32 v10, v27;
	v24 =	vand.u32 $0x7, v60;
	v31 =	vand.u32 $0x7, v31  }
0x1fc: {  	v45 =	vmul.u32 $0x88, v24;
	v31 =	vmul.u32 $0x440, v31;
	v22 =	vmul.f32 $8.000000000e+00, v22  }
0x1fd: {  	v49 =	vor.u32 v6, v21;
	v34 =	vld.idx.msk [tilespmem:v35+s13+$0x0], $0xffff;
	v24 =	vand.u32 $0x3F, v39;
	v37 =	vmul.f32 $8.000000000e+00, v37  }
0x1fe: {  	v30 =	vld.idx.msk [tilespmem:v30+s13+$0x0], $0xffff;
	[tilespmem:v38+s21+$0x0] =	vst.idx.msk $0xffff, v22;
	v22 =	vadd.s32 v45, v31;
	v31 =	vor.u32 v1, v24  }
0x1ff: {  	v47 =	vadd.s32 v5, v18;
	v33 =	vld.idx.msk [tilespmem:v63+s13+$0x0], $0xffff;
	[tilespmem:v44+s21+$0x0] =	vst.idx.msk $0xffff, v37;
	v26 =	vmul.f32 $8.000000000e+00, v26  }
0x200: {  	v41 =	vadd.s32 v5, v19;
	v48 =	vadd.s32 v0, v22;
	v37 =	vld.idx.msk [tilespmem:v25+s13+$0x0], $0xffff;
	v25 =	vshrl.u32 v39, $0x3  }
0x201: {  	v29 =	vor.u32 v2, v23;
	[tilespmem:v40+s21+$0x0] =	vst.idx.msk $0xffff, v26;
	v25 =	vand.u32 $0x7, v25;
	v26 =	vand.u32 $0x7, v39  }
0x202: {  	v34 =	vmul.f32 $8.000000000e+00, v34;
	v38 =	vld.idx.msk [tilespmem:v46+s13+$0x0], $0xffff;
	v25 =	vmul.u32 $0x440, v25;
	v26 =	vmul.u32 $0x88, v26  }
0x203: {  	v59 =	vor.u32 v8, v20;
	v28 =	vor.u32 v14, v28;
	v30 =	vmul.f32 $8.000000000e+00, v30;
	v31 =	vld.idx.msk [tilespmem:v31+s13+$0x0], $0xffff  }
0x204: {  	[tilespmem:v47+s21+$0x0] =	vst.idx.msk $0xffff, v34;
	v33 =	vmul.f32 $8.000000000e+00, v33;
	v25 =	vadd.s32 v26, v25;
	v26 =	vadd.s32 v11, v16  }
0x205: {  	v35 =	vld.idx.msk [tilespmem:v36+s13+$0x0], $0xffff;
	[tilespmem:v48+s21+$0x0] =	vst.idx.msk $0xffff, v30;
	v52 =	vadd.s32 v0, v25;
	v53 =	vmul.f32 $8.000000000e+00, v37  }
0x206: {  	v27 =	vor.u32 v14, v27;
	v30 =	vor.u32 v2, v24;
	v56 =	vld.idx.msk [tilespmem:v29+s13+$0x0], $0xffff;
	[tilespmem:v41+s21+$0x0] =	vst.idx.msk $0xffff, v33  }
0x207: {  	v29 =	vadd.s32 v7, v18;
	v55 =	vld.idx.msk [tilespmem:v49+s13+$0x0], $0xffff;
	[tilespmem:v50+s21+$0x0] =	vst.idx.msk $0xffff, v53;
	v57 =	vmul.f32 $8.000000000e+00, v38  }
0x208: {  	s14 =	simm.s32 $0x6;
	v60 =	vor.u32 v8, v21;
	v42 =	vadd.s32 v3, v22;
	v31 =	vmul.f32 $8.000000000e+00, v31;
	v34 =	vld.idx.msk [tilespmem:v51+s13+$0x0], $0xffff  }
0x209: {  	v58 =	vadd.s32 s14, v0;
	v45 =	vor.u32 v4, v23;
	v44 =	vadd.s32 v7, v19;
	[tilespmem:v26+s21+$0x0] =	vst.idx.msk $0xffff, v57  }
0x20a: {  	v43 =	vand.u32 $0x7, v58;
	v47 =	vadd.s32 v13, v17;
	[tilespmem:v52+s21+$0x0] =	vst.idx.msk $0xffff, v31;
	v31 =	vmul.f32 $8.000000000e+00, v35;
	v61 =	vld.idx.msk [tilespmem:v54+s13+$0x0], $0xffff  }
0x20b: {  	v41 =	vadd.s32 v3, v25;
	v26 =	vand.u32 $0x3F, v58;
	v39 =	vmul.f32 $8.000000000e+00, v56;
	v46 =	vld.idx.msk [tilespmem:v30+s13+$0x0], $0xffff  }
0x20c: {  	v32 =	vor.u32 v1, v26;
	v62 =	vmul.f32 $8.000000000e+00, v55;
	[tilespmem:v29+s21+$0x0] =	vst.idx.msk $0xffff, v31;
	v31 =	vadd.s32 v13, v16  }
0x20d: {  	v63 =	vshrl.u32 v58, $0x3;
	v38 =	vor.u32 v2, v26;
	[tilespmem:v42+s21+$0x0] =	vst.idx.msk $0xffff, v39;
	v35 =	vld.idx.msk [tilespmem:v59+s13+$0x0], $0xffff;
	v34 =	vmul.f32 $8.000000000e+00, v34  }
0x20e: {  	v30 =	vor.u32 v6, v23;
	v42 =	vor.u32 v4, v24;
	v40 =	vld.idx.msk [tilespmem:v45+s13+$0x0], $0xffff;
	[tilespmem:v44+s21+$0x0] =	vst.idx.msk $0xffff, v62  }
0x20f: {  	v33 =	vmul.u32 $0x88, v43;
	v39 =	vadd.s32 v9, v18;
	v37 =	vld.idx.msk [tilespmem:v60+s13+$0x0], $0xffff;
	[tilespmem:v47+s21+$0x0] =	vst.idx.msk $0xffff, v34;
	v36 =	vmul.f32 $8.000000000e+00, v61  }
0x210: {  	s14 =	simm.s32 $0x7;
	s12 =	simm.s32 $0x8;
	s1 =	sor.u32 $0x2, s31;
	v29 =	vor.u32 v10, v20;
	v44 =	vand.u32 $0x7, v63;
	v43 =	vmul.f32 $8.000000000e+00, v46;
	v27 =	vld.idx.msk [tilespmem:v27+s13+$0x0], $0xffff  }
.LBB2_11:
0x211: {  	p2 =	slt.u32 s12, $0x3E;
	v32 =	vld.idx.msk [tilespmem:v32+s13+$0x0], $0xffff;
	v34 =	vmul.u32 $0x440, v44;
	v44 =	vadd.s32 s14, v0;
	v45 =	vadd.s32 v9, v19;
	[tilespmem:v31+s21+$0x0] =	vst.idx.msk $0xffff, v36  }
0x212: {  	v31 =	vmul.f32 $8.000000000e+00, v35;
	v35 =	vor.u32 v10, v21;
	v46 =	vand.u32 $0x3F, v44;
	[tilespmem:v41+s21+$0x0] =	vst.idx.msk $0xffff, v43;
	v28 =	vld.idx.msk [tilespmem:v28+s13+$0x0], $0xffff  }
0x213: {  	v36 =	vadd.s32 v5, v22;
	v33 =	vadd.s32 v33, v34;
	v34 =	vor.u32 v1, v46;
	v41 =	vld.idx.msk [tilespmem:v42+s13+$0x0], $0xffff  }
0x214: {  	v37 =	vmul.f32 $8.000000000e+00, v37;
	[tilespmem:v39+s21+$0x0] =	vst.idx.msk $0xffff, v31;
	v31 =	vadd.s32 v11, v18;
	v39 =	vadd.s32 v15, v17  }
0x215: {  	v43 =	vadd.s32 v15, v16;
	v42 =	vadd.s32 v0, v33;
	v40 =	vmul.f32 $8.000000000e+00, v40;
	v17 =	vmovc v18;
	v29 =	vld.idx.msk [tilespmem:v29+s13+$0x0], $0xffff  }
0x216: {  	v47 =	vadd.s32 v5, v25;
	v48 =	vshrl.u32 v44, $0x3;
	v18 =	vmovc v22;
	v49 =	vmul.f32 $8.000000000e+00, v27;
	[tilespmem:v45+s21+$0x0] =	vst.idx.msk $0xffff, v37  }
0x217: {  	v44 =	vand.u32 $0x7, v44;
	v16 =	vmovc v19;
	v22 =	vmovc v33;
	v37 =	vand.u32 $0x7, v48;
	v45 =	vor.u32 v6, v24;
	v35 =	vld.idx.msk [tilespmem:v35+s13+$0x0], $0xffff  }
0x218: {  	v19 =	vmovc v25;
	v28 =	vmul.f32 $8.000000000e+00, v28;
	v33 =	vld.idx.msk [tilespmem:v34+s13+$0x0], $0xffff;
	v34 =	vmul.u32 $0x440, v37;
	v37 =	vmul.u32 $0x88, v44;
	[tilespmem:v36+s21+$0x0] =	vst.idx.msk $0xffff, v40  }
0x219: {  	v27 =	vmovc v23;
	v32 =	vmul.f32 $8.000000000e+00, v32;
	v36 =	vmul.f32 $8.000000000e+00, v41;
	v40 =	vor.u32 v12, v20;
	[tilespmem:v39+s21+$0x0] =	vst.idx.msk $0xffff, v49  }
0x21a: {  	v25 =	vadd.s32 v37, v34;
	v30 =	vld.idx.msk [tilespmem:v30+s13+$0x0], $0xffff;
	v34 =	vadd.s32 v11, v16;
	[tilespmem:v43+s21+$0x0] =	vst.idx.msk $0xffff, v28  }
0x21b: {  	v29 =	vmul.f32 $8.000000000e+00, v29;
	v28 =	vadd.s32 v0, v25;
	[tilespmem:v47+s21+$0x0] =	vst.idx.msk $0xffff, v36;
	v36 =	vor.u32 v12, v21  }
0x21c: {  	v23 =	vmov v26;
	[tilespmem:v42+s21+$0x0] =	vst.idx.msk $0xffff, v32;
	v32 =	vor.u32 v2, v46;
	v37 =	vld.idx.msk [tilespmem:v45+s13+$0x0], $0xffff  }
0x21d: {  	v39 =	vadd.s32 v7, v18;
	v26 =	vmul.f32 $8.000000000e+00, v35;
	v38 =	vld.idx.msk [tilespmem:v38+s13+$0x0], $0xffff;
	[tilespmem:v31+s21+$0x0] =	vst.idx.msk $0xffff, v29  }
0x21e: {  	v43 =	vadd.s32 s12, v0;
	v29 =	vmul.f32 $8.000000000e+00, v33;
	v31 =	vor.u32 v8, v27;
	v33 =	vld.idx.msk [tilespmem:v40+s13+$0x0], $0xffff  }
0x21f: {  	v45 =	vand.u32 $0x7, v43;
	v42 =	vadd.s32 v7, v19;
	v40 =	vadd.s32 v3, v22;
	[tilespmem:v34+s21+$0x0] =	vst.idx.msk $0xffff, v26  }
0x220: {  	v26 =	vand.u32 $0x3F, v43;
	v34 =	vor.u32 v8, v24;
	[tilespmem:v28+s21+$0x0] =	vst.idx.msk $0xffff, v29;
	v28 =	vmul.f32 $8.000000000e+00, v30;
	v36 =	vld.idx.msk [tilespmem:v36+s13+$0x0], $0xffff  }
0x221: {  	v48 =	vadd.s32 v13, v17;
	v44 =	vor.u32 v4, v23;
	v49 =	vor.u32 v14, v20;
	v47 =	vld.idx.msk [tilespmem:v32+s13+$0x0], $0xffff  }
0x222: {  	v30 =	vor.u32 v6, v23;
	v29 =	vor.u32 v10, v27;
	[tilespmem:v39+s21+$0x0] =	vst.idx.msk $0xffff, v28;
	v28 =	vmul.f32 $8.000000000e+00, v37  }
.Ltmp6:
0x223: {  	v20 =	vmovc v27;
	v32 =	vor.u32 v1, v26;
	v37 =	vmul.f32 $8.000000000e+00, v38;
	v35 =	vld.idx.msk [tilespmem:v31+s13+$0x0], $0xffff;
	v31 =	vadd.s32 v13, v16;
	(pc) =	sbr.rel @p2 .LBB2_11-.Ltmp6, $4  }
0x224: {  	v41 =	vadd.s32 v3, v25;
	v27 =	vmul.f32 $8.000000000e+00, v33;
	[tilespmem:v42+s21+$0x0] =	vst.idx.msk $0xffff, v28;
	v28 =	vor.u32 v14, v21  }
0x225: {  	v38 =	vor.u32 v2, v26;
	v42 =	vor.u32 v4, v46;
	[tilespmem:v40+s21+$0x0] =	vst.idx.msk $0xffff, v37;
	v37 =	vld.idx.msk [tilespmem:v34+s13+$0x0], $0xffff  }
0x226: {  	v39 =	vadd.s32 v9, v18;
	v34 =	vshrl.u32 v43, $0x3;
	v36 =	vmul.f32 $8.000000000e+00, v36;
	v40 =	vld.idx.msk [tilespmem:v44+s13+$0x0], $0xffff;
	[tilespmem:v48+s21+$0x0] =	vst.idx.msk $0xffff, v27  }
0x227: {  	s14 =	sadd.s32 $0x1, s12;
	s12 =	sadd.s32 $0x2, s12;
	v33 =	vmul.u32 $0x88, v45;
	v21 =	vmovc v24;
	v24 =	vmovc v46;
	v44 =	vand.u32 $0x7, v34;
	v43 =	vmul.f32 $8.000000000e+00, v47;
	v27 =	vld.idx.msk [tilespmem:v49+s13+$0x0], $0xffff  }
0x228: {  	v45 =	vadd.s32 s14, v0  }
0x229: {  	v34 =	vand.u32 $0x3F, v45  }
0x22a: {  	v46 =	vor.u32 v1, v34;
	_ =	sdelay $0x1  }
0x22b: {  	v47 =	vshrl.u32 v45, $0x3  }
0x22c: {  	v44 =	vmul.u32 $0x440, v44;
	v45 =	vand.u32 $0x7, v45;
	v47 =	vand.u32 $0x7, v47  }
0x22d: {  	v48 =	vld.idx.msk [tilespmem:v32+s13+$0x0], $0xffff;
	v45 =	vmul.u32 $0x88, v45;
	v47 =	vmul.u32 $0x440, v47  }
0x22e: {  	v32 =	vadd.s32 v33, v44;
	v62 =	vld.idx.msk [tilespmem:v46+s13+$0x0], $0xffff  }
0x22f: {  	v63 =	vadd.s32 v0, v32;
	v33 =	vadd.s32 v45, v47  }
0x230: {  	v45 =	vadd.s32 v0, v33  }
0x231: {  	v52 =	vor.u32 v2, v34  }
0x232: {  	v48 =	vmul.f32 $8.000000000e+00, v48  }
0x233: {  	v44 =	vmul.f32 $8.000000000e+00, v62  }
0x234: {  	[tilespmem:v63+s21+$0x0] =	vst.idx.msk $0xffff, v48  }
0x235: {  	v38 =	vld.idx.msk [tilespmem:v38+s13+$0x0], $0xffff;
	[tilespmem:v45+s21+$0x0] =	vst.idx.msk $0xffff, v44  }
0x236: {  	v44 =	vld.idx.msk [tilespmem:v52+s13+$0x0], $0xffff  }
0x237: {  	v53 =	vadd.s32 v3, v32  }
0x238: {  	v54 =	vor.u32 v4, v26;
	v55 =	vadd.s32 v3, v33  }
0x239: {  	v56 =	vor.u32 v4, v34  }
0x23a: {  	v38 =	vmul.f32 $8.000000000e+00, v38  }
0x23b: {  	[tilespmem:v41+s21+$0x0] =	vst.idx.msk $0xffff, v43;
	v57 =	vmul.f32 $8.000000000e+00, v44  }
0x23c: {  	v42 =	vld.idx.msk [tilespmem:v42+s13+$0x0], $0xffff;
	[tilespmem:v53+s21+$0x0] =	vst.idx.msk $0xffff, v38  }
0x23d: {  	v58 =	vadd.s32 v5, v22;
	v59 =	vld.idx.msk [tilespmem:v54+s13+$0x0], $0xffff;
	[tilespmem:v55+s21+$0x0] =	vst.idx.msk $0xffff, v57  }
0x23e: {  	v60 =	vadd.s32 v5, v25;
	v61 =	vld.idx.msk [tilespmem:v56+s13+$0x0], $0xffff  }
0x23f: {  	v63 =	vadd.s32 v5, v32;
	v62 =	vor.u32 v6, v24  }
0x240: {  	v40 =	vmul.f32 $8.000000000e+00, v40;
	v52 =	vor.u32 v6, v26;
	v53 =	vadd.s32 v5, v33  }
0x241: {  	v49 =	vor.u32 v6, v34;
	v42 =	vmul.f32 $8.000000000e+00, v42  }
0x242: {  	[tilespmem:v58+s21+$0x0] =	vst.idx.msk $0xffff, v40;
	v54 =	vmul.f32 $8.000000000e+00, v59  }
0x243: {  	v30 =	vld.idx.msk [tilespmem:v30+s13+$0x0], $0xffff;
	[tilespmem:v60+s21+$0x0] =	vst.idx.msk $0xffff, v42;
	v55 =	vmul.f32 $8.000000000e+00, v61  }
0x244: {  	v41 =	vld.idx.msk [tilespmem:v62+s13+$0x0], $0xffff;
	[tilespmem:v63+s21+$0x0] =	vst.idx.msk $0xffff, v54  }
0x245: {  	v56 =	vadd.s32 v7, v22;
	v57 =	vld.idx.msk [tilespmem:v52+s13+$0x0], $0xffff;
	[tilespmem:v53+s21+$0x0] =	vst.idx.msk $0xffff, v55  }
0x246: {  	v58 =	vor.u32 v8, v23;
	v59 =	vadd.s32 v7, v25;
	v60 =	vld.idx.msk [tilespmem:v49+s13+$0x0], $0xffff  }
0x247: {  	v62 =	vadd.s32 v7, v32;
	v61 =	vor.u32 v8, v24  }
0x248: {  	v30 =	vmul.f32 $8.000000000e+00, v30;
	v63 =	vor.u32 v8, v26;
	v52 =	vadd.s32 v7, v33  }
0x249: {  	v41 =	vmul.f32 $8.000000000e+00, v41;
	v53 =	vor.u32 v8, v34  }
0x24a: {  	[tilespmem:v56+s21+$0x0] =	vst.idx.msk $0xffff, v30;
	v54 =	vmul.f32 $8.000000000e+00, v57  }
0x24b: {  	[tilespmem:v59+s21+$0x0] =	vst.idx.msk $0xffff, v41;
	v38 =	vld.idx.msk [tilespmem:v58+s13+$0x0], $0xffff;
	v55 =	vmul.f32 $8.000000000e+00, v60  }
0x24c: {  	v56 =	vadd.s32 v9, v19;
	[tilespmem:v62+s21+$0x0] =	vst.idx.msk $0xffff, v54;
	v57 =	vld.idx.msk [tilespmem:v61+s13+$0x0], $0xffff  }
0x24d: {  	v30 =	vor.u32 v10, v21;
	v58 =	vadd.s32 v9, v22;
	v59 =	vld.idx.msk [tilespmem:v63+s13+$0x0], $0xffff;
	[tilespmem:v52+s21+$0x0] =	vst.idx.msk $0xffff, v55  }
0x24e: {  	v35 =	vmul.f32 $8.000000000e+00, v35;
	v61 =	vadd.s32 v9, v25;
	v60 =	vor.u32 v10, v23;
	v62 =	vld.idx.msk [tilespmem:v53+s13+$0x0], $0xffff  }
0x24f: {  	v37 =	vmul.f32 $8.000000000e+00, v37;
	v63 =	vor.u32 v10, v24;
	v52 =	vadd.s32 v9, v32  }
0x250: {  	[tilespmem:v39+s21+$0x0] =	vst.idx.msk $0xffff, v35;
	v54 =	vor.u32 v10, v26;
	v55 =	vadd.s32 v9, v33;
	v53 =	vmul.f32 $8.000000000e+00, v38  }
0x251: {  	v29 =	vld.idx.msk [tilespmem:v29+s13+$0x0], $0xffff;
	[tilespmem:v56+s21+$0x0] =	vst.idx.msk $0xffff, v37;
	v56 =	vmul.f32 $8.000000000e+00, v57;
	v57 =	vor.u32 v10, v34  }
0x252: {  	v30 =	vld.idx.msk [tilespmem:v30+s13+$0x0], $0xffff;
	[tilespmem:v58+s21+$0x0] =	vst.idx.msk $0xffff, v53;
	v58 =	vmul.f32 $8.000000000e+00, v59  }
0x253: {  	[tilespmem:v61+s21+$0x0] =	vst.idx.msk $0xffff, v56;
	v59 =	vadd.s32 v11, v18;
	v40 =	vld.idx.msk [tilespmem:v60+s13+$0x0], $0xffff;
	v60 =	vmul.f32 $8.000000000e+00, v62  }
0x254: {  	v61 =	vor.u32 v12, v20;
	v45 =	vld.idx.msk [tilespmem:v63+s13+$0x0], $0xffff;
	[tilespmem:v52+s21+$0x0] =	vst.idx.msk $0xffff, v58;
	v62 =	vadd.s32 v11, v19  }
0x255: {  	v48 =	vadd.s32 v11, v22;
	v63 =	vor.u32 v12, v21;
	v38 =	vld.idx.msk [tilespmem:v54+s13+$0x0], $0xffff;
	[tilespmem:v55+s21+$0x0] =	vst.idx.msk $0xffff, v60  }
0x256: {  	v50 =	vadd.s32 v11, v25;
	v29 =	vmul.f32 $8.000000000e+00, v29;
	v49 =	vor.u32 v12, v23;
	v41 =	vld.idx.msk [tilespmem:v57+s13+$0x0], $0xffff  }
0x257: {  	[tilespmem:v31+s21+$0x0] =	vst.idx.msk $0xffff, v36;
	v51 =	vor.u32 v12, v24;
	v30 =	vmul.f32 $8.000000000e+00, v30;
	v52 =	vadd.s32 v11, v32  }
0x258: {  	v54 =	vor.u32 v12, v26;
	[tilespmem:v59+s21+$0x0] =	vst.idx.msk $0xffff, v29;
	v55 =	vadd.s32 v11, v33;
	v53 =	vmul.f32 $8.000000000e+00, v40  }
0x259: {  	v56 =	vmul.f32 $8.000000000e+00, v45;
	v43 =	vld.idx.msk [tilespmem:v61+s13+$0x0], $0xffff;
	v57 =	vor.u32 v12, v34;
	[tilespmem:v62+s21+$0x0] =	vst.idx.msk $0xffff, v30  }
0x25a: {  	v17 =	vadd.s32 v15, v17;
	[tilespmem:v48+s21+$0x0] =	vst.idx.msk $0xffff, v53;
	v58 =	vmul.f32 $8.000000000e+00, v38;
	v35 =	vld.idx.msk [tilespmem:v63+s13+$0x0], $0xffff  }
0x25b: {  	v59 =	vadd.s32 v13, v18;
	[tilespmem:v50+s21+$0x0] =	vst.idx.msk $0xffff, v56;
	v37 =	vld.idx.msk [tilespmem:v49+s13+$0x0], $0xffff;
	v60 =	vmul.f32 $8.000000000e+00, v41  }
0x25c: {  	v61 =	vor.u32 v14, v20;
	v62 =	vadd.s32 v13, v19;
	v31 =	vld.idx.msk [tilespmem:v51+s13+$0x0], $0xffff;
	[tilespmem:v52+s21+$0x0] =	vst.idx.msk $0xffff, v58  }
0x25d: {  	v45 =	vadd.s32 v13, v22;
	v63 =	vor.u32 v14, v21;
	v36 =	vld.idx.msk [tilespmem:v54+s13+$0x0], $0xffff;
	[tilespmem:v55+s21+$0x0] =	vst.idx.msk $0xffff, v60  }
0x25e: {  	v47 =	vor.u32 v14, v23;
	v48 =	vadd.s32 v13, v25;
	v46 =	vmul.f32 $8.000000000e+00, v43;
	v49 =	vld.idx.msk [tilespmem:v57+s13+$0x0], $0xffff  }
0x25f: {  	v28 =	vld.idx.msk [tilespmem:v28+s13+$0x0], $0xffff;
	v50 =	vor.u32 v14, v24;
	v51 =	vadd.s32 v13, v32;
	v35 =	vmul.f32 $8.000000000e+00, v35  }
0x260: {  	v53 =	vor.u32 v14, v26;
	v54 =	vadd.s32 v13, v33;
	[tilespmem:v59+s21+$0x0] =	vst.idx.msk $0xffff, v46;
	v52 =	vmul.f32 $8.000000000e+00, v37  }
0x261: {  	v34 =	vor.u32 v14, v34;
	v31 =	vmul.f32 $8.000000000e+00, v31;
	v20 =	vld.idx.msk [tilespmem:v61+s13+$0x0], $0xffff;
	[tilespmem:v62+s21+$0x0] =	vst.idx.msk $0xffff, v35  }
0x262: {  	v16 =	vadd.s32 v15, v16;
	[tilespmem:v45+s21+$0x0] =	vst.idx.msk $0xffff, v52;
	v55 =	vmul.f32 $8.000000000e+00, v36;
	v21 =	vld.idx.msk [tilespmem:v63+s13+$0x0], $0xffff  }
0x263: {  	v56 =	vadd.s32 v15, v18;
	[tilespmem:v48+s21+$0x0] =	vst.idx.msk $0xffff, v31;
	v23 =	vld.idx.msk [tilespmem:v47+s13+$0x0], $0xffff;
	v57 =	vmul.f32 $8.000000000e+00, v49  }
0x264: {  	v27 =	vmul.f32 $8.000000000e+00, v27;
	v58 =	vadd.s32 v15, v19;
	v24 =	vld.idx.msk [tilespmem:v50+s13+$0x0], $0xffff;
	[tilespmem:v51+s21+$0x0] =	vst.idx.msk $0xffff, v55  }
0x265: {  	v28 =	vmul.f32 $8.000000000e+00, v28;
	v59 =	vadd.s32 v15, v22;
	v26 =	vld.idx.msk [tilespmem:v53+s13+$0x0], $0xffff;
	[tilespmem:v54+s21+$0x0] =	vst.idx.msk $0xffff, v57  }
0x266: {  	[tilespmem:v17+s21+$0x0] =	vst.idx.msk $0xffff, v27;
	v60 =	vadd.s32 v15, v25;
	v17 =	vmul.f32 $8.000000000e+00, v20;
	v61 =	vld.idx.msk [tilespmem:v34+s13+$0x0], $0xffff  }
0x267: {  	[tilespmem:v16+s21+$0x0] =	vst.idx.msk $0xffff, v28;
	v62 =	vadd.s32 v15, v32;
	v16 =	vmul.f32 $8.000000000e+00, v21  }
0x268: {  	v63 =	vadd.s32 v15, v33;
	[tilespmem:v56+s21+$0x0] =	vst.idx.msk $0xffff, v17;
	v17 =	vmul.f32 $8.000000000e+00, v23  }
0x269: {  	s1 =	sadd.s32 s6, s1;
	[tilespmem:v58+s21+$0x0] =	vst.idx.msk $0xffff, v16;
	v16 =	vmul.f32 $8.000000000e+00, v24  }
0x26a: {  	s5 =	sshll.u32 s1, $0x7;
	[tilespmem:v59+s21+$0x0] =	vst.idx.msk $0xffff, v17;
	v17 =	vmul.f32 $8.000000000e+00, v26  }
0x26b: {  	s1 =	sshll.u32 s1, $0xA;
	s5 =	sand.u32 $0xF00, s5;
	[tilespmem:v60+s21+$0x0] =	vst.idx.msk $0xffff, v16;
	v16 =	vmul.f32 $8.000000000e+00, v61  }
0x26c: {  	s1 =	sand.u32 $0xFFF8000, s1;
	s5 =	sadd.s32 s2, s5;
	[tilespmem:v62+s21+$0x0] =	vst.idx.msk $0xffff, v17  }
0x26d: {  	s8 =	sadd.s32 s1, s5;
	s5 =	simm.s32 $0x12800;
	[tilespmem:v63+s21+$0x0] =	vst.idx.msk $0xffff, v16  }
0x26e: {  	[hbm4b:s8+s3] =	stream.linear.scatter [tilespmem:s5], [sflag:$0x7], $0x80, $0x38;
	[tilespmem:$0x16C00] =	vst v63  }
0x26f: {  	s7 =	simm.s32 $0x12888;
	s5 =	sadd.s32 $0x10, s8  }
0x270: {  	[hbm4b:s5+s3] =	stream.linear.scatter [tilespmem:s7], [sflag:$0x7], $0x80, $0x38;
	[tilespmem:$0x16C00] =	vst v63  }
0x271: {  	s12 =	simm.s32 $0x12910;
	s14 =	sadd.s32 $0x20, s8  }
0x272: {  	[hbm4b:s14+s3] =	stream.linear.scatter [tilespmem:s12], [sflag:$0x7], $0x80, $0x38;
	[tilespmem:$0x16C00] =	vst v63  }
0x273: {  	s5 =	simm.s32 $0x12998;
	s7 =	sadd.s32 $0x30, s8  }
0x274: {  	[hbm4b:s7+s3] =	stream.linear.scatter [tilespmem:s5], [sflag:$0x7], $0x80, $0x38;
	[tilespmem:$0x16C00] =	vst v63  }
0x275: {  	s12 =	simm.s32 $0x12A20;
	s14 =	sadd.s32 $0x40, s8  }
0x276: {  	[hbm4b:s14+s3] =	stream.linear.scatter [tilespmem:s12], [sflag:$0x7], $0x80, $0x38;
	[tilespmem:$0x16C00] =	vst v63  }
0x277: {  	s1 =	simm.s32 $0x440;
	s5 =	simm.s32 $0x12AA8;
	s7 =	sadd.s32 $0x50, s8  }
0x278: {  	[hbm4b:s7+s3] =	stream.linear.scatter [tilespmem:s5], [sflag:$0x7], $0x80, $0x38;
	[tilespmem:$0x16C00] =	vst v63  }
0x279: {  	s12 =	simm.s32 $0x12B30;
	s14 =	sadd.s32 $0x60, s8;
	s5 =	simm.s32 $0x12BB8  }
0x27a: {  	[hbm4b:s14+s3] =	stream.linear.scatter [tilespmem:s12], [sflag:$0x7], $0x80, $0x38;
	[tilespmem:$0x16C00] =	vst v63  }
0x27b: {  	s7 =	sadd.s32 $0x70, s8;
	s14 =	simm.s32 $0x2200;
	s12 =	sadd.s32 $0x1000, s8  }
.LBB2_13:
0x27c: {  	[hbm4b:s7+s3] =	stream.linear.scatter [tilespmem:s5], [sflag:$0x7], $0x80, $0x38;
	[tilespmem:$0x16C00] =	vst v63  }
0x27d: {  	s5 =	smov.u32 s1;
	s1 =	smov.u32 s14  }
0x27e: {  	s8 =	sadd.s32 $0x1100, s14;
	s1 =	sshra.s32 s1, $0x2;
	s7 =	sadd.s32 $0x12800, s5  }
0x27f: {  	[hbm4b:s12+s3] =	stream.linear.scatter [tilespmem:s7], [sflag:$0x7], $0x80, $0x38;
	[tilespmem:$0x16C00] =	vst v63  }
0x280: {  	p2 =	sne.s32 s14, $0x7700;
	s14 =	sadd.s32 $0x10, s12;
	s7 =	sadd.s32 $0x12888, s5  }
0x281: {  	[hbm4b:s14+s3] =	stream.linear.scatter [tilespmem:s7], [sflag:$0x7], $0x80, $0x38;
	[tilespmem:$0x16C00] =	vst v63  }
0x282: {  	s7 =	sadd.s32 $0x12910, s5;
	s14 =	sadd.s32 $0x20, s12  }
0x283: {  	[hbm4b:s14+s3] =	stream.linear.scatter [tilespmem:s7], [sflag:$0x7], $0x80, $0x38;
	[tilespmem:$0x16C00] =	vst v63  }
0x284: {  	s7 =	sadd.s32 $0x12998, s5;
	s14 =	sadd.s32 $0x30, s12  }
0x285: {  	[hbm4b:s14+s3] =	stream.linear.scatter [tilespmem:s7], [sflag:$0x7], $0x80, $0x38;
	[tilespmem:$0x16C00] =	vst v63  }
0x286: {  	s7 =	sadd.s32 $0x12A20, s5;
	s14 =	sadd.s32 $0x40, s12  }
0x287: {  	[hbm4b:s14+s3] =	stream.linear.scatter [tilespmem:s7], [sflag:$0x7], $0x80, $0x38;
	[tilespmem:$0x16C00] =	vst v63  }
.Ltmp7:
0x288: {  	s7 =	sadd.s32 $0x12AA8, s5;
	s14 =	sadd.s32 $0x50, s12;
	(pc) =	sbr.rel @p2 .LBB2_13-.Ltmp7, $4  }
0x289: {  	[hbm4b:s14+s3] =	stream.linear.scatter [tilespmem:s7], [sflag:$0x7], $0x80, $0x38;
	[tilespmem:$0x16C00] =	vst v63  }
0x28a: {  	s7 =	sadd.s32 $0x12B30, s5;
	s14 =	sadd.s32 $0x60, s12;
	s5 =	sadd.s32 $0x12BB8, s5  }
0x28b: {  	[hbm4b:s14+s3] =	stream.linear.scatter [tilespmem:s7], [sflag:$0x7], $0x80, $0x38;
	[tilespmem:$0x16C00] =	vst v63  }
0x28c: {  	s7 =	sadd.s32 $0x70, s12;
	s12 =	sadd.s32 $0x1000, s12;
	s14 =	smov.u32 s8  }
0x28d: {  	[hbm4b:s7+s3] =	stream.linear.scatter [tilespmem:s5], [sflag:$0x7], $0x80, $0x38;
	[tilespmem:$0x16C00] =	vst v63  }
0x28e: {  	s7 =	sadd.s32 $0x12800, s1  }
0x28f: {  	[hbm4b:s12+s3] =	stream.linear.scatter [tilespmem:s7], [sflag:$0x7], $0x80, $0x38;
	[tilespmem:$0x16C00] =	vst v63  }
0x290: {  	s8 =	sadd.s32 $0x12888, s1;
	s14 =	sadd.s32 $0x10, s12  }
0x291: {  	[hbm4b:s14+s3] =	stream.linear.scatter [tilespmem:s8], [sflag:$0x7], $0x80, $0x38;
	[tilespmem:$0x16C00] =	vst v63  }
0x292: {  	s8 =	sadd.s32 $0x12910, s1;
	s14 =	sadd.s32 $0x20, s12  }
0x293: {  	[hbm4b:s14+s3] =	stream.linear.scatter [tilespmem:s8], [sflag:$0x7], $0x80, $0x38;
	[tilespmem:$0x16C00] =	vst v63  }
0x294: {  	s8 =	sadd.s32 $0x12998, s1;
	s14 =	sadd.s32 $0x30, s12  }
0x295: {  	[hbm4b:s14+s3] =	stream.linear.scatter [tilespmem:s8], [sflag:$0x7], $0x80, $0x38;
	[tilespmem:$0x16C00] =	vst v63  }
0x296: {  	s8 =	sadd.s32 $0x12A20, s1;
	s14 =	sadd.s32 $0x40, s12  }
0x297: {  	[hbm4b:s14+s3] =	stream.linear.scatter [tilespmem:s8], [sflag:$0x7], $0x80, $0x38;
	[tilespmem:$0x16C00] =	vst v63  }
0x298: {  	s8 =	sadd.s32 $0x12AA8, s1;
	s14 =	sadd.s32 $0x50, s12  }
0x299: {  	[hbm4b:s14+s3] =	stream.linear.scatter [tilespmem:s8], [sflag:$0x7], $0x80, $0x38;
	[tilespmem:$0x16C00] =	vst v63  }
0x29a: {  	s8 =	sadd.s32 $0x12B30, s1;
	s14 =	sadd.s32 $0x60, s12  }
0x29b: {  	[hbm4b:s14+s3] =	stream.linear.scatter [tilespmem:s8], [sflag:$0x7], $0x80, $0x38;
	[tilespmem:$0x16C00] =	vst v63  }
0x29c: {  	s0 =	sadd.s32 @!p1 $0x300, s0;
	s7 =	sadd.s32 $0x12BB8, s1;
	s8 =	sadd.s32 $0x70, s12  }
0x29d: {  	[hbm4b:s8+s3] =	stream.linear.scatter [tilespmem:s7], [sflag:$0x7], $0x80, $0x38;
	[tilespmem:$0x16C00] =	vst v63  }
0x29e: {  	s5 =	simm.s32 @!p1 $0xA400;
	s1 =	simm.s32 @!p1 $0x80;
	s12 =	simm.s32 $0x0  }
0x29f: {  	v16 =	vadd.s32 s12, v0;
	[tilespmem:s5], [sflag:$0x3] =	stream.indirect.gather @!p1 [hbm4b:s4+s1], $0x40, s0, s1, $0xb8;
	[tilespmem:$0x16C00] =	vst v63  }
0x2a0: {  	v27 =	vand.u32 $0x3F, v16;
	_ =	swait.ge [sflag:s22], $0x2000  }
0x2a1: {  	v17 =	vor.u32 v1, v27;
	[sflag:s22] =	ssyncset.done $0x0  }
0x2a2: {  	s14 =	simm.s32 $0x1;
	s0 =	simm.s32 @!p0 $0x8;
	[sflag:s22] =	ssyncadd.s32 $0xFFFFE000  }
0x2a3: {  	v19 =	vadd.s32 s14, v0;
	v18 =	vshrl.u32 v16, $0x3;
	_ =	swait.ge @!p0 [sflag:s0], $0x2000  }
0x2a4: {  	v16 =	vand.u32 $0x7, v16;
	v28 =	vand.u32 $0x3F, v19;
	v18 =	vand.u32 $0x7, v18;
	[sflag:s0] =	ssyncset.done @!p0 $0x0  }
0x2a5: {  	v16 =	vmul.u32 $0x88, v16;
	v20 =	vor.u32 v1, v28;
	v18 =	vmul.u32 $0x440, v18;
	[sflag:s0] =	ssyncadd.s32 @!p0 $0xFFFFE000  }
0x2a6: {  	v21 =	vld.idx.msk [tilespmem:v17+s15+$0x0], $0xffff  }
0x2a7: {  	v17 =	vadd.s32 v16, v18;
	v16 =	vshrl.u32 v19, $0x3  }
0x2a8: {  	v19 =	vand.u32 $0x7, v19;
	v18 =	vadd.s32 v0, v17;
	v16 =	vand.u32 $0x7, v16  }
0x2a9: {  	v22 =	vor.u32 v2, v27;
	v19 =	vmul.u32 $0x88, v19;
	v16 =	vmul.u32 $0x440, v16  }
0x2aa: {  	v20 =	vld.idx.msk [tilespmem:v20+s15+$0x0], $0xffff  }
0x2ab: {  	v16 =	vadd.s32 v19, v16;
	v21 =	vmul.f32 $8.000000000e+00, v21  }
0x2ac: {  	v19 =	vadd.s32 v0, v16  }
0x2ad: {  	[tilespmem:v18+s23+$0x0] =	vst.idx.msk $0xffff, v21;
	v18 =	vor.u32 v2, v28  }
0x2ae: {  	v21 =	vld.idx.msk [tilespmem:v22+s15+$0x0], $0xffff  }
0x2af: {  	v20 =	vmul.f32 $8.000000000e+00, v20  }
0x2b0: {  	v22 =	vadd.s32 v3, v17  }
0x2b1: {  	[tilespmem:v19+s23+$0x0] =	vst.idx.msk $0xffff, v20  }
0x2b2: {  	v18 =	vld.idx.msk [tilespmem:v18+s15+$0x0], $0xffff  }
0x2b3: {  	s5 =	simm.s32 $0x2;
	v19 =	vor.u32 v4, v27;
	v21 =	vmul.f32 $8.000000000e+00, v21  }
0x2b4: {  	v23 =	vadd.s32 s5, v0;
	v24 =	vadd.s32 v3, v16  }
0x2b5: {  	v20 =	vand.u32 $0x3F, v23;
	[tilespmem:v22+s23+$0x0] =	vst.idx.msk $0xffff, v21;
	v22 =	vor.u32 v4, v28  }
0x2b6: {  	s7 =	simm.s32 $0x3;
	v25 =	vor.u32 v1, v20;
	v21 =	vand.u32 $0x7, v23;
	v23 =	vshrl.u32 v23, $0x3  }
0x2b7: {  	v26 =	vadd.s32 s7, v0;
	v23 =	vand.u32 $0x7, v23;
	v18 =	vmul.f32 $8.000000000e+00, v18  }
0x2b8: {  	v19 =	vld.idx.msk [tilespmem:v19+s15+$0x0], $0xffff;
	v29 =	vmul.u32 $0x88, v21;
	v21 =	vand.u32 $0x3F, v26;
	v23 =	vmul.u32 $0x440, v23  }
0x2b9: {  	[tilespmem:v24+s23+$0x0] =	vst.idx.msk $0xffff, v18;
	v24 =	vor.u32 v1, v21  }
0x2ba: {  	v31 =	vshrl.u32 v26, $0x3;
	v18 =	vadd.s32 v29, v23;
	v23 =	vadd.s32 v5, v17;
	v22 =	vld.idx.msk [tilespmem:v22+s15+$0x0], $0xffff  }
0x2bb: {  	v30 =	vor.u32 v6, v27;
	v33 =	vor.u32 v6, v28;
	v31 =	vand.u32 $0x7, v31;
	v25 =	vld.idx.msk [tilespmem:v25+s15+$0x0], $0xffff  }
0x2bc: {  	v31 =	vmul.u32 $0x440, v31;
	v32 =	vadd.s32 v5, v16;
	v26 =	vand.u32 $0x7, v26  }
0x2bd: {  	v26 =	vmul.u32 $0x88, v26;
	v29 =	vadd.s32 v0, v18;
	v19 =	vmul.f32 $8.000000000e+00, v19  }
0x2be: {  	v34 =	vor.u32 v2, v20;
	v24 =	vld.idx.msk [tilespmem:v24+s15+$0x0], $0xffff  }
0x2bf: {  	[tilespmem:v23+s23+$0x0] =	vst.idx.msk $0xffff, v19;
	v19 =	vadd.s32 v26, v31;
	v22 =	vmul.f32 $8.000000000e+00, v22  }
0x2c0: {  	v23 =	vmul.f32 $8.000000000e+00, v25;
	v25 =	vld.idx.msk [tilespmem:v30+s15+$0x0], $0xffff;
	v26 =	vadd.s32 v0, v19  }
0x2c1: {  	[tilespmem:v32+s23+$0x0] =	vst.idx.msk $0xffff, v22  }
0x2c2: {  	v30 =	vadd.s32 v7, v17;
	[tilespmem:v29+s23+$0x0] =	vst.idx.msk $0xffff, v23;
	v22 =	vor.u32 v2, v21;
	v29 =	vld.idx.msk [tilespmem:v33+s15+$0x0], $0xffff  }
0x2c3: {  	v46 =	vor.u32 v10, v28;
	v31 =	vld.idx.msk [tilespmem:v34+s15+$0x0], $0xffff;
	v23 =	vmul.f32 $8.000000000e+00, v24;
	v24 =	vor.u32 v8, v27  }
0x2c4: {  	v51 =	vor.u32 v12, v27;
	v54 =	vor.u32 v12, v28;
	v61 =	vadd.s32 v7, v16  }
0x2c5: {  	v62 =	vadd.s32 v3, v18;
	v25 =	vmul.f32 $8.000000000e+00, v25;
	[tilespmem:v26+s23+$0x0] =	vst.idx.msk $0xffff, v23;
	v26 =	vor.u32 v8, v28  }
0x2c6: {  	s8 =	simm.s32 $0x4;
	v44 =	vadd.s32 v9, v17;
	v50 =	vadd.s32 v11, v17;
	v40 =	vadd.s32 v9, v16  }
0x2c7: {  	v60 =	vadd.s32 s8, v0;
	v35 =	vor.u32 v4, v20;
	v22 =	vld.idx.msk [tilespmem:v22+s15+$0x0], $0xffff;
	[tilespmem:v30+s23+$0x0] =	vst.idx.msk $0xffff, v25;
	v29 =	vmul.f32 $8.000000000e+00, v29  }
0x2c8: {  	v36 =	vor.u32 v6, v20;
	v23 =	vand.u32 $0x3F, v60;
	v31 =	vmul.f32 $8.000000000e+00, v31;
	v37 =	vld.idx.msk [tilespmem:v24+s15+$0x0], $0xffff  }
0x2c9: {  	s12 =	simm.s32 $0x5;
	v38 =	vadd.s32 v3, v19;
	v30 =	vor.u32 v1, v23;
	[tilespmem:v61+s23+$0x0] =	vst.idx.msk $0xffff, v29  }
0x2ca: {  	v39 =	vadd.s32 s12, v0;
	v63 =	vor.u32 v4, v21;
	[tilespmem:v62+s23+$0x0] =	vst.idx.msk $0xffff, v31;
	v31 =	vshrl.u32 v60, $0x3;
	v26 =	vld.idx.msk [tilespmem:v26+s15+$0x0], $0xffff  }
0x2cb: {  	v25 =	vor.u32 v10, v27;
	v24 =	vand.u32 $0x7, v60;
	v31 =	vand.u32 $0x7, v31  }
0x2cc: {  	v45 =	vmul.u32 $0x88, v24;
	v31 =	vmul.u32 $0x440, v31;
	v22 =	vmul.f32 $8.000000000e+00, v22  }
0x2cd: {  	v49 =	vor.u32 v6, v21;
	v34 =	vld.idx.msk [tilespmem:v35+s15+$0x0], $0xffff;
	v24 =	vand.u32 $0x3F, v39;
	v37 =	vmul.f32 $8.000000000e+00, v37  }
0x2ce: {  	v30 =	vld.idx.msk [tilespmem:v30+s15+$0x0], $0xffff;
	[tilespmem:v38+s23+$0x0] =	vst.idx.msk $0xffff, v22;
	v22 =	vadd.s32 v45, v31;
	v31 =	vor.u32 v1, v24  }
0x2cf: {  	v47 =	vadd.s32 v5, v18;
	v33 =	vld.idx.msk [tilespmem:v63+s15+$0x0], $0xffff;
	[tilespmem:v44+s23+$0x0] =	vst.idx.msk $0xffff, v37;
	v26 =	vmul.f32 $8.000000000e+00, v26  }
0x2d0: {  	v41 =	vadd.s32 v5, v19;
	v48 =	vadd.s32 v0, v22;
	v37 =	vld.idx.msk [tilespmem:v25+s15+$0x0], $0xffff;
	v25 =	vshrl.u32 v39, $0x3  }
0x2d1: {  	v29 =	vor.u32 v2, v23;
	[tilespmem:v40+s23+$0x0] =	vst.idx.msk $0xffff, v26;
	v25 =	vand.u32 $0x7, v25;
	v26 =	vand.u32 $0x7, v39  }
0x2d2: {  	v34 =	vmul.f32 $8.000000000e+00, v34;
	v38 =	vld.idx.msk [tilespmem:v46+s15+$0x0], $0xffff;
	v25 =	vmul.u32 $0x440, v25;
	v26 =	vmul.u32 $0x88, v26  }
0x2d3: {  	v59 =	vor.u32 v8, v20;
	v28 =	vor.u32 v14, v28;
	v30 =	vmul.f32 $8.000000000e+00, v30;
	v31 =	vld.idx.msk [tilespmem:v31+s15+$0x0], $0xffff  }
0x2d4: {  	[tilespmem:v47+s23+$0x0] =	vst.idx.msk $0xffff, v34;
	v33 =	vmul.f32 $8.000000000e+00, v33;
	v25 =	vadd.s32 v26, v25;
	v26 =	vadd.s32 v11, v16  }
0x2d5: {  	v35 =	vld.idx.msk [tilespmem:v36+s15+$0x0], $0xffff;
	[tilespmem:v48+s23+$0x0] =	vst.idx.msk $0xffff, v30;
	v52 =	vadd.s32 v0, v25;
	v53 =	vmul.f32 $8.000000000e+00, v37  }
0x2d6: {  	v27 =	vor.u32 v14, v27;
	v30 =	vor.u32 v2, v24;
	v56 =	vld.idx.msk [tilespmem:v29+s15+$0x0], $0xffff;
	[tilespmem:v41+s23+$0x0] =	vst.idx.msk $0xffff, v33  }
0x2d7: {  	v29 =	vadd.s32 v7, v18;
	v55 =	vld.idx.msk [tilespmem:v49+s15+$0x0], $0xffff;
	[tilespmem:v50+s23+$0x0] =	vst.idx.msk $0xffff, v53;
	v57 =	vmul.f32 $8.000000000e+00, v38  }
0x2d8: {  	s14 =	simm.s32 $0x6;
	v60 =	vor.u32 v8, v21;
	v42 =	vadd.s32 v3, v22;
	v31 =	vmul.f32 $8.000000000e+00, v31;
	v34 =	vld.idx.msk [tilespmem:v51+s15+$0x0], $0xffff  }
0x2d9: {  	v58 =	vadd.s32 s14, v0;
	v45 =	vor.u32 v4, v23;
	v44 =	vadd.s32 v7, v19;
	[tilespmem:v26+s23+$0x0] =	vst.idx.msk $0xffff, v57  }
0x2da: {  	v43 =	vand.u32 $0x7, v58;
	v47 =	vadd.s32 v13, v17;
	[tilespmem:v52+s23+$0x0] =	vst.idx.msk $0xffff, v31;
	v31 =	vmul.f32 $8.000000000e+00, v35;
	v61 =	vld.idx.msk [tilespmem:v54+s15+$0x0], $0xffff  }
0x2db: {  	v41 =	vadd.s32 v3, v25;
	v26 =	vand.u32 $0x3F, v58;
	v39 =	vmul.f32 $8.000000000e+00, v56;
	v46 =	vld.idx.msk [tilespmem:v30+s15+$0x0], $0xffff  }
0x2dc: {  	v32 =	vor.u32 v1, v26;
	v62 =	vmul.f32 $8.000000000e+00, v55;
	[tilespmem:v29+s23+$0x0] =	vst.idx.msk $0xffff, v31;
	v31 =	vadd.s32 v13, v16  }
0x2dd: {  	v63 =	vshrl.u32 v58, $0x3;
	v38 =	vor.u32 v2, v26;
	[tilespmem:v42+s23+$0x0] =	vst.idx.msk $0xffff, v39;
	v35 =	vld.idx.msk [tilespmem:v59+s15+$0x0], $0xffff;
	v34 =	vmul.f32 $8.000000000e+00, v34  }
0x2de: {  	v30 =	vor.u32 v6, v23;
	v42 =	vor.u32 v4, v24;
	v40 =	vld.idx.msk [tilespmem:v45+s15+$0x0], $0xffff;
	[tilespmem:v44+s23+$0x0] =	vst.idx.msk $0xffff, v62  }
0x2df: {  	v33 =	vmul.u32 $0x88, v43;
	v39 =	vadd.s32 v9, v18;
	v37 =	vld.idx.msk [tilespmem:v60+s15+$0x0], $0xffff;
	[tilespmem:v47+s23+$0x0] =	vst.idx.msk $0xffff, v34;
	v36 =	vmul.f32 $8.000000000e+00, v61  }
0x2e0: {  	s12 =	simm.s32 $0x7;
	s1 =	simm.s32 $0x8;
	s0 =	sor.u32 $0x3, s31;
	v29 =	vor.u32 v10, v20;
	v44 =	vand.u32 $0x7, v63;
	v43 =	vmul.f32 $8.000000000e+00, v46;
	v27 =	vld.idx.msk [tilespmem:v27+s15+$0x0], $0xffff  }
.LBB2_15:
0x2e1: {  	p0 =	slt.u32 s1, $0x3E;
	v32 =	vld.idx.msk [tilespmem:v32+s15+$0x0], $0xffff;
	v34 =	vmul.u32 $0x440, v44;
	v44 =	vadd.s32 s12, v0;
	v45 =	vadd.s32 v9, v19;
	[tilespmem:v31+s23+$0x0] =	vst.idx.msk $0xffff, v36  }
0x2e2: {  	v31 =	vmul.f32 $8.000000000e+00, v35;
	v35 =	vor.u32 v10, v21;
	v46 =	vand.u32 $0x3F, v44;
	[tilespmem:v41+s23+$0x0] =	vst.idx.msk $0xffff, v43;
	v28 =	vld.idx.msk [tilespmem:v28+s15+$0x0], $0xffff  }
0x2e3: {  	v36 =	vadd.s32 v5, v22;
	v33 =	vadd.s32 v33, v34;
	v34 =	vor.u32 v1, v46;
	v41 =	vld.idx.msk [tilespmem:v42+s15+$0x0], $0xffff  }
0x2e4: {  	v37 =	vmul.f32 $8.000000000e+00, v37;
	[tilespmem:v39+s23+$0x0] =	vst.idx.msk $0xffff, v31;
	v31 =	vadd.s32 v11, v18;
	v39 =	vadd.s32 v15, v17  }
0x2e5: {  	v43 =	vadd.s32 v15, v16;
	v42 =	vadd.s32 v0, v33;
	v40 =	vmul.f32 $8.000000000e+00, v40;
	v17 =	vmovc v18;
	v29 =	vld.idx.msk [tilespmem:v29+s15+$0x0], $0xffff  }
0x2e6: {  	v47 =	vadd.s32 v5, v25;
	v48 =	vshrl.u32 v44, $0x3;
	v18 =	vmovc v22;
	v49 =	vmul.f32 $8.000000000e+00, v27;
	[tilespmem:v45+s23+$0x0] =	vst.idx.msk $0xffff, v37  }
0x2e7: {  	v44 =	vand.u32 $0x7, v44;
	v16 =	vmovc v19;
	v22 =	vmovc v33;
	v37 =	vand.u32 $0x7, v48;
	v45 =	vor.u32 v6, v24;
	v35 =	vld.idx.msk [tilespmem:v35+s15+$0x0], $0xffff  }
0x2e8: {  	v19 =	vmovc v25;
	v28 =	vmul.f32 $8.000000000e+00, v28;
	v33 =	vld.idx.msk [tilespmem:v34+s15+$0x0], $0xffff;
	v34 =	vmul.u32 $0x440, v37;
	v37 =	vmul.u32 $0x88, v44;
	[tilespmem:v36+s23+$0x0] =	vst.idx.msk $0xffff, v40  }
0x2e9: {  	v27 =	vmovc v23;
	v32 =	vmul.f32 $8.000000000e+00, v32;
	v36 =	vmul.f32 $8.000000000e+00, v41;
	v40 =	vor.u32 v12, v20;
	[tilespmem:v39+s23+$0x0] =	vst.idx.msk $0xffff, v49  }
0x2ea: {  	v25 =	vadd.s32 v37, v34;
	v30 =	vld.idx.msk [tilespmem:v30+s15+$0x0], $0xffff;
	v34 =	vadd.s32 v11, v16;
	[tilespmem:v43+s23+$0x0] =	vst.idx.msk $0xffff, v28  }
0x2eb: {  	v29 =	vmul.f32 $8.000000000e+00, v29;
	v28 =	vadd.s32 v0, v25;
	[tilespmem:v47+s23+$0x0] =	vst.idx.msk $0xffff, v36;
	v36 =	vor.u32 v12, v21  }
0x2ec: {  	v23 =	vmov v26;
	[tilespmem:v42+s23+$0x0] =	vst.idx.msk $0xffff, v32;
	v32 =	vor.u32 v2, v46;
	v37 =	vld.idx.msk [tilespmem:v45+s15+$0x0], $0xffff  }
0x2ed: {  	v39 =	vadd.s32 v7, v18;
	v26 =	vmul.f32 $8.000000000e+00, v35;
	v38 =	vld.idx.msk [tilespmem:v38+s15+$0x0], $0xffff;
	[tilespmem:v31+s23+$0x0] =	vst.idx.msk $0xffff, v29  }
0x2ee: {  	v43 =	vadd.s32 s1, v0;
	v29 =	vmul.f32 $8.000000000e+00, v33;
	v31 =	vor.u32 v8, v27;
	v33 =	vld.idx.msk [tilespmem:v40+s15+$0x0], $0xffff  }
0x2ef: {  	v45 =	vand.u32 $0x7, v43;
	v42 =	vadd.s32 v7, v19;
	v40 =	vadd.s32 v3, v22;
	[tilespmem:v34+s23+$0x0] =	vst.idx.msk $0xffff, v26  }
0x2f0: {  	v26 =	vand.u32 $0x3F, v43;
	v34 =	vor.u32 v8, v24;
	[tilespmem:v28+s23+$0x0] =	vst.idx.msk $0xffff, v29;
	v28 =	vmul.f32 $8.000000000e+00, v30;
	v36 =	vld.idx.msk [tilespmem:v36+s15+$0x0], $0xffff  }
0x2f1: {  	v48 =	vadd.s32 v13, v17;
	v44 =	vor.u32 v4, v23;
	v49 =	vor.u32 v14, v20;
	v47 =	vld.idx.msk [tilespmem:v32+s15+$0x0], $0xffff  }
0x2f2: {  	v30 =	vor.u32 v6, v23;
	v29 =	vor.u32 v10, v27;
	[tilespmem:v39+s23+$0x0] =	vst.idx.msk $0xffff, v28;
	v28 =	vmul.f32 $8.000000000e+00, v37  }
.Ltmp8:
0x2f3: {  	v20 =	vmovc v27;
	v32 =	vor.u32 v1, v26;
	v37 =	vmul.f32 $8.000000000e+00, v38;
	v35 =	vld.idx.msk [tilespmem:v31+s15+$0x0], $0xffff;
	v31 =	vadd.s32 v13, v16;
	(pc) =	sbr.rel @p0 .LBB2_15-.Ltmp8, $4  }
0x2f4: {  	v41 =	vadd.s32 v3, v25;
	v27 =	vmul.f32 $8.000000000e+00, v33;
	[tilespmem:v42+s23+$0x0] =	vst.idx.msk $0xffff, v28;
	v28 =	vor.u32 v14, v21  }
0x2f5: {  	v38 =	vor.u32 v2, v26;
	v42 =	vor.u32 v4, v46;
	[tilespmem:v40+s23+$0x0] =	vst.idx.msk $0xffff, v37;
	v37 =	vld.idx.msk [tilespmem:v34+s15+$0x0], $0xffff  }
0x2f6: {  	v39 =	vadd.s32 v9, v18;
	v34 =	vshrl.u32 v43, $0x3;
	v36 =	vmul.f32 $8.000000000e+00, v36;
	v40 =	vld.idx.msk [tilespmem:v44+s15+$0x0], $0xffff;
	[tilespmem:v48+s23+$0x0] =	vst.idx.msk $0xffff, v27  }
0x2f7: {  	s12 =	sadd.s32 $0x1, s1;
	s1 =	sadd.s32 $0x2, s1;
	v33 =	vmul.u32 $0x88, v45;
	v21 =	vmovc v24;
	v24 =	vmovc v46;
	v44 =	vand.u32 $0x7, v34;
	v43 =	vmul.f32 $8.000000000e+00, v47;
	v27 =	vld.idx.msk [tilespmem:v49+s15+$0x0], $0xffff  }
0x2f8: {  	v45 =	vadd.s32 s12, v0  }
0x2f9: {  	v34 =	vand.u32 $0x3F, v45  }
0x2fa: {  	v46 =	vor.u32 v1, v34;
	_ =	sdelay $0x1  }
0x2fb: {  	v47 =	vshrl.u32 v45, $0x3  }
0x2fc: {  	v44 =	vmul.u32 $0x440, v44;
	v45 =	vand.u32 $0x7, v45;
	v47 =	vand.u32 $0x7, v47  }
0x2fd: {  	v48 =	vld.idx.msk [tilespmem:v32+s15+$0x0], $0xffff;
	v45 =	vmul.u32 $0x88, v45;
	v47 =	vmul.u32 $0x440, v47  }
0x2fe: {  	v32 =	vadd.s32 v33, v44;
	v62 =	vld.idx.msk [tilespmem:v46+s15+$0x0], $0xffff  }
0x2ff: {  	v63 =	vadd.s32 v0, v32;
	v33 =	vadd.s32 v45, v47  }
0x300: {  	v45 =	vadd.s32 v0, v33  }
0x301: {  	v52 =	vor.u32 v2, v34  }
0x302: {  	v48 =	vmul.f32 $8.000000000e+00, v48  }
0x303: {  	v44 =	vmul.f32 $8.000000000e+00, v62  }
0x304: {  	[tilespmem:v63+s23+$0x0] =	vst.idx.msk $0xffff, v48  }
0x305: {  	v38 =	vld.idx.msk [tilespmem:v38+s15+$0x0], $0xffff;
	[tilespmem:v45+s23+$0x0] =	vst.idx.msk $0xffff, v44  }
0x306: {  	v44 =	vld.idx.msk [tilespmem:v52+s15+$0x0], $0xffff  }
0x307: {  	v53 =	vadd.s32 v3, v32  }
0x308: {  	v54 =	vor.u32 v4, v26;
	v55 =	vadd.s32 v3, v33  }
0x309: {  	v56 =	vor.u32 v4, v34  }
0x30a: {  	v38 =	vmul.f32 $8.000000000e+00, v38  }
0x30b: {  	[tilespmem:v41+s23+$0x0] =	vst.idx.msk $0xffff, v43;
	v57 =	vmul.f32 $8.000000000e+00, v44  }
0x30c: {  	v42 =	vld.idx.msk [tilespmem:v42+s15+$0x0], $0xffff;
	[tilespmem:v53+s23+$0x0] =	vst.idx.msk $0xffff, v38  }
0x30d: {  	v58 =	vadd.s32 v5, v22;
	v59 =	vld.idx.msk [tilespmem:v54+s15+$0x0], $0xffff;
	[tilespmem:v55+s23+$0x0] =	vst.idx.msk $0xffff, v57  }
0x30e: {  	v60 =	vadd.s32 v5, v25;
	v61 =	vld.idx.msk [tilespmem:v56+s15+$0x0], $0xffff  }
0x30f: {  	v63 =	vadd.s32 v5, v32;
	v62 =	vor.u32 v6, v24  }
0x310: {  	v40 =	vmul.f32 $8.000000000e+00, v40;
	v52 =	vor.u32 v6, v26;
	v53 =	vadd.s32 v5, v33  }
0x311: {  	v49 =	vor.u32 v6, v34;
	v42 =	vmul.f32 $8.000000000e+00, v42  }
0x312: {  	[tilespmem:v58+s23+$0x0] =	vst.idx.msk $0xffff, v40;
	v54 =	vmul.f32 $8.000000000e+00, v59  }
0x313: {  	v30 =	vld.idx.msk [tilespmem:v30+s15+$0x0], $0xffff;
	[tilespmem:v60+s23+$0x0] =	vst.idx.msk $0xffff, v42;
	v55 =	vmul.f32 $8.000000000e+00, v61  }
0x314: {  	v41 =	vld.idx.msk [tilespmem:v62+s15+$0x0], $0xffff;
	[tilespmem:v63+s23+$0x0] =	vst.idx.msk $0xffff, v54  }
0x315: {  	v56 =	vadd.s32 v7, v22;
	v57 =	vld.idx.msk [tilespmem:v52+s15+$0x0], $0xffff;
	[tilespmem:v53+s23+$0x0] =	vst.idx.msk $0xffff, v55  }
0x316: {  	v58 =	vor.u32 v8, v23;
	v59 =	vadd.s32 v7, v25;
	v60 =	vld.idx.msk [tilespmem:v49+s15+$0x0], $0xffff  }
0x317: {  	v62 =	vadd.s32 v7, v32;
	v61 =	vor.u32 v8, v24  }
0x318: {  	v30 =	vmul.f32 $8.000000000e+00, v30;
	v63 =	vor.u32 v8, v26;
	v52 =	vadd.s32 v7, v33  }
0x319: {  	v41 =	vmul.f32 $8.000000000e+00, v41;
	v53 =	vor.u32 v8, v34  }
0x31a: {  	[tilespmem:v56+s23+$0x0] =	vst.idx.msk $0xffff, v30;
	v54 =	vmul.f32 $8.000000000e+00, v57  }
0x31b: {  	[tilespmem:v59+s23+$0x0] =	vst.idx.msk $0xffff, v41;
	v38 =	vld.idx.msk [tilespmem:v58+s15+$0x0], $0xffff;
	v55 =	vmul.f32 $8.000000000e+00, v60  }
0x31c: {  	v56 =	vadd.s32 v9, v19;
	[tilespmem:v62+s23+$0x0] =	vst.idx.msk $0xffff, v54;
	v57 =	vld.idx.msk [tilespmem:v61+s15+$0x0], $0xffff  }
0x31d: {  	v30 =	vor.u32 v10, v21;
	v58 =	vadd.s32 v9, v22;
	v59 =	vld.idx.msk [tilespmem:v63+s15+$0x0], $0xffff;
	[tilespmem:v52+s23+$0x0] =	vst.idx.msk $0xffff, v55  }
0x31e: {  	v35 =	vmul.f32 $8.000000000e+00, v35;
	v61 =	vadd.s32 v9, v25;
	v60 =	vor.u32 v10, v23;
	v62 =	vld.idx.msk [tilespmem:v53+s15+$0x0], $0xffff  }
0x31f: {  	v37 =	vmul.f32 $8.000000000e+00, v37;
	v63 =	vor.u32 v10, v24;
	v52 =	vadd.s32 v9, v32  }
0x320: {  	[tilespmem:v39+s23+$0x0] =	vst.idx.msk $0xffff, v35;
	v54 =	vor.u32 v10, v26;
	v55 =	vadd.s32 v9, v33;
	v53 =	vmul.f32 $8.000000000e+00, v38  }
0x321: {  	v29 =	vld.idx.msk [tilespmem:v29+s15+$0x0], $0xffff;
	[tilespmem:v56+s23+$0x0] =	vst.idx.msk $0xffff, v37;
	v56 =	vmul.f32 $8.000000000e+00, v57;
	v57 =	vor.u32 v10, v34  }
0x322: {  	v30 =	vld.idx.msk [tilespmem:v30+s15+$0x0], $0xffff;
	[tilespmem:v58+s23+$0x0] =	vst.idx.msk $0xffff, v53;
	v58 =	vmul.f32 $8.000000000e+00, v59  }
0x323: {  	[tilespmem:v61+s23+$0x0] =	vst.idx.msk $0xffff, v56;
	v59 =	vadd.s32 v11, v18;
	v40 =	vld.idx.msk [tilespmem:v60+s15+$0x0], $0xffff;
	v60 =	vmul.f32 $8.000000000e+00, v62  }
0x324: {  	v61 =	vor.u32 v12, v20;
	v45 =	vld.idx.msk [tilespmem:v63+s15+$0x0], $0xffff;
	[tilespmem:v52+s23+$0x0] =	vst.idx.msk $0xffff, v58;
	v62 =	vadd.s32 v11, v19  }
0x325: {  	v48 =	vadd.s32 v11, v22;
	v63 =	vor.u32 v12, v21;
	v38 =	vld.idx.msk [tilespmem:v54+s15+$0x0], $0xffff;
	[tilespmem:v55+s23+$0x0] =	vst.idx.msk $0xffff, v60  }
0x326: {  	v50 =	vadd.s32 v11, v25;
	v29 =	vmul.f32 $8.000000000e+00, v29;
	v49 =	vor.u32 v12, v23;
	v41 =	vld.idx.msk [tilespmem:v57+s15+$0x0], $0xffff  }
0x327: {  	[tilespmem:v31+s23+$0x0] =	vst.idx.msk $0xffff, v36;
	v51 =	vor.u32 v12, v24;
	v30 =	vmul.f32 $8.000000000e+00, v30;
	v52 =	vadd.s32 v11, v32  }
0x328: {  	v54 =	vor.u32 v12, v26;
	[tilespmem:v59+s23+$0x0] =	vst.idx.msk $0xffff, v29;
	v55 =	vadd.s32 v11, v33;
	v53 =	vmul.f32 $8.000000000e+00, v40  }
0x329: {  	v56 =	vmul.f32 $8.000000000e+00, v45;
	v43 =	vld.idx.msk [tilespmem:v61+s15+$0x0], $0xffff;
	v57 =	vor.u32 v12, v34;
	[tilespmem:v62+s23+$0x0] =	vst.idx.msk $0xffff, v30  }
0x32a: {  	v17 =	vadd.s32 v15, v17;
	[tilespmem:v48+s23+$0x0] =	vst.idx.msk $0xffff, v53;
	v58 =	vmul.f32 $8.000000000e+00, v38;
	v35 =	vld.idx.msk [tilespmem:v63+s15+$0x0], $0xffff  }
0x32b: {  	v59 =	vadd.s32 v13, v18;
	[tilespmem:v50+s23+$0x0] =	vst.idx.msk $0xffff, v56;
	v37 =	vld.idx.msk [tilespmem:v49+s15+$0x0], $0xffff;
	v60 =	vmul.f32 $8.000000000e+00, v41  }
0x32c: {  	v61 =	vor.u32 v14, v20;
	v62 =	vadd.s32 v13, v19;
	v31 =	vld.idx.msk [tilespmem:v51+s15+$0x0], $0xffff;
	[tilespmem:v52+s23+$0x0] =	vst.idx.msk $0xffff, v58  }
0x32d: {  	v45 =	vadd.s32 v13, v22;
	v63 =	vor.u32 v14, v21;
	v36 =	vld.idx.msk [tilespmem:v54+s15+$0x0], $0xffff;
	[tilespmem:v55+s23+$0x0] =	vst.idx.msk $0xffff, v60  }
0x32e: {  	v47 =	vor.u32 v14, v23;
	v48 =	vadd.s32 v13, v25;
	v46 =	vmul.f32 $8.000000000e+00, v43;
	v49 =	vld.idx.msk [tilespmem:v57+s15+$0x0], $0xffff  }
0x32f: {  	v28 =	vld.idx.msk [tilespmem:v28+s15+$0x0], $0xffff;
	v50 =	vor.u32 v14, v24;
	v51 =	vadd.s32 v13, v32;
	v35 =	vmul.f32 $8.000000000e+00, v35  }
0x330: {  	v53 =	vor.u32 v14, v26;
	v54 =	vadd.s32 v13, v33;
	[tilespmem:v59+s23+$0x0] =	vst.idx.msk $0xffff, v46;
	v52 =	vmul.f32 $8.000000000e+00, v37  }
0x331: {  	v34 =	vor.u32 v14, v34;
	v31 =	vmul.f32 $8.000000000e+00, v31;
	v20 =	vld.idx.msk [tilespmem:v61+s15+$0x0], $0xffff;
	[tilespmem:v62+s23+$0x0] =	vst.idx.msk $0xffff, v35  }
0x332: {  	v16 =	vadd.s32 v15, v16;
	[tilespmem:v45+s23+$0x0] =	vst.idx.msk $0xffff, v52;
	v55 =	vmul.f32 $8.000000000e+00, v36;
	v21 =	vld.idx.msk [tilespmem:v63+s15+$0x0], $0xffff  }
0x333: {  	v56 =	vadd.s32 v15, v18;
	[tilespmem:v48+s23+$0x0] =	vst.idx.msk $0xffff, v31;
	v23 =	vld.idx.msk [tilespmem:v47+s15+$0x0], $0xffff;
	v57 =	vmul.f32 $8.000000000e+00, v49  }
0x334: {  	v27 =	vmul.f32 $8.000000000e+00, v27;
	v58 =	vadd.s32 v15, v19;
	v24 =	vld.idx.msk [tilespmem:v50+s15+$0x0], $0xffff;
	[tilespmem:v51+s23+$0x0] =	vst.idx.msk $0xffff, v55  }
0x335: {  	v28 =	vmul.f32 $8.000000000e+00, v28;
	v59 =	vadd.s32 v15, v22;
	v26 =	vld.idx.msk [tilespmem:v53+s15+$0x0], $0xffff;
	[tilespmem:v54+s23+$0x0] =	vst.idx.msk $0xffff, v57  }
0x336: {  	[tilespmem:v17+s23+$0x0] =	vst.idx.msk $0xffff, v27;
	v60 =	vadd.s32 v15, v25;
	v17 =	vmul.f32 $8.000000000e+00, v20;
	v61 =	vld.idx.msk [tilespmem:v34+s15+$0x0], $0xffff  }
0x337: {  	[tilespmem:v16+s23+$0x0] =	vst.idx.msk $0xffff, v28;
	v62 =	vadd.s32 v15, v32;
	v16 =	vmul.f32 $8.000000000e+00, v21  }
0x338: {  	v63 =	vadd.s32 v15, v33;
	[tilespmem:v56+s23+$0x0] =	vst.idx.msk $0xffff, v17;
	v17 =	vmul.f32 $8.000000000e+00, v23  }
0x339: {  	s0 =	sadd.s32 s6, s0;
	[tilespmem:v58+s23+$0x0] =	vst.idx.msk $0xffff, v16;
	v16 =	vmul.f32 $8.000000000e+00, v24  }
0x33a: {  	s1 =	sshll.u32 s0, $0x7;
	[tilespmem:v59+s23+$0x0] =	vst.idx.msk $0xffff, v17;
	v17 =	vmul.f32 $8.000000000e+00, v26  }
0x33b: {  	s0 =	sshll.u32 s0, $0xA;
	s1 =	sand.u32 $0xF80, s1;
	[tilespmem:v60+s23+$0x0] =	vst.idx.msk $0xffff, v16;
	v16 =	vmul.f32 $8.000000000e+00, v61  }
0x33c: {  	s0 =	sand.u32 $0xFFF8000, s0;
	s1 =	sadd.s32 s2, s1;
	[tilespmem:v62+s23+$0x0] =	vst.idx.msk $0xffff, v17  }
0x33d: {  	s5 =	simm.s32 $0x14A00;
	s1 =	sadd.s32 s0, s1;
	[tilespmem:v63+s23+$0x0] =	vst.idx.msk $0xffff, v16  }
0x33e: {  	[hbm4b:s1+s3] =	stream.linear.scatter [tilespmem:s5], [sflag:$0x8], $0x80, $0x38;
	[tilespmem:$0x16C00] =	vst v63  }
0x33f: {  	s7 =	simm.s32 $0x14A88;
	s5 =	sadd.s32 $0x10, s1  }
0x340: {  	[hbm4b:s5+s3] =	stream.linear.scatter [tilespmem:s7], [sflag:$0x8], $0x80, $0x38;
	[tilespmem:$0x16C00] =	vst v63  }
0x341: {  	s8 =	simm.s32 $0x14B10;
	s14 =	simm.s32 $0x14B98;
	s12 =	sadd.s32 $0x20, s1  }
0x342: {  	[hbm4b:s12+s3] =	stream.linear.scatter [tilespmem:s8], [sflag:$0x8], $0x80, $0x38;
	[tilespmem:$0x16C00] =	vst v63  }
0x343: {  	s0 =	simm.s32 $0x440;
	s31 =	sadd.s32 $0x30, s1;
	s5 =	simm.s32 $0x14C20  }
0x344: {  	[hbm4b:s31+s3] =	stream.linear.scatter [tilespmem:s14], [sflag:$0x8], $0x80, $0x38;
	[tilespmem:$0x16C00] =	vst v63  }
0x345: {  	s7 =	sadd.s32 $0x40, s1;
	s8 =	simm.s32 $0x14CA8;
	s12 =	sadd.s32 $0x50, s1  }
0x346: {  	[hbm4b:s7+s3] =	stream.linear.scatter [tilespmem:s5], [sflag:$0x8], $0x80, $0x38;
	[tilespmem:$0x16C00] =	vst v63  }
0x347: {  	s14 =	simm.s32 $0x14D30;
	s31 =	sadd.s32 $0x60, s1;
	s5 =	simm.s32 $0x14DB8  }
0x348: {  	[hbm4b:s12+s3] =	stream.linear.scatter [tilespmem:s8], [sflag:$0x8], $0x80, $0x38;
	[tilespmem:$0x16C00] =	vst v63  }
0x349: {  	s7 =	sadd.s32 $0x70, s1;
	s1 =	sadd.s32 $0x1000, s1;
	s12 =	simm.s32 $0x2200  }
0x34a: {  	[hbm4b:s31+s3] =	stream.linear.scatter [tilespmem:s14], [sflag:$0x8], $0x80, $0x38;
	[tilespmem:$0x16C00] =	vst v63  }
.LBB2_17:
0x34b: {  	[hbm4b:s7+s3] =	stream.linear.scatter [tilespmem:s5], [sflag:$0x8], $0x80, $0x38;
	[tilespmem:$0x16C00] =	vst v63  }
0x34c: {  	s5 =	smov.u32 s0;
	s0 =	smov.u32 s12  }
0x34d: {  	s8 =	sadd.s32 $0x1100, s12;
	s0 =	sshra.s32 s0, $0x2;
	s7 =	sadd.s32 $0x14A00, s5  }
0x34e: {  	[hbm4b:s1+s3] =	stream.linear.scatter [tilespmem:s7], [sflag:$0x8], $0x80, $0x38;
	[tilespmem:$0x16C00] =	vst v63  }
0x34f: {  	p0 =	sne.s32 s12, $0x7700;
	s12 =	sadd.s32 $0x10, s1;
	s7 =	sadd.s32 $0x14A88, s5  }
0x350: {  	[hbm4b:s12+s3] =	stream.linear.scatter [tilespmem:s7], [sflag:$0x8], $0x80, $0x38;
	[tilespmem:$0x16C00] =	vst v63  }
0x351: {  	s7 =	sadd.s32 $0x14B10, s5;
	s12 =	sadd.s32 $0x20, s1  }
0x352: {  	[hbm4b:s12+s3] =	stream.linear.scatter [tilespmem:s7], [sflag:$0x8], $0x80, $0x38;
	[tilespmem:$0x16C00] =	vst v63  }
0x353: {  	s7 =	sadd.s32 $0x14B98, s5;
	s12 =	sadd.s32 $0x30, s1  }
0x354: {  	[hbm4b:s12+s3] =	stream.linear.scatter [tilespmem:s7], [sflag:$0x8], $0x80, $0x38;
	[tilespmem:$0x16C00] =	vst v63  }
0x355: {  	s7 =	sadd.s32 $0x14C20, s5;
	s12 =	sadd.s32 $0x40, s1  }
0x356: {  	[hbm4b:s12+s3] =	stream.linear.scatter [tilespmem:s7], [sflag:$0x8], $0x80, $0x38;
	[tilespmem:$0x16C00] =	vst v63  }
.Ltmp9:
0x357: {  	s7 =	sadd.s32 $0x14CA8, s5;
	s12 =	sadd.s32 $0x50, s1;
	(pc) =	sbr.rel @p0 .LBB2_17-.Ltmp9, $4  }
0x358: {  	[hbm4b:s12+s3] =	stream.linear.scatter [tilespmem:s7], [sflag:$0x8], $0x80, $0x38;
	[tilespmem:$0x16C00] =	vst v63  }
0x359: {  	s7 =	sadd.s32 $0x14D30, s5;
	s12 =	sadd.s32 $0x60, s1;
	s5 =	sadd.s32 $0x14DB8, s5  }
0x35a: {  	[hbm4b:s12+s3] =	stream.linear.scatter [tilespmem:s7], [sflag:$0x8], $0x80, $0x38;
	[tilespmem:$0x16C00] =	vst v63  }
0x35b: {  	s7 =	sadd.s32 $0x70, s1;
	s1 =	sadd.s32 $0x1000, s1;
	s12 =	smov.u32 s8  }
0x35c: {  	[hbm4b:s7+s3] =	stream.linear.scatter [tilespmem:s5], [sflag:$0x8], $0x80, $0x38;
	[tilespmem:$0x16C00] =	vst v63  }
0x35d: {  	s12 =	sadd.s32 $0x14A00, s0  }
0x35e: {  	[hbm4b:s1+s3] =	stream.linear.scatter [tilespmem:s12], [sflag:$0x8], $0x80, $0x38;
	[tilespmem:$0x16C00] =	vst v63  }
0x35f: {  	s14 =	sadd.s32 $0x14A88, s0;
	s31 =	sadd.s32 $0x10, s1  }
0x360: {  	[hbm4b:s31+s3] =	stream.linear.scatter [tilespmem:s14], [sflag:$0x8], $0x80, $0x38;
	[tilespmem:$0x16C00] =	vst v63  }
0x361: {  	s8 =	sadd.s32 $0x14B10, s0;
	s12 =	sadd.s32 $0x20, s1  }
0x362: {  	[hbm4b:s12+s3] =	stream.linear.scatter [tilespmem:s8], [sflag:$0x8], $0x80, $0x38;
	[tilespmem:$0x16C00] =	vst v63  }
0x363: {  	s14 =	sadd.s32 $0x14B98, s0;
	s31 =	sadd.s32 $0x30, s1  }
0x364: {  	[hbm4b:s31+s3] =	stream.linear.scatter [tilespmem:s14], [sflag:$0x8], $0x80, $0x38;
	[tilespmem:$0x16C00] =	vst v63  }
0x365: {  	s8 =	sadd.s32 $0x14C20, s0;
	s12 =	sadd.s32 $0x40, s1  }
0x366: {  	[hbm4b:s12+s3] =	stream.linear.scatter [tilespmem:s8], [sflag:$0x8], $0x80, $0x38;
	[tilespmem:$0x16C00] =	vst v63  }
0x367: {  	s14 =	sadd.s32 $0x14CA8, s0;
	s31 =	sadd.s32 $0x50, s1  }
0x368: {  	[hbm4b:s31+s3] =	stream.linear.scatter [tilespmem:s14], [sflag:$0x8], $0x80, $0x38;
	[tilespmem:$0x16C00] =	vst v63  }
.Ltmp10:
0x369: {  	_ = 	snop;
	(pc) =	sbr.rel @p1 .LBB2_20-.Ltmp10, $4  }
0x36a: {  	s8 =	sadd.s32 $0x14D30, s0;
	s12 =	sadd.s32 $0x60, s1  }
0x36b: {  	[hbm4b:s12+s3] =	stream.linear.scatter [tilespmem:s8], [sflag:$0x8], $0x80, $0x38;
	[tilespmem:$0x16C00] =	vst v63  }
0x36c: {  	s14 =	sadd.s32 $0x14DB8, s0;
	s31 =	sadd.s32 $0x70, s1  }
0x36d: {  	[hbm4b:s31+s3] =	stream.linear.scatter [tilespmem:s14], [sflag:$0x8], $0x80, $0x38;
	[tilespmem:$0x16C00] =	vst v63  }
.Ltmp11:
0x36e: {  	(pc) =	sbr.rel .LBB2_2-.Ltmp11, $4  }
0x36f: {  	s0 =	sshll.u32 s30, $0x9  }
0x370: {  	s0 =	sand.u32 $0x3FFFFE00, s0  }
0x371: {  	s30 =	sadd.s32 $0x1, s30;
	s0 =	sadd.s32 $0x380, s0  }
0x372: {  	[tilespmem:s15], [sflag:$0x4] =	stream.indirect.gather [hbm4b:s4+s9], $0x40, s0, s9, $0xb8;
	[tilespmem:$0x16C00] =	vst v63  }
.LBB2_21:
0x373: {  	_ =	sfence.sel $0x180000  }
0x374: {  	[bflag:$0x0] =	sbarrier.arrive $0xFFFF  }
0x375: {  	_ =	strace $0x90000047  }
0x376: {  	s0 =	stileid.u32;
	[bflag:$0x2] =	sbarrier.arrive $0xFFFF  }
0x377: {  	p0 =	sne.s32 s0, $0x0;
	s0 =	rddreg [dreg:$0x3]  }
0x378: {  	s0 =	sadd.s32 @!p0 $0x100000, s0  }
0x379: {  	[sflag:s0] =	ssyncadd.tile.s32 @!p0 $0x1;
	_ =	shalt  }
.Lfunc_end2:
_tile_overlayer_lowered:
.L_overlay_start_2:
0x37a: {  	(tag) =	ssettag $0x2  }
0x37b: {  	s0 =	rddreg [dreg:$0x0];
	s2 =	stileid.u32  }
0x37c: {  	s1 =	rddreg [dreg:$0x1];
	p0 =	sne.s32 s2, $0x0  }
0x37d: {  	s3 =	rddreg [dreg:$0x2];
	[bflag:$0x3] =	sbarrier.arrive $0xFFFF;
	s2 =	simm.s32 @!p0 $0x1C09  }
0x37e: {  	[timem:s3], [sflag:s2] =	dma.local @!p0 [hbm:s0], s1  }
0x37f: {  	s0 =	simm.s32 @!p0 $0x9  }
0x380: {  	_ =	swait.ge @!p0 [sflag:s0], s1  }
0x381: {  	s1 =	ssub.s32 @!p0 $0x0, s1;
	[sflag:s0] =	ssyncset.done @!p0 $0x0  }
0x382: {  	[sflag:s0] =	ssyncadd.s32 @!p0 s1  }
0x383: {  	[bflag:$0x3] =	sbarrier.arrive $0xFFFF  }
0x384: {  	_ =	shalt  }

</sc_bundles>
